<compile_context>
chip_gen: v7x
topology: tpu7x:2x2x1
jax: 0.10.2.dev20260603
libtpu: 0.0.44.dev20260713+nightly
codegen_flags: <defaults>
</compile_context>

<pallas_src>
import functools

import jax
import jax.numpy as jnp
from jax import lax
from jax.experimental import pallas as pl
from jax.experimental.pallas import tpu as pltpu
from jax.experimental.pallas import tpu_sc as plsc

_V = 1000
_D = 64
_B = 1024
_T = 50
_C = 16


def _table_body(embed_ref, head_ref, out_ref):
    out_ref[...] = lax.dot_general(
        embed_ref[...], head_ref[...],
        dimension_numbers=(((1,), (1,)), ((), ())),
        preferred_element_type=jnp.float32,
    )


def _make_logits_table(embed_table, head_w):
    return pl.pallas_call(
        _table_body,
        out_shape=jax.ShapeDtypeStruct((_V, _V), jnp.float32),
    )(embed_table, head_w)


def _gather_transpose(table, idx_t):
    info = plsc.get_sparse_core_info()
    nc, ns = info.num_cores, info.num_subcores
    nw = nc * ns
    n_chunks = _T * (_B // _C)
    cpw = n_chunks // nw
    hpt = _B // _C
    hpb = 128 // _C

    mesh = plsc.VectorSubcoreMesh(core_axis_name="c", subcore_axis_name="s")

    @functools.partial(
        pl.kernel,
        out_type=jax.ShapeDtypeStruct((_T, _V // 8, 8, 8, 128), jnp.float32),
        mesh=mesh,
        compiler_params=pltpu.CompilerParams(use_tc_tiling_on_sc=False,
                                             needs_layout_passes=False),
        scratch_types=[
            pltpu.VMEM((2, _C), jnp.int32),
            pltpu.VMEM((2, _C, _V), jnp.float32),
            pltpu.VMEM((2, _V // 8, 8, _C), jnp.float32),
            pltpu.SemaphoreType.DMA,
            pltpu.SemaphoreType.DMA,
        ],
    )
    def k(table_hbm, idx_hbm, out_hbm, idx2, gbuf2, tbuf2, gsem, wsem):
        c = lax.axis_index("c")
        s = lax.axis_index("s")
        wid = s * nc + c
        c0 = wid * cpw

        lane16 = lax.iota(jnp.int32, _C)

        def coords(i):
            g = c0 + i
            t = lax.div(g, hpt)
            r = lax.rem(g, hpt)
            tb = lax.div(r, hpb)
            h = lax.rem(r, hpb)
            return t, tb, h

        def gather(i, p):
            t, tb, h = coords(i)
            pltpu.sync_copy(idx_hbm.at[t, pl.ds(128 * tb + _C * h, _C)],
                            idx2.at[p])
            pltpu.async_copy(table_hbm.at[idx2.at[p]], gbuf2.at[p], gsem)

        def wait_gather(p):
            pltpu.make_async_copy(table_hbm.at[pl.ds(0, _C)], gbuf2.at[p],
                                  gsem).wait()

        def transpose(p):
            def _body(tv, carry):
                for sub in range(8):
                    v = jnp.full((_C,), 8 * tv + sub, dtype=jnp.int32)
                    vec = plsc.load_gather(gbuf2.at[p], [lane16, v])
                    tbuf2[p, tv, sub, :] = vec
                return carry

            lax.fori_loop(0, _V // 8, _body, 0, unroll=5)

        def write(i, p):
            t, tb, h = coords(i)
            pltpu.async_copy(tbuf2.at[p],
                             out_hbm.at[t, :, tb, :, pl.ds(_C * h, _C)], wsem)

        def wait_write(i, p):
            t, tb, h = coords(i)
            pltpu.make_async_copy(tbuf2.at[p],
                                  out_hbm.at[t, :, tb, :, pl.ds(_C * h, _C)],
                                  wsem).wait()

        gather(0, 0)
        gather(1, 1)
        wait_gather(0)
        transpose(0)
        write(0, 0)

        def body(i, carry):
            p = lax.rem(i, 2)
            q = 1 - p

            @pl.when(i <= cpw - 1)
            def _():
                gather(i, p)

            wait_gather(q)

            @pl.when(i >= 3)
            def _():
                wait_write(i - 3, q)

            transpose(q)
            write(i - 1, q)
            return carry

        lax.fori_loop(2, cpw + 1, body, 0)

        wait_write(cpw - 2, lax.rem(cpw - 2, 2))
        wait_write(cpw - 1, lax.rem(cpw - 1, 2))

    return k(table, idx_t)


def kernel(input_ids, embed_table, head_w):
    table = _make_logits_table(embed_table, head_w)
    idx_t = input_ids.astype(jnp.int32).T
    out5 = _gather_transpose(table, idx_t)
    y = out5.transpose(0, 1, 3, 2, 4).reshape(_T, _V, _B)
    return y.transpose(2, 0, 1)

# --- scband reference (transcript-rebuilt; emitter-appended) ---
"""Pipeline reference for scband-mock-model-7206955123062 (READ-ONLY COPY).

The authoritative reference and input builder live on the scoring server;
editing this copy changes nothing except your own understanding.
"""

import jax, jax.numpy as jnp
import numpy as np

VOCAB = 1000
D_MODEL = 64
BATCH = 1024
SEQ = 50

def setup_inputs(seed: int = 0) -> dict:
    key = jax.random.key(seed)
    k1, k2, k3 = jax.random.split(key, 3)
    input_ids = jax.random.randint(k1, (BATCH, SEQ), 0, VOCAB, dtype=jnp.int64 if jax.config.jax_enable_x64 else jnp.int32)
    # learned params: embedding table and linear head weight (torch Linear weight is [out, in] = [vocab, d_model])
    embed_table = jax.random.normal(k2, (VOCAB, D_MODEL), dtype=jnp.float32)
    head_w = jax.random.normal(k3, (VOCAB, D_MODEL), dtype=jnp.float32) * (1.0 / np.sqrt(D_MODEL))
    return {"input_ids": input_ids, "embed_table": embed_table, "head_w": head_w}

def reference(input_ids, embed_table, head_w):
    # embedding lookup -> gather rows
    x = jnp.take(embed_table, input_ids, axis=0)  # [B, T, d_model]
    # linear head without bias: x @ W^T -> [B, T, vocab]
    logits = jnp.einsum('btd,vd->btv', x, head_w)
    return logits

if __name__ == "__main__":
    import jax
    _d = setup_inputs()
    print(jax.jit(kernel)(*tuple(_d.values())))

</pallas_src>

<mosaic_0001>
#map = affine_map<(d0, d1) -> (0, 0)>
#map1 = affine_map<(d0, d1) -> (0, 0, 0, 0, 0)>
module attributes {stable_mosaic.version = 14 : i64} {
  func.func @k(%arg0: i32, %arg1: i32, %arg2: memref<1000x1000xf32, #tpu.memory_space<hbm>>, %arg3: memref<50x1024xi32, #tpu.memory_space<hbm>>, %arg4: memref<50x125x8x8x128xf32, #tpu.memory_space<hbm>>, %arg5: memref<2x16xi32, #tpu.memory_space<vmem>>, %arg6: memref<2x16x1000xf32, #tpu.memory_space<vmem>>, %arg7: memref<2x125x8x16xf32, #tpu.memory_space<vmem>>, %arg8: memref<!tpu.dma_semaphore, #tpu.memory_space<semaphore_mem>>, %arg9: memref<!tpu.dma_semaphore, #tpu.memory_space<semaphore_mem>>) attributes {dimension_semantics = [#tpu.dimension_semantics<core_parallel>, #tpu.dimension_semantics<subcore_parallel>], iteration_bounds = array<i64: 2, 16>, scalar_prefetch = 0 : i64, scratch_operands = 5 : i64, tpu.core_type = #tpu.core_type<sc_vector_subcore>, window_params = [{transform_indices = #map}, {transform_indices = #map}, {transform_indices = #map1}]} {
    %mul3A = arith.constant 2 : i32
    %mul3A_0 = arith.muli %arg1, %mul3A : i32
    %add3A = arith.addi %mul3A_0, %arg0 : i32
    %mul3A_1 = arith.constant 100 : i32
    %mul3A_2 = arith.muli %add3A, %mul3A_1 : i32
    %iota3A = tpu.iota {dimensions = array<i32: 0>} : vector<16xi32>
    %add3A_3 = arith.constant 0 : i32
    %add3A_4 = arith.addi %mul3A_2, %add3A_3 : i32
    %div3A = arith.constant 64 : i32
    %div3A_5 = arith.divsi %add3A_4, %div3A : i32
    %rem3A = arith.constant 64 : i32
    %rem3A_6 = arith.remsi %add3A_4, %rem3A : i32
    %div3A_7 = arith.constant 8 : i32
    %div3A_8 = arith.divsi %rem3A_6, %div3A_7 : i32
    %rem3A_9 = arith.constant 8 : i32
    %rem3A_10 = arith.remsi %rem3A_6, %rem3A_9 : i32
    %mul3A_11 = arith.constant 128 : i32
    %mul3A_12 = arith.muli %mul3A_11, %div3A_8 : i32
    %mul3A_13 = arith.constant 16 : i32
    %mul3A_14 = arith.muli %mul3A_13, %rem3A_10 : i32
    %add3A_15 = arith.addi %mul3A_12, %mul3A_14 : i32
    %run_scoped3A = arith.constant 0 : i32
    "tpu.region"() ({
      %run_scoped3A_177 = tpu.sem_alloc : memref<!tpu.dma_semaphore, #tpu.memory_space<semaphore_mem>>
      %dma_start3A_178 = arith.constant 0 : i32
      %dma_start3A_179 = tpu.memref_slice %arg5[%run_scoped3A, %dma_start3A_178] : memref<2x16xi32, #tpu.memory_space<vmem>> -> memref<1x16xi32, #tpu.memory_space<vmem>>
      %dma_start3A_180 = tpu.memref_squeeze %dma_start3A_179 : memref<1x16xi32, #tpu.memory_space<vmem>> -> memref<16xi32, #tpu.memory_space<vmem>>
      %dma_start3A_181 = tpu.memref_slice %arg3[%div3A_5, %add3A_15] : memref<50x1024xi32, #tpu.memory_space<hbm>> -> memref<1x16xi32, #tpu.memory_space<hbm>>
      %dma_start3A_182 = tpu.memref_squeeze %dma_start3A_181 : memref<1x16xi32, #tpu.memory_space<hbm>> -> memref<16xi32, #tpu.memory_space<hbm>>
      %dma_start3A_183 = arith.constant 0 : i32
      %dma_start3A_184 = tpu.memref_slice %arg5[%run_scoped3A, %dma_start3A_183] : memref<2x16xi32, #tpu.memory_space<vmem>> -> memref<1x16xi32, #tpu.memory_space<vmem>>
      %dma_start3A_185 = tpu.memref_squeeze %dma_start3A_184 : memref<1x16xi32, #tpu.memory_space<vmem>> -> memref<16xi32, #tpu.memory_space<vmem>>
      %dma_start3A_186 = tpu.memref_slice %arg3[%div3A_5, %add3A_15] : memref<50x1024xi32, #tpu.memory_space<hbm>> -> memref<1x16xi32, #tpu.memory_space<hbm>>
      %dma_start3A_187 = tpu.memref_squeeze %dma_start3A_186 : memref<1x16xi32, #tpu.memory_space<hbm>> -> memref<16xi32, #tpu.memory_space<hbm>>
      tpu.enqueue_dma source(%dma_start3A_187 : memref<16xi32, #tpu.memory_space<hbm>>) target(%dma_start3A_185 : memref<16xi32, #tpu.memory_space<vmem>>) target_semaphore(%run_scoped3A_177 : memref<!tpu.dma_semaphore, #tpu.memory_space<semaphore_mem>>)
      %dma_wait3A_188 = arith.constant 0 : i32
      %dma_wait3A_189 = tpu.memref_slice %arg5[%run_scoped3A, %dma_wait3A_188] : memref<2x16xi32, #tpu.memory_space<vmem>> -> memref<1x16xi32, #tpu.memory_space<vmem>>
      %dma_wait3A_190 = tpu.memref_squeeze %dma_wait3A_189 : memref<1x16xi32, #tpu.memory_space<vmem>> -> memref<16xi32, #tpu.memory_space<vmem>>
      %dma_wait3A_191 = tpu.memref_slice %arg3[%div3A_5, %add3A_15] : memref<50x1024xi32, #tpu.memory_space<hbm>> -> memref<1x16xi32, #tpu.memory_space<hbm>>
      %dma_wait3A_192 = tpu.memref_squeeze %dma_wait3A_191 : memref<1x16xi32, #tpu.memory_space<hbm>> -> memref<16xi32, #tpu.memory_space<hbm>>
      %dma_wait3A_193 = arith.constant 0 : i32
      %dma_wait3A_194 = tpu.memref_slice %arg5[%run_scoped3A, %dma_wait3A_193] : memref<2x16xi32, #tpu.memory_space<vmem>> -> memref<1x16xi32, #tpu.memory_space<vmem>>
      %dma_wait3A_195 = tpu.memref_squeeze %dma_wait3A_194 : memref<1x16xi32, #tpu.memory_space<vmem>> -> memref<16xi32, #tpu.memory_space<vmem>>
      %dma_wait3A_196 = tpu.memref_slice %arg3[%div3A_5, %add3A_15] : memref<50x1024xi32, #tpu.memory_space<hbm>> -> memref<1x16xi32, #tpu.memory_space<hbm>>
      %dma_wait3A_197 = tpu.memref_squeeze %dma_wait3A_196 : memref<1x16xi32, #tpu.memory_space<hbm>> -> memref<16xi32, #tpu.memory_space<hbm>>
      tpu.wait_dma2 semaphore(%run_scoped3A_177 : memref<!tpu.dma_semaphore, #tpu.memory_space<semaphore_mem>>) src(%dma_wait3A_197 : memref<16xi32, #tpu.memory_space<hbm>>) dst(%dma_wait3A_195 : memref<16xi32, #tpu.memory_space<vmem>>)
      tpu.yield
    }) : () -> ()
    %dma_start3A = arith.constant 0 : i32
    %dma_start3A_16 = arith.constant 0 : i32
    %dma_start3A_17 = arith.constant 0 : i32
    %dma_start3A_18 = arith.constant 0 : i32
    %dma_start3A_19 = tpu.memref_slice %arg6[%dma_start3A_16, %dma_start3A_17, %dma_start3A_18] : memref<2x16x1000xf32, #tpu.memory_space<vmem>> -> memref<1x16x1000xf32, #tpu.memory_space<vmem>>
    %dma_start3A_20 = tpu.memref_squeeze %dma_start3A_19 : memref<1x16x1000xf32, #tpu.memory_space<vmem>> -> memref<16x1000xf32, #tpu.memory_space<vmem>>
    %dma_start3A_21 = arith.constant 0 : i32
    %dma_start3A_22 = tpu.memref_slice %arg5[%dma_start3A, %dma_start3A_21] : memref<2x16xi32, #tpu.memory_space<vmem>> -> memref<1x16xi32, #tpu.memory_space<vmem>>
    %dma_start3A_23 = tpu.memref_squeeze %dma_start3A_22 : memref<1x16xi32, #tpu.memory_space<vmem>> -> memref<16xi32, #tpu.memory_space<vmem>>
    %dma_start3A_24 = arith.constant 0 : i32
    %dma_start3A_25 = arith.constant 0 : i32
    %dma_start3A_26 = tpu.memref_slice %arg2[%dma_start3A_24, %dma_start3A_25] : memref<1000x1000xf32, #tpu.memory_space<hbm>> -> memref<1000x1000xf32, #tpu.memory_space<hbm>>
    tpu.enqueue_indirect_dma source(%dma_start3A_26 : memref<1000x1000xf32, #tpu.memory_space<hbm>>) target(%dma_start3A_20 : memref<16x1000xf32, #tpu.memory_space<vmem>>) offsets(%dma_start3A_23 : memref<16xi32, #tpu.memory_space<vmem>>) semaphore(%arg8 : memref<!tpu.dma_semaphore, #tpu.memory_space<semaphore_mem>>)
    %add3A_27 = arith.constant 1 : i32
    %add3A_28 = arith.addi %mul3A_2, %add3A_27 : i32
    %div3A_29 = arith.constant 64 : i32
    %div3A_30 = arith.divsi %add3A_28, %div3A_29 : i32
    %rem3A_31 = arith.constant 64 : i32
    %rem3A_32 = arith.remsi %add3A_28, %rem3A_31 : i32
    %div3A_33 = arith.constant 8 : i32
    %div3A_34 = arith.divsi %rem3A_32, %div3A_33 : i32
    %rem3A_35 = arith.constant 8 : i32
    %rem3A_36 = arith.remsi %rem3A_32, %rem3A_35 : i32
    %mul3A_37 = arith.constant 128 : i32
    %mul3A_38 = arith.muli %mul3A_37, %div3A_34 : i32
    %mul3A_39 = arith.constant 16 : i32
    %mul3A_40 = arith.muli %mul3A_39, %rem3A_36 : i32
    %add3A_41 = arith.addi %mul3A_38, %mul3A_40 : i32
    %run_scoped3A_42 = arith.constant 1 : i32
    "tpu.region"() ({
      %run_scoped3A_177 = tpu.sem_alloc : memref<!tpu.dma_semaphore, #tpu.memory_space<semaphore_mem>>
      %dma_start3A_178 = arith.constant 0 : i32
      %dma_start3A_179 = tpu.memref_slice %arg5[%run_scoped3A_42, %dma_start3A_178] : memref<2x16xi32, #tpu.memory_space<vmem>> -> memref<1x16xi32, #tpu.memory_space<vmem>>
      %dma_start3A_180 = tpu.memref_squeeze %dma_start3A_179 : memref<1x16xi32, #tpu.memory_space<vmem>> -> memref<16xi32, #tpu.memory_space<vmem>>
      %dma_start3A_181 = tpu.memref_slice %arg3[%div3A_30, %add3A_41] : memref<50x1024xi32, #tpu.memory_space<hbm>> -> memref<1x16xi32, #tpu.memory_space<hbm>>
      %dma_start3A_182 = tpu.memref_squeeze %dma_start3A_181 : memref<1x16xi32, #tpu.memory_space<hbm>> -> memref<16xi32, #tpu.memory_space<hbm>>
      %dma_start3A_183 = arith.constant 0 : i32
      %dma_start3A_184 = tpu.memref_slice %arg5[%run_scoped3A_42, %dma_start3A_183] : memref<2x16xi32, #tpu.memory_space<vmem>> -> memref<1x16xi32, #tpu.memory_space<vmem>>
      %dma_start3A_185 = tpu.memref_squeeze %dma_start3A_184 : memref<1x16xi32, #tpu.memory_space<vmem>> -> memref<16xi32, #tpu.memory_space<vmem>>
      %dma_start3A_186 = tpu.memref_slice %arg3[%div3A_30, %add3A_41] : memref<50x1024xi32, #tpu.memory_space<hbm>> -> memref<1x16xi32, #tpu.memory_space<hbm>>
      %dma_start3A_187 = tpu.memref_squeeze %dma_start3A_186 : memref<1x16xi32, #tpu.memory_space<hbm>> -> memref<16xi32, #tpu.memory_space<hbm>>
      tpu.enqueue_dma source(%dma_start3A_187 : memref<16xi32, #tpu.memory_space<hbm>>) target(%dma_start3A_185 : memref<16xi32, #tpu.memory_space<vmem>>) target_semaphore(%run_scoped3A_177 : memref<!tpu.dma_semaphore, #tpu.memory_space<semaphore_mem>>)
      %dma_wait3A_188 = arith.constant 0 : i32
      %dma_wait3A_189 = tpu.memref_slice %arg5[%run_scoped3A_42, %dma_wait3A_188] : memref<2x16xi32, #tpu.memory_space<vmem>> -> memref<1x16xi32, #tpu.memory_space<vmem>>
      %dma_wait3A_190 = tpu.memref_squeeze %dma_wait3A_189 : memref<1x16xi32, #tpu.memory_space<vmem>> -> memref<16xi32, #tpu.memory_space<vmem>>
      %dma_wait3A_191 = tpu.memref_slice %arg3[%div3A_30, %add3A_41] : memref<50x1024xi32, #tpu.memory_space<hbm>> -> memref<1x16xi32, #tpu.memory_space<hbm>>
      %dma_wait3A_192 = tpu.memref_squeeze %dma_wait3A_191 : memref<1x16xi32, #tpu.memory_space<hbm>> -> memref<16xi32, #tpu.memory_space<hbm>>
      %dma_wait3A_193 = arith.constant 0 : i32
      %dma_wait3A_194 = tpu.memref_slice %arg5[%run_scoped3A_42, %dma_wait3A_193] : memref<2x16xi32, #tpu.memory_space<vmem>> -> memref<1x16xi32, #tpu.memory_space<vmem>>
      %dma_wait3A_195 = tpu.memref_squeeze %dma_wait3A_194 : memref<1x16xi32, #tpu.memory_space<vmem>> -> memref<16xi32, #tpu.memory_space<vmem>>
      %dma_wait3A_196 = tpu.memref_slice %arg3[%div3A_30, %add3A_41] : memref<50x1024xi32, #tpu.memory_space<hbm>> -> memref<1x16xi32, #tpu.memory_space<hbm>>
      %dma_wait3A_197 = tpu.memref_squeeze %dma_wait3A_196 : memref<1x16xi32, #tpu.memory_space<hbm>> -> memref<16xi32, #tpu.memory_space<hbm>>
      tpu.wait_dma2 semaphore(%run_scoped3A_177 : memref<!tpu.dma_semaphore, #tpu.memory_space<semaphore_mem>>) src(%dma_wait3A_197 : memref<16xi32, #tpu.memory_space<hbm>>) dst(%dma_wait3A_195 : memref<16xi32, #tpu.memory_space<vmem>>)
      tpu.yield
    }) : () -> ()
    %dma_start3A_43 = arith.constant 1 : i32
    %dma_start3A_44 = arith.constant 1 : i32
    %dma_start3A_45 = arith.constant 0 : i32
    %dma_start3A_46 = arith.constant 0 : i32
    %dma_start3A_47 = tpu.memref_slice %arg6[%dma_start3A_44, %dma_start3A_45, %dma_start3A_46] : memref<2x16x1000xf32, #tpu.memory_space<vmem>> -> memref<1x16x1000xf32, #tpu.memory_space<vmem>>
    %dma_start3A_48 = tpu.memref_squeeze %dma_start3A_47 : memref<1x16x1000xf32, #tpu.memory_space<vmem>> -> memref<16x1000xf32, #tpu.memory_space<vmem>>
    %dma_start3A_49 = arith.constant 0 : i32
    %dma_start3A_50 = tpu.memref_slice %arg5[%dma_start3A_43, %dma_start3A_49] : memref<2x16xi32, #tpu.memory_space<vmem>> -> memref<1x16xi32, #tpu.memory_space<vmem>>
    %dma_start3A_51 = tpu.memref_squeeze %dma_start3A_50 : memref<1x16xi32, #tpu.memory_space<vmem>> -> memref<16xi32, #tpu.memory_space<vmem>>
    %dma_start3A_52 = arith.constant 0 : i32
    %dma_start3A_53 = arith.constant 0 : i32
    %dma_start3A_54 = tpu.memref_slice %arg2[%dma_start3A_52, %dma_start3A_53] : memref<1000x1000xf32, #tpu.memory_space<hbm>> -> memref<1000x1000xf32, #tpu.memory_space<hbm>>
    tpu.enqueue_indirect_dma source(%dma_start3A_54 : memref<1000x1000xf32, #tpu.memory_space<hbm>>) target(%dma_start3A_48 : memref<16x1000xf32, #tpu.memory_space<vmem>>) offsets(%dma_start3A_51 : memref<16xi32, #tpu.memory_space<vmem>>) semaphore(%arg8 : memref<!tpu.dma_semaphore, #tpu.memory_space<semaphore_mem>>)
    %dma_wait3A = arith.constant 0 : i32
    %dma_wait3A_55 = arith.constant 0 : i32
    %dma_wait3A_56 = arith.constant 0 : i32
    %dma_wait3A_57 = tpu.memref_slice %arg6[%dma_wait3A, %dma_wait3A_55, %dma_wait3A_56] : memref<2x16x1000xf32, #tpu.memory_space<vmem>> -> memref<1x16x1000xf32, #tpu.memory_space<vmem>>
    %dma_wait3A_58 = tpu.memref_squeeze %dma_wait3A_57 : memref<1x16x1000xf32, #tpu.memory_space<vmem>> -> memref<16x1000xf32, #tpu.memory_space<vmem>>
    %dma_wait3A_59 = arith.constant 0 : i32
    %dma_wait3A_60 = arith.constant 0 : i32
    %dma_wait3A_61 = tpu.memref_slice %arg2[%dma_wait3A_59, %dma_wait3A_60] : memref<1000x1000xf32, #tpu.memory_space<hbm>> -> memref<16x1000xf32, #tpu.memory_space<hbm>>
    %dma_wait3A_62 = arith.constant 0 : i32
    %dma_wait3A_63 = arith.constant 0 : i32
    %dma_wait3A_64 = tpu.memref_slice %arg6[%dma_wait3A, %dma_wait3A_62, %dma_wait3A_63] : memref<2x16x1000xf32, #tpu.memory_space<vmem>> -> memref<1x16x1000xf32, #tpu.memory_space<vmem>>
    %dma_wait3A_65 = tpu.memref_squeeze %dma_wait3A_64 : memref<1x16x1000xf32, #tpu.memory_space<vmem>> -> memref<16x1000xf32, #tpu.memory_space<vmem>>
    %dma_wait3A_66 = arith.constant 0 : i32
    %dma_wait3A_67 = arith.constant 0 : i32
    %dma_wait3A_68 = tpu.memref_slice %arg2[%dma_wait3A_66, %dma_wait3A_67] : memref<1000x1000xf32, #tpu.memory_space<hbm>> -> memref<16x1000xf32, #tpu.memory_space<hbm>>
    tpu.wait_dma2 semaphore(%arg8 : memref<!tpu.dma_semaphore, #tpu.memory_space<semaphore_mem>>) src(%dma_wait3A_68 : memref<16x1000xf32, #tpu.memory_space<hbm>>) dst(%dma_wait3A_65 : memref<16x1000xf32, #tpu.memory_space<vmem>>)
    %scan3A = arith.constant 0 : i32
    %scan3A_69 = arith.constant 0 : i32
    %scan3A_70 = arith.constant 125 : i32
    %scan3A_71 = arith.addi %scan3A_69, %scan3A_70 : i32
    %scan3A_72 = arith.constant 5 : i32
    scf.for %scan3A_177 = %scan3A_69 to %scan3A_71 step %scan3A_72  : i32 {
      %mul3A_178 = arith.constant 8 : i32
      %mul3A_179 = arith.muli %mul3A_178, %scan3A_177 : i32
      %add3A_180 = arith.constant 0 : i32
      %add3A_181 = arith.addi %mul3A_179, %add3A_180 : i32
      %broadcast_in_dim3A = vector.broadcast %add3A_181 : i32 to vector<16xi32>
      %gather3A = arith.constant 0 : i32
      %gather3A_182 = arith.constant 0 : i32
      %gather3A_183 = arith.constant 0 : i32
      %gather3A_184 = tpu.memref_slice %arg6[%gather3A, %gather3A_182, %gather3A_183] : memref<2x16x1000xf32, #tpu.memory_space<vmem>> -> memref<1x16x1000xf32, #tpu.memory_space<vmem>>
      %gather3A_185 = tpu.memref_squeeze %gather3A_184 : memref<1x16x1000xf32, #tpu.memory_space<vmem>> -> memref<16x1000xf32, #tpu.memory_space<vmem>>
      %gather3A_186 = tpu.vector_load_idx %gather3A_185[%iota3A, %broadcast_in_dim3A] : memref<16x1000xf32, #tpu.memory_space<vmem>>[vector<16xi32>, vector<16xi32>], vector<16xf32>,
      %swap3A = arith.constant 0 : i32
      %swap3A_187 = arith.constant 0 : i32
      %swap3A_188 = arith.index_cast %swap3A : i32 to index
      %swap3A_189 = arith.index_cast %scan3A_177 : i32 to index
      %swap3A_190 = arith.index_cast %swap3A_187 : i32 to index
      %swap3A_191 = arith.constant 0 : index
      %swap3A_192 = tpu.vector_load %arg7[%swap3A_188, %swap3A_189, %swap3A_190, %swap3A_191] {strides = array<i32>} : memref<2x125x8x16xf32, #tpu.memory_space<vmem>>, vector<16xf32>,
      tpu.vector_store %arg7[%swap3A_188, %swap3A_189, %swap3A_190, %swap3A_191], %gather3A_186 {strides = array<i32>} : memref<2x125x8x16xf32, #tpu.memory_space<vmem>>, vector<16xf32>,
      %mul3A_193 = arith.constant 8 : i32
      %mul3A_194 = arith.muli %mul3A_193, %scan3A_177 : i32
      %add3A_195 = arith.constant 1 : i32
      %add3A_196 = arith.addi %mul3A_194, %add3A_195 : i32
      %broadcast_in_dim3A_197 = vector.broadcast %add3A_196 : i32 to vector<16xi32>
      %gather3A_198 = arith.constant 0 : i32
      %gather3A_199 = arith.constant 0 : i32
      %gather3A_200 = arith.constant 0 : i32
      %gather3A_201 = tpu.memref_slice %arg6[%gather3A_198, %gather3A_199, %gather3A_200] : memref<2x16x1000xf32, #tpu.memory_space<vmem>> -> memref<1x16x1000xf32, #tpu.memory_space<vmem>>
      %gather3A_202 = tpu.memref_squeeze %gather3A_201 : memref<1x16x1000xf32, #tpu.memory_space<vmem>> -> memref<16x1000xf32, #tpu.memory_space<vmem>>
      %gather3A_203 = tpu.vector_load_idx %gather3A_202[%iota3A, %broadcast_in_dim3A_197] : memref<16x1000xf32, #tpu.memory_space<vmem>>[vector<16xi32>, vector<16xi32>], vector<16xf32>,
      %swap3A_204 = arith.constant 0 : i32
      %swap3A_205 = arith.constant 1 : i32
      %swap3A_206 = arith.index_cast %swap3A_204 : i32 to index
      %swap3A_207 = arith.index_cast %scan3A_177 : i32 to index
      %swap3A_208 = arith.index_cast %swap3A_205 : i32 to index
      %swap3A_209 = arith.constant 0 : index
      %swap3A_210 = tpu.vector_load %arg7[%swap3A_206, %swap3A_207, %swap3A_208, %swap3A_209] {strides = array<i32>} : memref<2x125x8x16xf32, #tpu.memory_space<vmem>>, vector<16xf32>,
      tpu.vector_store %arg7[%swap3A_206, %swap3A_207, %swap3A_208, %swap3A_209], %gather3A_203 {strides = array<i32>} : memref<2x125x8x16xf32, #tpu.memory_space<vmem>>, vector<16xf32>,
      %mul3A_211 = arith.constant 8 : i32
      %mul3A_212 = arith.muli %mul3A_211, %scan3A_177 : i32
      %add3A_213 = arith.constant 2 : i32
      %add3A_214 = arith.addi %mul3A_212, %add3A_213 : i32
      %broadcast_in_dim3A_215 = vector.broadcast %add3A_214 : i32 to vector<16xi32>
      %gather3A_216 = arith.constant 0 : i32
      %gather3A_217 = arith.constant 0 : i32
      %gather3A_218 = arith.constant 0 : i32
      %gather3A_219 = tpu.memref_slice %arg6[%gather3A_216, %gather3A_217, %gather3A_218] : memref<2x16x1000xf32, #tpu.memory_space<vmem>> -> memref<1x16x1000xf32, #tpu.memory_space<vmem>>
      %gather3A_220 = tpu.memref_squeeze %gather3A_219 : memref<1x16x1000xf32, #tpu.memory_space<vmem>> -> memref<16x1000xf32, #tpu.memory_space<vmem>>
      %gather3A_221 = tpu.vector_load_idx %gather3A_220[%iota3A, %broadcast_in_dim3A_215] : memref<16x1000xf32, #tpu.memory_space<vmem>>[vector<16xi32>, vector<16xi32>], vector<16xf32>,
      %swap3A_222 = arith.constant 0 : i32
      %swap3A_223 = arith.constant 2 : i32
      %swap3A_224 = arith.index_cast %swap3A_222 : i32 to index
      %swap3A_225 = arith.index_cast %scan3A_177 : i32 to index
      %swap3A_226 = arith.index_cast %swap3A_223 : i32 to index
      %swap3A_227 = arith.constant 0 : index
      %swap3A_228 = tpu.vector_load %arg7[%swap3A_224, %swap3A_225, %swap3A_226, %swap3A_227] {strides = array<i32>} : memref<2x125x8x16xf32, #tpu.memory_space<vmem>>, vector<16xf32>,
      tpu.vector_store %arg7[%swap3A_224, %swap3A_225, %swap3A_226, %swap3A_227], %gather3A_221 {strides = array<i32>} : memref<2x125x8x16xf32, #tpu.memory_space<vmem>>, vector<16xf32>,
      %mul3A_229 = arith.constant 8 : i32
      %mul3A_230 = arith.muli %mul3A_229, %scan3A_177 : i32
      %add3A_231 = arith.constant 3 : i32
      %add3A_232 = arith.addi %mul3A_230, %add3A_231 : i32
      %broadcast_in_dim3A_233 = vector.broadcast %add3A_232 : i32 to vector<16xi32>
      %gather3A_234 = arith.constant 0 : i32
      %gather3A_235 = arith.constant 0 : i32
      %gather3A_236 = arith.constant 0 : i32
      %gather3A_237 = tpu.memref_slice %arg6[%gather3A_234, %gather3A_235, %gather3A_236] : memref<2x16x1000xf32, #tpu.memory_space<vmem>> -> memref<1x16x1000xf32, #tpu.memory_space<vmem>>
      %gather3A_238 = tpu.memref_squeeze %gather3A_237 : memref<1x16x1000xf32, #tpu.memory_space<vmem>> -> memref<16x1000xf32, #tpu.memory_space<vmem>>
      %gather3A_239 = tpu.vector_load_idx %gather3A_238[%iota3A, %broadcast_in_dim3A_233] : memref<16x1000xf32, #tpu.memory_space<vmem>>[vector<16xi32>, vector<16xi32>], vector<16xf32>,
      %swap3A_240 = arith.constant 0 : i32
      %swap3A_241 = arith.constant 3 : i32
      %swap3A_242 = arith.index_cast %swap3A_240 : i32 to index
      %swap3A_243 = arith.index_cast %scan3A_177 : i32 to index
      %swap3A_244 = arith.index_cast %swap3A_241 : i32 to index
      %swap3A_245 = arith.constant 0 : index
      %swap3A_246 = tpu.vector_load %arg7[%swap3A_242, %swap3A_243, %swap3A_244, %swap3A_245] {strides = array<i32>} : memref<2x125x8x16xf32, #tpu.memory_space<vmem>>, vector<16xf32>,
      tpu.vector_store %arg7[%swap3A_242, %swap3A_243, %swap3A_244, %swap3A_245], %gather3A_239 {strides = array<i32>} : memref<2x125x8x16xf32, #tpu.memory_space<vmem>>, vector<16xf32>,
      %mul3A_247 = arith.constant 8 : i32
      %mul3A_248 = arith.muli %mul3A_247, %scan3A_177 : i32
      %add3A_249 = arith.constant 4 : i32
      %add3A_250 = arith.addi %mul3A_248, %add3A_249 : i32
      %broadcast_in_dim3A_251 = vector.broadcast %add3A_250 : i32 to vector<16xi32>
      %gather3A_252 = arith.constant 0 : i32
      %gather3A_253 = arith.constant 0 : i32
      %gather3A_254 = arith.constant 0 : i32
      %gather3A_255 = tpu.memref_slice %arg6[%gather3A_252, %gather3A_253, %gather3A_254] : memref<2x16x1000xf32, #tpu.memory_space<vmem>> -> memref<1x16x1000xf32, #tpu.memory_space<vmem>>
      %gather3A_256 = tpu.memref_squeeze %gather3A_255 : memref<1x16x1000xf32, #tpu.memory_space<vmem>> -> memref<16x1000xf32, #tpu.memory_space<vmem>>
      %gather3A_257 = tpu.vector_load_idx %gather3A_256[%iota3A, %broadcast_in_dim3A_251] : memref<16x1000xf32, #tpu.memory_space<vmem>>[vector<16xi32>, vector<16xi32>], vector<16xf32>,
      %swap3A_258 = arith.constant 0 : i32
      %swap3A_259 = arith.constant 4 : i32
      %swap3A_260 = arith.index_cast %swap3A_258 : i32 to index
      %swap3A_261 = arith.index_cast %scan3A_177 : i32 to index
      %swap3A_262 = arith.index_cast %swap3A_259 : i32 to index
      %swap3A_263 = arith.constant 0 : index
      %swap3A_264 = tpu.vector_load %arg7[%swap3A_260, %swap3A_261, %swap3A_262, %swap3A_263] {strides = array<i32>} : memref<2x125x8x16xf32, #tpu.memory_space<vmem>>, vector<16xf32>,
      tpu.vector_store %arg7[%swap3A_260, %swap3A_261, %swap3A_262, %swap3A_263], %gather3A_257 {strides = array<i32>} : memref<2x125x8x16xf32, #tpu.memory_space<vmem>>, vector<16xf32>,
      %mul3A_265 = arith.constant 8 : i32
      %mul3A_266 = arith.muli %mul3A_265, %scan3A_177 : i32
      %add3A_267 = arith.constant 5 : i32
      %add3A_268 = arith.addi %mul3A_266, %add3A_267 : i32
      %broadcast_in_dim3A_269 = vector.broadcast %add3A_268 : i32 to vector<16xi32>
      %gather3A_270 = arith.constant 0 : i32
      %gather3A_271 = arith.constant 0 : i32
      %gather3A_272 = arith.constant 0 : i32
      %gather3A_273 = tpu.memref_slice %arg6[%gather3A_270, %gather3A_271, %gather3A_272] : memref<2x16x1000xf32, #tpu.memory_space<vmem>> -> memref<1x16x1000xf32, #tpu.memory_space<vmem>>
      %gather3A_274 = tpu.memref_squeeze %gather3A_273 : memref<1x16x1000xf32, #tpu.memory_space<vmem>> -> memref<16x1000xf32, #tpu.memory_space<vmem>>
      %gather3A_275 = tpu.vector_load_idx %gather3A_274[%iota3A, %broadcast_in_dim3A_269] : memref<16x1000xf32, #tpu.memory_space<vmem>>[vector<16xi32>, vector<16xi32>], vector<16xf32>,
      %swap3A_276 = arith.constant 0 : i32
      %swap3A_277 = arith.constant 5 : i32
      %swap3A_278 = arith.index_cast %swap3A_276 : i32 to index
      %swap3A_279 = arith.index_cast %scan3A_177 : i32 to index
      %swap3A_280 = arith.index_cast %swap3A_277 : i32 to index
      %swap3A_281 = arith.constant 0 : index
      %swap3A_282 = tpu.vector_load %arg7[%swap3A_278, %swap3A_279, %swap3A_280, %swap3A_281] {strides = array<i32>} : memref<2x125x8x16xf32, #tpu.memory_space<vmem>>, vector<16xf32>,
      tpu.vector_store %arg7[%swap3A_278, %swap3A_279, %swap3A_280, %swap3A_281], %gather3A_275 {strides = array<i32>} : memref<2x125x8x16xf32, #tpu.memory_space<vmem>>, vector<16xf32>,
      %mul3A_283 = arith.constant 8 : i32
      %mul3A_284 = arith.muli %mul3A_283, %scan3A_177 : i32
      %add3A_285 = arith.constant 6 : i32
      %add3A_286 = arith.addi %mul3A_284, %add3A_285 : i32
      %broadcast_in_dim3A_287 = vector.broadcast %add3A_286 : i32 to vector<16xi32>
      %gather3A_288 = arith.constant 0 : i32
      %gather3A_289 = arith.constant 0 : i32
      %gather3A_290 = arith.constant 0 : i32
      %gather3A_291 = tpu.memref_slice %arg6[%gather3A_288, %gather3A_289, %gather3A_290] : memref<2x16x1000xf32, #tpu.memory_space<vmem>> -> memref<1x16x1000xf32, #tpu.memory_space<vmem>>
      %gather3A_292 = tpu.memref_squeeze %gather3A_291 : memref<1x16x1000xf32, #tpu.memory_space<vmem>> -> memref<16x1000xf32, #tpu.memory_space<vmem>>
      %gather3A_293 = tpu.vector_load_idx %gather3A_292[%iota3A, %broadcast_in_dim3A_287] : memref<16x1000xf32, #tpu.memory_space<vmem>>[vector<16xi32>, vector<16xi32>], vector<16xf32>,
      %swap3A_294 = arith.constant 0 : i32
      %swap3A_295 = arith.constant 6 : i32
      %swap3A_296 = arith.index_cast %swap3A_294 : i32 to index
      %swap3A_297 = arith.index_cast %scan3A_177 : i32 to index
      %swap3A_298 = arith.index_cast %swap3A_295 : i32 to index
      %swap3A_299 = arith.constant 0 : index
      %swap3A_300 = tpu.vector_load %arg7[%swap3A_296, %swap3A_297, %swap3A_298, %swap3A_299] {strides = array<i32>} : memref<2x125x8x16xf32, #tpu.memory_space<vmem>>, vector<16xf32>,
      tpu.vector_store %arg7[%swap3A_296, %swap3A_297, %swap3A_298, %swap3A_299], %gather3A_293 {strides = array<i32>} : memref<2x125x8x16xf32, #tpu.memory_space<vmem>>, vector<16xf32>,
      %mul3A_301 = arith.constant 8 : i32
      %mul3A_302 = arith.muli %mul3A_301, %scan3A_177 : i32
      %add3A_303 = arith.constant 7 : i32
      %add3A_304 = arith.addi %mul3A_302, %add3A_303 : i32
      %broadcast_in_dim3A_305 = vector.broadcast %add3A_304 : i32 to vector<16xi32>
      %gather3A_306 = arith.constant 0 : i32
      %gather3A_307 = arith.constant 0 : i32
      %gather3A_308 = arith.constant 0 : i32
      %gather3A_309 = tpu.memref_slice %arg6[%gather3A_306, %gather3A_307, %gather3A_308] : memref<2x16x1000xf32, #tpu.memory_space<vmem>> -> memref<1x16x1000xf32, #tpu.memory_space<vmem>>
      %gather3A_310 = tpu.memref_squeeze %gather3A_309 : memref<1x16x1000xf32, #tpu.memory_space<vmem>> -> memref<16x1000xf32, #tpu.memory_space<vmem>>
      %gather3A_311 = tpu.vector_load_idx %gather3A_310[%iota3A, %broadcast_in_dim3A_305] : memref<16x1000xf32, #tpu.memory_space<vmem>>[vector<16xi32>, vector<16xi32>], vector<16xf32>,
      %swap3A_312 = arith.constant 0 : i32
      %swap3A_313 = arith.constant 7 : i32
      %swap3A_314 = arith.index_cast %swap3A_312 : i32 to index
      %swap3A_315 = arith.index_cast %scan3A_177 : i32 to index
      %swap3A_316 = arith.index_cast %swap3A_313 : i32 to index
      %swap3A_317 = arith.constant 0 : index
      %swap3A_318 = tpu.vector_load %arg7[%swap3A_314, %swap3A_315, %swap3A_316, %swap3A_317] {strides = array<i32>} : memref<2x125x8x16xf32, #tpu.memory_space<vmem>>, vector<16xf32>,
      tpu.vector_store %arg7[%swap3A_314, %swap3A_315, %swap3A_316, %swap3A_317], %gather3A_311 {strides = array<i32>} : memref<2x125x8x16xf32, #tpu.memory_space<vmem>>, vector<16xf32>,
      %scan3A_319 = arith.constant 1 : i32
      %scan3A_320 = arith.addi %scan3A_177, %scan3A_319 : i32
      %mul3A_321 = arith.constant 8 : i32
      %mul3A_322 = arith.muli %mul3A_321, %scan3A_320 : i32
      %add3A_323 = arith.constant 0 : i32
      %add3A_324 = arith.addi %mul3A_322, %add3A_323 : i32
      %broadcast_in_dim3A_325 = vector.broadcast %add3A_324 : i32 to vector<16xi32>
      %gather3A_326 = arith.constant 0 : i32
      %gather3A_327 = arith.constant 0 : i32
      %gather3A_328 = arith.constant 0 : i32
      %gather3A_329 = tpu.memref_slice %arg6[%gather3A_326, %gather3A_327, %gather3A_328] : memref<2x16x1000xf32, #tpu.memory_space<vmem>> -> memref<1x16x1000xf32, #tpu.memory_space<vmem>>
      %gather3A_330 = tpu.memref_squeeze %gather3A_329 : memref<1x16x1000xf32, #tpu.memory_space<vmem>> -> memref<16x1000xf32, #tpu.memory_space<vmem>>
      %gather3A_331 = tpu.vector_load_idx %gather3A_330[%iota3A, %broadcast_in_dim3A_325] : memref<16x1000xf32, #tpu.memory_space<vmem>>[vector<16xi32>, vector<16xi32>], vector<16xf32>,
      %swap3A_332 = arith.constant 0 : i32
      %swap3A_333 = arith.constant 0 : i32
      %swap3A_334 = arith.index_cast %swap3A_332 : i32 to index
      %swap3A_335 = arith.index_cast %scan3A_320 : i32 to index
      %swap3A_336 = arith.index_cast %swap3A_333 : i32 to index
      %swap3A_337 = arith.constant 0 : index
      %swap3A_338 = tpu.vector_load %arg7[%swap3A_334, %swap3A_335, %swap3A_336, %swap3A_337] {strides = array<i32>} : memref<2x125x8x16xf32, #tpu.memory_space<vmem>>, vector<16xf32>,
      tpu.vector_store %arg7[%swap3A_334, %swap3A_335, %swap3A_336, %swap3A_337], %gather3A_331 {strides = array<i32>} : memref<2x125x8x16xf32, #tpu.memory_space<vmem>>, vector<16xf32>,
      %mul3A_339 = arith.constant 8 : i32
      %mul3A_340 = arith.muli %mul3A_339, %scan3A_320 : i32
      %add3A_341 = arith.constant 1 : i32
      %add3A_342 = arith.addi %mul3A_340, %add3A_341 : i32
      %broadcast_in_dim3A_343 = vector.broadcast %add3A_342 : i32 to vector<16xi32>
      %gather3A_344 = arith.constant 0 : i32
      %gather3A_345 = arith.constant 0 : i32
      %gather3A_346 = arith.constant 0 : i32
      %gather3A_347 = tpu.memref_slice %arg6[%gather3A_344, %gather3A_345, %gather3A_346] : memref<2x16x1000xf32, #tpu.memory_space<vmem>> -> memref<1x16x1000xf32, #tpu.memory_space<vmem>>
      %gather3A_348 = tpu.memref_squeeze %gather3A_347 : memref<1x16x1000xf32, #tpu.memory_space<vmem>> -> memref<16x1000xf32, #tpu.memory_space<vmem>>
      %gather3A_349 = tpu.vector_load_idx %gather3A_348[%iota3A, %broadcast_in_dim3A_343] : memref<16x1000xf32, #tpu.memory_space<vmem>>[vector<16xi32>, vector<16xi32>], vector<16xf32>,
      %swap3A_350 = arith.constant 0 : i32
      %swap3A_351 = arith.constant 1 : i32
      %swap3A_352 = arith.index_cast %swap3A_350 : i32 to index
      %swap3A_353 = arith.index_cast %scan3A_320 : i32 to index
      %swap3A_354 = arith.index_cast %swap3A_351 : i32 to index
      %swap3A_355 = arith.constant 0 : index
      %swap3A_356 = tpu.vector_load %arg7[%swap3A_352, %swap3A_353, %swap3A_354, %swap3A_355] {strides = array<i32>} : memref<2x125x8x16xf32, #tpu.memory_space<vmem>>, vector<16xf32>,
      tpu.vector_store %arg7[%swap3A_352, %swap3A_353, %swap3A_354, %swap3A_355], %gather3A_349 {strides = array<i32>} : memref<2x125x8x16xf32, #tpu.memory_space<vmem>>, vector<16xf32>,
      %mul3A_357 = arith.constant 8 : i32
      %mul3A_358 = arith.muli %mul3A_357, %scan3A_320 : i32
      %add3A_359 = arith.constant 2 : i32
      %add3A_360 = arith.addi %mul3A_358, %add3A_359 : i32
      %broadcast_in_dim3A_361 = vector.broadcast %add3A_360 : i32 to vector<16xi32>
      %gather3A_362 = arith.constant 0 : i32
      %gather3A_363 = arith.constant 0 : i32
      %gather3A_364 = arith.constant 0 : i32
      %gather3A_365 = tpu.memref_slice %arg6[%gather3A_362, %gather3A_363, %gather3A_364] : memref<2x16x1000xf32, #tpu.memory_space<vmem>> -> memref<1x16x1000xf32, #tpu.memory_space<vmem>>
      %gather3A_366 = tpu.memref_squeeze %gather3A_365 : memref<1x16x1000xf32, #tpu.memory_space<vmem>> -> memref<16x1000xf32, #tpu.memory_space<vmem>>
      %gather3A_367 = tpu.vector_load_idx %gather3A_366[%iota3A, %broadcast_in_dim3A_361] : memref<16x1000xf32, #tpu.memory_space<vmem>>[vector<16xi32>, vector<16xi32>], vector<16xf32>,
      %swap3A_368 = arith.constant 0 : i32
      %swap3A_369 = arith.constant 2 : i32
      %swap3A_370 = arith.index_cast %swap3A_368 : i32 to index
      %swap3A_371 = arith.index_cast %scan3A_320 : i32 to index
      %swap3A_372 = arith.index_cast %swap3A_369 : i32 to index
      %swap3A_373 = arith.constant 0 : index
      %swap3A_374 = tpu.vector_load %arg7[%swap3A_370, %swap3A_371, %swap3A_372, %swap3A_373] {strides = array<i32>} : memref<2x125x8x16xf32, #tpu.memory_space<vmem>>, vector<16xf32>,
      tpu.vector_store %arg7[%swap3A_370, %swap3A_371, %swap3A_372, %swap3A_373], %gather3A_367 {strides = array<i32>} : memref<2x125x8x16xf32, #tpu.memory_space<vmem>>, vector<16xf32>,
      %mul3A_375 = arith.constant 8 : i32
      %mul3A_376 = arith.muli %mul3A_375, %scan3A_320 : i32
      %add3A_377 = arith.constant 3 : i32
      %add3A_378 = arith.addi %mul3A_376, %add3A_377 : i32
      %broadcast_in_dim3A_379 = vector.broadcast %add3A_378 : i32 to vector<16xi32>
      %gather3A_380 = arith.constant 0 : i32
      %gather3A_381 = arith.constant 0 : i32
      %gather3A_382 = arith.constant 0 : i32
      %gather3A_383 = tpu.memref_slice %arg6[%gather3A_380, %gather3A_381, %gather3A_382] : memref<2x16x1000xf32, #tpu.memory_space<vmem>> -> memref<1x16x1000xf32, #tpu.memory_space<vmem>>
      %gather3A_384 = tpu.memref_squeeze %gather3A_383 : memref<1x16x1000xf32, #tpu.memory_space<vmem>> -> memref<16x1000xf32, #tpu.memory_space<vmem>>
      %gather3A_385 = tpu.vector_load_idx %gather3A_384[%iota3A, %broadcast_in_dim3A_379] : memref<16x1000xf32, #tpu.memory_space<vmem>>[vector<16xi32>, vector<16xi32>], vector<16xf32>,
      %swap3A_386 = arith.constant 0 : i32
      %swap3A_387 = arith.constant 3 : i32
      %swap3A_388 = arith.index_cast %swap3A_386 : i32 to index
      %swap3A_389 = arith.index_cast %scan3A_320 : i32 to index
      %swap3A_390 = arith.index_cast %swap3A_387 : i32 to index
      %swap3A_391 = arith.constant 0 : index
      %swap3A_392 = tpu.vector_load %arg7[%swap3A_388, %swap3A_389, %swap3A_390, %swap3A_391] {strides = array<i32>} : memref<2x125x8x16xf32, #tpu.memory_space<vmem>>, vector<16xf32>,
      tpu.vector_store %arg7[%swap3A_388, %swap3A_389, %swap3A_390, %swap3A_391], %gather3A_385 {strides = array<i32>} : memref<2x125x8x16xf32, #tpu.memory_space<vmem>>, vector<16xf32>,
      %mul3A_393 = arith.constant 8 : i32
      %mul3A_394 = arith.muli %mul3A_393, %scan3A_320 : i32
      %add3A_395 = arith.constant 4 : i32
      %add3A_396 = arith.addi %mul3A_394, %add3A_395 : i32
      %broadcast_in_dim3A_397 = vector.broadcast %add3A_396 : i32 to vector<16xi32>
      %gather3A_398 = arith.constant 0 : i32
      %gather3A_399 = arith.constant 0 : i32
      %gather3A_400 = arith.constant 0 : i32
      %gather3A_401 = tpu.memref_slice %arg6[%gather3A_398, %gather3A_399, %gather3A_400] : memref<2x16x1000xf32, #tpu.memory_space<vmem>> -> memref<1x16x1000xf32, #tpu.memory_space<vmem>>
      %gather3A_402 = tpu.memref_squeeze %gather3A_401 : memref<1x16x1000xf32, #tpu.memory_space<vmem>> -> memref<16x1000xf32, #tpu.memory_space<vmem>>
      %gather3A_403 = tpu.vector_load_idx %gather3A_402[%iota3A, %broadcast_in_dim3A_397] : memref<16x1000xf32, #tpu.memory_space<vmem>>[vector<16xi32>, vector<16xi32>], vector<16xf32>,
      %swap3A_404 = arith.constant 0 : i32
      %swap3A_405 = arith.constant 4 : i32
      %swap3A_406 = arith.index_cast %swap3A_404 : i32 to index
      %swap3A_407 = arith.index_cast %scan3A_320 : i32 to index
      %swap3A_408 = arith.index_cast %swap3A_405 : i32 to index
      %swap3A_409 = arith.constant 0 : index
      %swap3A_410 = tpu.vector_load %arg7[%swap3A_406, %swap3A_407, %swap3A_408, %swap3A_409] {strides = array<i32>} : memref<2x125x8x16xf32, #tpu.memory_space<vmem>>, vector<16xf32>,
      tpu.vector_store %arg7[%swap3A_406, %swap3A_407, %swap3A_408, %swap3A_409], %gather3A_403 {strides = array<i32>} : memref<2x125x8x16xf32, #tpu.memory_space<vmem>>, vector<16xf32>,
      %mul3A_411 = arith.constant 8 : i32
      %mul3A_412 = arith.muli %mul3A_411, %scan3A_320 : i32
      %add3A_413 = arith.constant 5 : i32
      %add3A_414 = arith.addi %mul3A_412, %add3A_413 : i32
      %broadcast_in_dim3A_415 = vector.broadcast %add3A_414 : i32 to vector<16xi32>
      %gather3A_416 = arith.constant 0 : i32
      %gather3A_417 = arith.constant 0 : i32
      %gather3A_418 = arith.constant 0 : i32
      %gather3A_419 = tpu.memref_slice %arg6[%gather3A_416, %gather3A_417, %gather3A_418] : memref<2x16x1000xf32, #tpu.memory_space<vmem>> -> memref<1x16x1000xf32, #tpu.memory_space<vmem>>
      %gather3A_420 = tpu.memref_squeeze %gather3A_419 : memref<1x16x1000xf32, #tpu.memory_space<vmem>> -> memref<16x1000xf32, #tpu.memory_space<vmem>>
      %gather3A_421 = tpu.vector_load_idx %gather3A_420[%iota3A, %broadcast_in_dim3A_415] : memref<16x1000xf32, #tpu.memory_space<vmem>>[vector<16xi32>, vector<16xi32>], vector<16xf32>,
      %swap3A_422 = arith.constant 0 : i32
      %swap3A_423 = arith.constant 5 : i32
      %swap3A_424 = arith.index_cast %swap3A_422 : i32 to index
      %swap3A_425 = arith.index_cast %scan3A_320 : i32 to index
      %swap3A_426 = arith.index_cast %swap3A_423 : i32 to index
      %swap3A_427 = arith.constant 0 : index
      %swap3A_428 = tpu.vector_load %arg7[%swap3A_424, %swap3A_425, %swap3A_426, %swap3A_427] {strides = array<i32>} : memref<2x125x8x16xf32, #tpu.memory_space<vmem>>, vector<16xf32>,
      tpu.vector_store %arg7[%swap3A_424, %swap3A_425, %swap3A_426, %swap3A_427], %gather3A_421 {strides = array<i32>} : memref<2x125x8x16xf32, #tpu.memory_space<vmem>>, vector<16xf32>,
      %mul3A_429 = arith.constant 8 : i32
      %mul3A_430 = arith.muli %mul3A_429, %scan3A_320 : i32
      %add3A_431 = arith.constant 6 : i32
      %add3A_432 = arith.addi %mul3A_430, %add3A_431 : i32
      %broadcast_in_dim3A_433 = vector.broadcast %add3A_432 : i32 to vector<16xi32>
      %gather3A_434 = arith.constant 0 : i32
      %gather3A_435 = arith.constant 0 : i32
      %gather3A_436 = arith.constant 0 : i32
      %gather3A_437 = tpu.memref_slice %arg6[%gather3A_434, %gather3A_435, %gather3A_436] : memref<2x16x1000xf32, #tpu.memory_space<vmem>> -> memref<1x16x1000xf32, #tpu.memory_space<vmem>>
      %gather3A_438 = tpu.memref_squeeze %gather3A_437 : memref<1x16x1000xf32, #tpu.memory_space<vmem>> -> memref<16x1000xf32, #tpu.memory_space<vmem>>
      %gather3A_439 = tpu.vector_load_idx %gather3A_438[%iota3A, %broadcast_in_dim3A_433] : memref<16x1000xf32, #tpu.memory_space<vmem>>[vector<16xi32>, vector<16xi32>], vector<16xf32>,
      %swap3A_440 = arith.constant 0 : i32
      %swap3A_441 = arith.constant 6 : i32
      %swap3A_442 = arith.index_cast %swap3A_440 : i32 to index
      %swap3A_443 = arith.index_cast %scan3A_320 : i32 to index
      %swap3A_444 = arith.index_cast %swap3A_441 : i32 to index
      %swap3A_445 = arith.constant 0 : index
      %swap3A_446 = tpu.vector_load %arg7[%swap3A_442, %swap3A_443, %swap3A_444, %swap3A_445] {strides = array<i32>} : memref<2x125x8x16xf32, #tpu.memory_space<vmem>>, vector<16xf32>,
      tpu.vector_store %arg7[%swap3A_442, %swap3A_443, %swap3A_444, %swap3A_445], %gather3A_439 {strides = array<i32>} : memref<2x125x8x16xf32, #tpu.memory_space<vmem>>, vector<16xf32>,
      %mul3A_447 = arith.constant 8 : i32
      %mul3A_448 = arith.muli %mul3A_447, %scan3A_320 : i32
      %add3A_449 = arith.constant 7 : i32
      %add3A_450 = arith.addi %mul3A_448, %add3A_449 : i32
      %broadcast_in_dim3A_451 = vector.broadcast %add3A_450 : i32 to vector<16xi32>
      %gather3A_452 = arith.constant 0 : i32
      %gather3A_453 = arith.constant 0 : i32
      %gather3A_454 = arith.constant 0 : i32
      %gather3A_455 = tpu.memref_slice %arg6[%gather3A_452, %gather3A_453, %gather3A_454] : memref<2x16x1000xf32, #tpu.memory_space<vmem>> -> memref<1x16x1000xf32, #tpu.memory_space<vmem>>
      %gather3A_456 = tpu.memref_squeeze %gather3A_455 : memref<1x16x1000xf32, #tpu.memory_space<vmem>> -> memref<16x1000xf32, #tpu.memory_space<vmem>>
      %gather3A_457 = tpu.vector_load_idx %gather3A_456[%iota3A, %broadcast_in_dim3A_451] : memref<16x1000xf32, #tpu.memory_space<vmem>>[vector<16xi32>, vector<16xi32>], vector<16xf32>,
      %swap3A_458 = arith.constant 0 : i32
      %swap3A_459 = arith.constant 7 : i32
      %swap3A_460 = arith.index_cast %swap3A_458 : i32 to index
      %swap3A_461 = arith.index_cast %scan3A_320 : i32 to index
      %swap3A_462 = arith.index_cast %swap3A_459 : i32 to index
      %swap3A_463 = arith.constant 0 : index
      %swap3A_464 = tpu.vector_load %arg7[%swap3A_460, %swap3A_461, %swap3A_462, %swap3A_463] {strides = array<i32>} : memref<2x125x8x16xf32, #tpu.memory_space<vmem>>, vector<16xf32>,
      tpu.vector_store %arg7[%swap3A_460, %swap3A_461, %swap3A_462, %swap3A_463], %gather3A_457 {strides = array<i32>} : memref<2x125x8x16xf32, #tpu.memory_space<vmem>>, vector<16xf32>,
      %scan3A_465 = arith.constant 2 : i32
      %scan3A_466 = arith.addi %scan3A_177, %scan3A_465 : i32
      %mul3A_467 = arith.constant 8 : i32
      %mul3A_468 = arith.muli %mul3A_467, %scan3A_466 : i32
      %add3A_469 = arith.constant 0 : i32
      %add3A_470 = arith.addi %mul3A_468, %add3A_469 : i32
      %broadcast_in_dim3A_471 = vector.broadcast %add3A_470 : i32 to vector<16xi32>
      %gather3A_472 = arith.constant 0 : i32
      %gather3A_473 = arith.constant 0 : i32
      %gather3A_474 = arith.constant 0 : i32
      %gather3A_475 = tpu.memref_slice %arg6[%gather3A_472, %gather3A_473, %gather3A_474] : memref<2x16x1000xf32, #tpu.memory_space<vmem>> -> memref<1x16x1000xf32, #tpu.memory_space<vmem>>
      %gather3A_476 = tpu.memref_squeeze %gather3A_475 : memref<1x16x1000xf32, #tpu.memory_space<vmem>> -> memref<16x1000xf32, #tpu.memory_space<vmem>>
      %gather3A_477 = tpu.vector_load_idx %gather3A_476[%iota3A, %broadcast_in_dim3A_471] : memref<16x1000xf32, #tpu.memory_space<vmem>>[vector<16xi32>, vector<16xi32>], vector<16xf32>,
      %swap3A_478 = arith.constant 0 : i32
      %swap3A_479 = arith.constant 0 : i32
      %swap3A_480 = arith.index_cast %swap3A_478 : i32 to index
      %swap3A_481 = arith.index_cast %scan3A_466 : i32 to index
      %swap3A_482 = arith.index_cast %swap3A_479 : i32 to index
      %swap3A_483 = arith.constant 0 : index
      %swap3A_484 = tpu.vector_load %arg7[%swap3A_480, %swap3A_481, %swap3A_482, %swap3A_483] {strides = array<i32>} : memref<2x125x8x16xf32, #tpu.memory_space<vmem>>, vector<16xf32>,
      tpu.vector_store %arg7[%swap3A_480, %swap3A_481, %swap3A_482, %swap3A_483], %gather3A_477 {strides = array<i32>} : memref<2x125x8x16xf32, #tpu.memory_space<vmem>>, vector<16xf32>,
      %mul3A_485 = arith.constant 8 : i32
      %mul3A_486 = arith.muli %mul3A_485, %scan3A_466 : i32
      %add3A_487 = arith.constant 1 : i32
      %add3A_488 = arith.addi %mul3A_486, %add3A_487 : i32
      %broadcast_in_dim3A_489 = vector.broadcast %add3A_488 : i32 to vector<16xi32>
      %gather3A_490 = arith.constant 0 : i32
      %gather3A_491 = arith.constant 0 : i32
      %gather3A_492 = arith.constant 0 : i32
      %gather3A_493 = tpu.memref_slice %arg6[%gather3A_490, %gather3A_491, %gather3A_492] : memref<2x16x1000xf32, #tpu.memory_space<vmem>> -> memref<1x16x1000xf32, #tpu.memory_space<vmem>>
      %gather3A_494 = tpu.memref_squeeze %gather3A_493 : memref<1x16x1000xf32, #tpu.memory_space<vmem>> -> memref<16x1000xf32, #tpu.memory_space<vmem>>
      %gather3A_495 = tpu.vector_load_idx %gather3A_494[%iota3A, %broadcast_in_dim3A_489] : memref<16x1000xf32, #tpu.memory_space<vmem>>[vector<16xi32>, vector<16xi32>], vector<16xf32>,
      %swap3A_496 = arith.constant 0 : i32
      %swap3A_497 = arith.constant 1 : i32
      %swap3A_498 = arith.index_cast %swap3A_496 : i32 to index
      %swap3A_499 = arith.index_cast %scan3A_466 : i32 to index
      %swap3A_500 = arith.index_cast %swap3A_497 : i32 to index
      %swap3A_501 = arith.constant 0 : index
      %swap3A_502 = tpu.vector_load %arg7[%swap3A_498, %swap3A_499, %swap3A_500, %swap3A_501] {strides = array<i32>} : memref<2x125x8x16xf32, #tpu.memory_space<vmem>>, vector<16xf32>,
      tpu.vector_store %arg7[%swap3A_498, %swap3A_499, %swap3A_500, %swap3A_501], %gather3A_495 {strides = array<i32>} : memref<2x125x8x16xf32, #tpu.memory_space<vmem>>, vector<16xf32>,
      %mul3A_503 = arith.constant 8 : i32
      %mul3A_504 = arith.muli %mul3A_503, %scan3A_466 : i32
      %add3A_505 = arith.constant 2 : i32
      %add3A_506 = arith.addi %mul3A_504, %add3A_505 : i32
      %broadcast_in_dim3A_507 = vector.broadcast %add3A_506 : i32 to vector<16xi32>
      %gather3A_508 = arith.constant 0 : i32
      %gather3A_509 = arith.constant 0 : i32
      %gather3A_510 = arith.constant 0 : i32
      %gather3A_511 = tpu.memref_slice %arg6[%gather3A_508, %gather3A_509, %gather3A_510] : memref<2x16x1000xf32, #tpu.memory_space<vmem>> -> memref<1x16x1000xf32, #tpu.memory_space<vmem>>
      %gather3A_512 = tpu.memref_squeeze %gather3A_511 : memref<1x16x1000xf32, #tpu.memory_space<vmem>> -> memref<16x1000xf32, #tpu.memory_space<vmem>>
      %gather3A_513 = tpu.vector_load_idx %gather3A_512[%iota3A, %broadcast_in_dim3A_507] : memref<16x1000xf32, #tpu.memory_space<vmem>>[vector<16xi32>, vector<16xi32>], vector<16xf32>,
      %swap3A_514 = arith.constant 0 : i32
      %swap3A_515 = arith.constant 2 : i32
      %swap3A_516 = arith.index_cast %swap3A_514 : i32 to index
      %swap3A_517 = arith.index_cast %scan3A_466 : i32 to index
      %swap3A_518 = arith.index_cast %swap3A_515 : i32 to index
      %swap3A_519 = arith.constant 0 : index
      %swap3A_520 = tpu.vector_load %arg7[%swap3A_516, %swap3A_517, %swap3A_518, %swap3A_519] {strides = array<i32>} : memref<2x125x8x16xf32, #tpu.memory_space<vmem>>, vector<16xf32>,
      tpu.vector_store %arg7[%swap3A_516, %swap3A_517, %swap3A_518, %swap3A_519], %gather3A_513 {strides = array<i32>} : memref<2x125x8x16xf32, #tpu.memory_space<vmem>>, vector<16xf32>,
      %mul3A_521 = arith.constant 8 : i32
      %mul3A_522 = arith.muli %mul3A_521, %scan3A_466 : i32
      %add3A_523 = arith.constant 3 : i32
      %add3A_524 = arith.addi %mul3A_522, %add3A_523 : i32
      %broadcast_in_dim3A_525 = vector.broadcast %add3A_524 : i32 to vector<16xi32>
      %gather3A_526 = arith.constant 0 : i32
      %gather3A_527 = arith.constant 0 : i32
      %gather3A_528 = arith.constant 0 : i32
      %gather3A_529 = tpu.memref_slice %arg6[%gather3A_526, %gather3A_527, %gather3A_528] : memref<2x16x1000xf32, #tpu.memory_space<vmem>> -> memref<1x16x1000xf32, #tpu.memory_space<vmem>>
      %gather3A_530 = tpu.memref_squeeze %gather3A_529 : memref<1x16x1000xf32, #tpu.memory_space<vmem>> -> memref<16x1000xf32, #tpu.memory_space<vmem>>
      %gather3A_531 = tpu.vector_load_idx %gather3A_530[%iota3A, %broadcast_in_dim3A_525] : memref<16x1000xf32, #tpu.memory_space<vmem>>[vector<16xi32>, vector<16xi32>], vector<16xf32>,
      %swap3A_532 = arith.constant 0 : i32
      %swap3A_533 = arith.constant 3 : i32
      %swap3A_534 = arith.index_cast %swap3A_532 : i32 to index
      %swap3A_535 = arith.index_cast %scan3A_466 : i32 to index
      %swap3A_536 = arith.index_cast %swap3A_533 : i32 to index
      %swap3A_537 = arith.constant 0 : index
      %swap3A_538 = tpu.vector_load %arg7[%swap3A_534, %swap3A_535, %swap3A_536, %swap3A_537] {strides = array<i32>} : memref<2x125x8x16xf32, #tpu.memory_space<vmem>>, vector<16xf32>,
      tpu.vector_store %arg7[%swap3A_534, %swap3A_535, %swap3A_536, %swap3A_537], %gather3A_531 {strides = array<i32>} : memref<2x125x8x16xf32, #tpu.memory_space<vmem>>, vector<16xf32>,
      %mul3A_539 = arith.constant 8 : i32
      %mul3A_540 = arith.muli %mul3A_539, %scan3A_466 : i32
      %add3A_541 = arith.constant 4 : i32
      %add3A_542 = arith.addi %mul3A_540, %add3A_541 : i32
      %broadcast_in_dim3A_543 = vector.broadcast %add3A_542 : i32 to vector<16xi32>
      %gather3A_544 = arith.constant 0 : i32
      %gather3A_545 = arith.constant 0 : i32
      %gather3A_546 = arith.constant 0 : i32
      %gather3A_547 = tpu.memref_slice %arg6[%gather3A_544, %gather3A_545, %gather3A_546] : memref<2x16x1000xf32, #tpu.memory_space<vmem>> -> memref<1x16x1000xf32, #tpu.memory_space<vmem>>
      %gather3A_548 = tpu.memref_squeeze %gather3A_547 : memref<1x16x1000xf32, #tpu.memory_space<vmem>> -> memref<16x1000xf32, #tpu.memory_space<vmem>>
      %gather3A_549 = tpu.vector_load_idx %gather3A_548[%iota3A, %broadcast_in_dim3A_543] : memref<16x1000xf32, #tpu.memory_space<vmem>>[vector<16xi32>, vector<16xi32>], vector<16xf32>,
      %swap3A_550 = arith.constant 0 : i32
      %swap3A_551 = arith.constant 4 : i32
      %swap3A_552 = arith.index_cast %swap3A_550 : i32 to index
      %swap3A_553 = arith.index_cast %scan3A_466 : i32 to index
      %swap3A_554 = arith.index_cast %swap3A_551 : i32 to index
      %swap3A_555 = arith.constant 0 : index
      %swap3A_556 = tpu.vector_load %arg7[%swap3A_552, %swap3A_553, %swap3A_554, %swap3A_555] {strides = array<i32>} : memref<2x125x8x16xf32, #tpu.memory_space<vmem>>, vector<16xf32>,
      tpu.vector_store %arg7[%swap3A_552, %swap3A_553, %swap3A_554, %swap3A_555], %gather3A_549 {strides = array<i32>} : memref<2x125x8x16xf32, #tpu.memory_space<vmem>>, vector<16xf32>,
      %mul3A_557 = arith.constant 8 : i32
      %mul3A_558 = arith.muli %mul3A_557, %scan3A_466 : i32
      %add3A_559 = arith.constant 5 : i32
      %add3A_560 = arith.addi %mul3A_558, %add3A_559 : i32
      %broadcast_in_dim3A_561 = vector.broadcast %add3A_560 : i32 to vector<16xi32>
      %gather3A_562 = arith.constant 0 : i32
      %gather3A_563 = arith.constant 0 : i32
      %gather3A_564 = arith.constant 0 : i32
      %gather3A_565 = tpu.memref_slice %arg6[%gather3A_562, %gather3A_563, %gather3A_564] : memref<2x16x1000xf32, #tpu.memory_space<vmem>> -> memref<1x16x1000xf32, #tpu.memory_space<vmem>>
      %gather3A_566 = tpu.memref_squeeze %gather3A_565 : memref<1x16x1000xf32, #tpu.memory_space<vmem>> -> memref<16x1000xf32, #tpu.memory_space<vmem>>
      %gather3A_567 = tpu.vector_load_idx %gather3A_566[%iota3A, %broadcast_in_dim3A_561] : memref<16x1000xf32, #tpu.memory_space<vmem>>[vector<16xi32>, vector<16xi32>], vector<16xf32>,
      %swap3A_568 = arith.constant 0 : i32
      %swap3A_569 = arith.constant 5 : i32
      %swap3A_570 = arith.index_cast %swap3A_568 : i32 to index
      %swap3A_571 = arith.index_cast %scan3A_466 : i32 to index
      %swap3A_572 = arith.index_cast %swap3A_569 : i32 to index
      %swap3A_573 = arith.constant 0 : index
      %swap3A_574 = tpu.vector_load %arg7[%swap3A_570, %swap3A_571, %swap3A_572, %swap3A_573] {strides = array<i32>} : memref<2x125x8x16xf32, #tpu.memory_space<vmem>>, vector<16xf32>,
      tpu.vector_store %arg7[%swap3A_570, %swap3A_571, %swap3A_572, %swap3A_573], %gather3A_567 {strides = array<i32>} : memref<2x125x8x16xf32, #tpu.memory_space<vmem>>, vector<16xf32>,
      %mul3A_575 = arith.constant 8 : i32
      %mul3A_576 = arith.muli %mul3A_575, %scan3A_466 : i32
      %add3A_577 = arith.constant 6 : i32
      %add3A_578 = arith.addi %mul3A_576, %add3A_577 : i32
      %broadcast_in_dim3A_579 = vector.broadcast %add3A_578 : i32 to vector<16xi32>
      %gather3A_580 = arith.constant 0 : i32
      %gather3A_581 = arith.constant 0 : i32
      %gather3A_582 = arith.constant 0 : i32
      %gather3A_583 = tpu.memref_slice %arg6[%gather3A_580, %gather3A_581, %gather3A_582] : memref<2x16x1000xf32, #tpu.memory_space<vmem>> -> memref<1x16x1000xf32, #tpu.memory_space<vmem>>
      %gather3A_584 = tpu.memref_squeeze %gather3A_583 : memref<1x16x1000xf32, #tpu.memory_space<vmem>> -> memref<16x1000xf32, #tpu.memory_space<vmem>>
      %gather3A_585 = tpu.vector_load_idx %gather3A_584[%iota3A, %broadcast_in_dim3A_579] : memref<16x1000xf32, #tpu.memory_space<vmem>>[vector<16xi32>, vector<16xi32>], vector<16xf32>,
      %swap3A_586 = arith.constant 0 : i32
      %swap3A_587 = arith.constant 6 : i32
      %swap3A_588 = arith.index_cast %swap3A_586 : i32 to index
      %swap3A_589 = arith.index_cast %scan3A_466 : i32 to index
      %swap3A_590 = arith.index_cast %swap3A_587 : i32 to index
      %swap3A_591 = arith.constant 0 : index
      %swap3A_592 = tpu.vector_load %arg7[%swap3A_588, %swap3A_589, %swap3A_590, %swap3A_591] {strides = array<i32>} : memref<2x125x8x16xf32, #tpu.memory_space<vmem>>, vector<16xf32>,
      tpu.vector_store %arg7[%swap3A_588, %swap3A_589, %swap3A_590, %swap3A_591], %gather3A_585 {strides = array<i32>} : memref<2x125x8x16xf32, #tpu.memory_space<vmem>>, vector<16xf32>,
      %mul3A_593 = arith.constant 8 : i32
      %mul3A_594 = arith.muli %mul3A_593, %scan3A_466 : i32
      %add3A_595 = arith.constant 7 : i32
      %add3A_596 = arith.addi %mul3A_594, %add3A_595 : i32
      %broadcast_in_dim3A_597 = vector.broadcast %add3A_596 : i32 to vector<16xi32>
      %gather3A_598 = arith.constant 0 : i32
      %gather3A_599 = arith.constant 0 : i32
      %gather3A_600 = arith.constant 0 : i32
      %gather3A_601 = tpu.memref_slice %arg6[%gather3A_598, %gather3A_599, %gather3A_600] : memref<2x16x1000xf32, #tpu.memory_space<vmem>> -> memref<1x16x1000xf32, #tpu.memory_space<vmem>>
      %gather3A_602 = tpu.memref_squeeze %gather3A_601 : memref<1x16x1000xf32, #tpu.memory_space<vmem>> -> memref<16x1000xf32, #tpu.memory_space<vmem>>
      %gather3A_603 = tpu.vector_load_idx %gather3A_602[%iota3A, %broadcast_in_dim3A_597] : memref<16x1000xf32, #tpu.memory_space<vmem>>[vector<16xi32>, vector<16xi32>], vector<16xf32>,
      %swap3A_604 = arith.constant 0 : i32
      %swap3A_605 = arith.constant 7 : i32
      %swap3A_606 = arith.index_cast %swap3A_604 : i32 to index
      %swap3A_607 = arith.index_cast %scan3A_466 : i32 to index
      %swap3A_608 = arith.index_cast %swap3A_605 : i32 to index
      %swap3A_609 = arith.constant 0 : index
      %swap3A_610 = tpu.vector_load %arg7[%swap3A_606, %swap3A_607, %swap3A_608, %swap3A_609] {strides = array<i32>} : memref<2x125x8x16xf32, #tpu.memory_space<vmem>>, vector<16xf32>,
      tpu.vector_store %arg7[%swap3A_606, %swap3A_607, %swap3A_608, %swap3A_609], %gather3A_603 {strides = array<i32>} : memref<2x125x8x16xf32, #tpu.memory_space<vmem>>, vector<16xf32>,
      %scan3A_611 = arith.constant 3 : i32
      %scan3A_612 = arith.addi %scan3A_177, %scan3A_611 : i32
      %mul3A_613 = arith.constant 8 : i32
      %mul3A_614 = arith.muli %mul3A_613, %scan3A_612 : i32
      %add3A_615 = arith.constant 0 : i32
      %add3A_616 = arith.addi %mul3A_614, %add3A_615 : i32
      %broadcast_in_dim3A_617 = vector.broadcast %add3A_616 : i32 to vector<16xi32>
      %gather3A_618 = arith.constant 0 : i32
      %gather3A_619 = arith.constant 0 : i32
      %gather3A_620 = arith.constant 0 : i32
      %gather3A_621 = tpu.memref_slice %arg6[%gather3A_618, %gather3A_619, %gather3A_620] : memref<2x16x1000xf32, #tpu.memory_space<vmem>> -> memref<1x16x1000xf32, #tpu.memory_space<vmem>>
      %gather3A_622 = tpu.memref_squeeze %gather3A_621 : memref<1x16x1000xf32, #tpu.memory_space<vmem>> -> memref<16x1000xf32, #tpu.memory_space<vmem>>
      %gather3A_623 = tpu.vector_load_idx %gather3A_622[%iota3A, %broadcast_in_dim3A_617] : memref<16x1000xf32, #tpu.memory_space<vmem>>[vector<16xi32>, vector<16xi32>], vector<16xf32>,
      %swap3A_624 = arith.constant 0 : i32
      %swap3A_625 = arith.constant 0 : i32
      %swap3A_626 = arith.index_cast %swap3A_624 : i32 to index
      %swap3A_627 = arith.index_cast %scan3A_612 : i32 to index
      %swap3A_628 = arith.index_cast %swap3A_625 : i32 to index
      %swap3A_629 = arith.constant 0 : index
      %swap3A_630 = tpu.vector_load %arg7[%swap3A_626, %swap3A_627, %swap3A_628, %swap3A_629] {strides = array<i32>} : memref<2x125x8x16xf32, #tpu.memory_space<vmem>>, vector<16xf32>,
      tpu.vector_store %arg7[%swap3A_626, %swap3A_627, %swap3A_628, %swap3A_629], %gather3A_623 {strides = array<i32>} : memref<2x125x8x16xf32, #tpu.memory_space<vmem>>, vector<16xf32>,
      %mul3A_631 = arith.constant 8 : i32
      %mul3A_632 = arith.muli %mul3A_631, %scan3A_612 : i32
      %add3A_633 = arith.constant 1 : i32
      %add3A_634 = arith.addi %mul3A_632, %add3A_633 : i32
      %broadcast_in_dim3A_635 = vector.broadcast %add3A_634 : i32 to vector<16xi32>
      %gather3A_636 = arith.constant 0 : i32
      %gather3A_637 = arith.constant 0 : i32
      %gather3A_638 = arith.constant 0 : i32
      %gather3A_639 = tpu.memref_slice %arg6[%gather3A_636, %gather3A_637, %gather3A_638] : memref<2x16x1000xf32, #tpu.memory_space<vmem>> -> memref<1x16x1000xf32, #tpu.memory_space<vmem>>
      %gather3A_640 = tpu.memref_squeeze %gather3A_639 : memref<1x16x1000xf32, #tpu.memory_space<vmem>> -> memref<16x1000xf32, #tpu.memory_space<vmem>>
      %gather3A_641 = tpu.vector_load_idx %gather3A_640[%iota3A, %broadcast_in_dim3A_635] : memref<16x1000xf32, #tpu.memory_space<vmem>>[vector<16xi32>, vector<16xi32>], vector<16xf32>,
      %swap3A_642 = arith.constant 0 : i32
      %swap3A_643 = arith.constant 1 : i32
      %swap3A_644 = arith.index_cast %swap3A_642 : i32 to index
      %swap3A_645 = arith.index_cast %scan3A_612 : i32 to index
      %swap3A_646 = arith.index_cast %swap3A_643 : i32 to index
      %swap3A_647 = arith.constant 0 : index
      %swap3A_648 = tpu.vector_load %arg7[%swap3A_644, %swap3A_645, %swap3A_646, %swap3A_647] {strides = array<i32>} : memref<2x125x8x16xf32, #tpu.memory_space<vmem>>, vector<16xf32>,
      tpu.vector_store %arg7[%swap3A_644, %swap3A_645, %swap3A_646, %swap3A_647], %gather3A_641 {strides = array<i32>} : memref<2x125x8x16xf32, #tpu.memory_space<vmem>>, vector<16xf32>,
      %mul3A_649 = arith.constant 8 : i32
      %mul3A_650 = arith.muli %mul3A_649, %scan3A_612 : i32
      %add3A_651 = arith.constant 2 : i32
      %add3A_652 = arith.addi %mul3A_650, %add3A_651 : i32
      %broadcast_in_dim3A_653 = vector.broadcast %add3A_652 : i32 to vector<16xi32>
      %gather3A_654 = arith.constant 0 : i32
      %gather3A_655 = arith.constant 0 : i32
      %gather3A_656 = arith.constant 0 : i32
      %gather3A_657 = tpu.memref_slice %arg6[%gather3A_654, %gather3A_655, %gather3A_656] : memref<2x16x1000xf32, #tpu.memory_space<vmem>> -> memref<1x16x1000xf32, #tpu.memory_space<vmem>>
      %gather3A_658 = tpu.memref_squeeze %gather3A_657 : memref<1x16x1000xf32, #tpu.memory_space<vmem>> -> memref<16x1000xf32, #tpu.memory_space<vmem>>
      %gather3A_659 = tpu.vector_load_idx %gather3A_658[%iota3A, %broadcast_in_dim3A_653] : memref<16x1000xf32, #tpu.memory_space<vmem>>[vector<16xi32>, vector<16xi32>], vector<16xf32>,
      %swap3A_660 = arith.constant 0 : i32
      %swap3A_661 = arith.constant 2 : i32
      %swap3A_662 = arith.index_cast %swap3A_660 : i32 to index
      %swap3A_663 = arith.index_cast %scan3A_612 : i32 to index
      %swap3A_664 = arith.index_cast %swap3A_661 : i32 to index
      %swap3A_665 = arith.constant 0 : index
      %swap3A_666 = tpu.vector_load %arg7[%swap3A_662, %swap3A_663, %swap3A_664, %swap3A_665] {strides = array<i32>} : memref<2x125x8x16xf32, #tpu.memory_space<vmem>>, vector<16xf32>,
      tpu.vector_store %arg7[%swap3A_662, %swap3A_663, %swap3A_664, %swap3A_665], %gather3A_659 {strides = array<i32>} : memref<2x125x8x16xf32, #tpu.memory_space<vmem>>, vector<16xf32>,
      %mul3A_667 = arith.constant 8 : i32
      %mul3A_668 = arith.muli %mul3A_667, %scan3A_612 : i32
      %add3A_669 = arith.constant 3 : i32
      %add3A_670 = arith.addi %mul3A_668, %add3A_669 : i32
      %broadcast_in_dim3A_671 = vector.broadcast %add3A_670 : i32 to vector<16xi32>
      %gather3A_672 = arith.constant 0 : i32
      %gather3A_673 = arith.constant 0 : i32
      %gather3A_674 = arith.constant 0 : i32
      %gather3A_675 = tpu.memref_slice %arg6[%gather3A_672, %gather3A_673, %gather3A_674] : memref<2x16x1000xf32, #tpu.memory_space<vmem>> -> memref<1x16x1000xf32, #tpu.memory_space<vmem>>
      %gather3A_676 = tpu.memref_squeeze %gather3A_675 : memref<1x16x1000xf32, #tpu.memory_space<vmem>> -> memref<16x1000xf32, #tpu.memory_space<vmem>>
      %gather3A_677 = tpu.vector_load_idx %gather3A_676[%iota3A, %broadcast_in_dim3A_671] : memref<16x1000xf32, #tpu.memory_space<vmem>>[vector<16xi32>, vector<16xi32>], vector<16xf32>,
      %swap3A_678 = arith.constant 0 : i32
      %swap3A_679 = arith.constant 3 : i32
      %swap3A_680 = arith.index_cast %swap3A_678 : i32 to index
      %swap3A_681 = arith.index_cast %scan3A_612 : i32 to index
      %swap3A_682 = arith.index_cast %swap3A_679 : i32 to index
      %swap3A_683 = arith.constant 0 : index
      %swap3A_684 = tpu.vector_load %arg7[%swap3A_680, %swap3A_681, %swap3A_682, %swap3A_683] {strides = array<i32>} : memref<2x125x8x16xf32, #tpu.memory_space<vmem>>, vector<16xf32>,
      tpu.vector_store %arg7[%swap3A_680, %swap3A_681, %swap3A_682, %swap3A_683], %gather3A_677 {strides = array<i32>} : memref<2x125x8x16xf32, #tpu.memory_space<vmem>>, vector<16xf32>,
      %mul3A_685 = arith.constant 8 : i32
      %mul3A_686 = arith.muli %mul3A_685, %scan3A_612 : i32
      %add3A_687 = arith.constant 4 : i32
      %add3A_688 = arith.addi %mul3A_686, %add3A_687 : i32
      %broadcast_in_dim3A_689 = vector.broadcast %add3A_688 : i32 to vector<16xi32>
      %gather3A_690 = arith.constant 0 : i32
      %gather3A_691 = arith.constant 0 : i32
      %gather3A_692 = arith.constant 0 : i32
      %gather3A_693 = tpu.memref_slice %arg6[%gather3A_690, %gather3A_691, %gather3A_692] : memref<2x16x1000xf32, #tpu.memory_space<vmem>> -> memref<1x16x1000xf32, #tpu.memory_space<vmem>>
      %gather3A_694 = tpu.memref_squeeze %gather3A_693 : memref<1x16x1000xf32, #tpu.memory_space<vmem>> -> memref<16x1000xf32, #tpu.memory_space<vmem>>
      %gather3A_695 = tpu.vector_load_idx %gather3A_694[%iota3A, %broadcast_in_dim3A_689] : memref<16x1000xf32, #tpu.memory_space<vmem>>[vector<16xi32>, vector<16xi32>], vector<16xf32>,
      %swap3A_696 = arith.constant 0 : i32
      %swap3A_697 = arith.constant 4 : i32
      %swap3A_698 = arith.index_cast %swap3A_696 : i32 to index
      %swap3A_699 = arith.index_cast %scan3A_612 : i32 to index
      %swap3A_700 = arith.index_cast %swap3A_697 : i32 to index
      %swap3A_701 = arith.constant 0 : index
      %swap3A_702 = tpu.vector_load %arg7[%swap3A_698, %swap3A_699, %swap3A_700, %swap3A_701] {strides = array<i32>} : memref<2x125x8x16xf32, #tpu.memory_space<vmem>>, vector<16xf32>,
      tpu.vector_store %arg7[%swap3A_698, %swap3A_699, %swap3A_700, %swap3A_701], %gather3A_695 {strides = array<i32>} : memref<2x125x8x16xf32, #tpu.memory_space<vmem>>, vector<16xf32>,
      %mul3A_703 = arith.constant 8 : i32
      %mul3A_704 = arith.muli %mul3A_703, %scan3A_612 : i32
      %add3A_705 = arith.constant 5 : i32
      %add3A_706 = arith.addi %mul3A_704, %add3A_705 : i32
      %broadcast_in_dim3A_707 = vector.broadcast %add3A_706 : i32 to vector<16xi32>
      %gather3A_708 = arith.constant 0 : i32
      %gather3A_709 = arith.constant 0 : i32
      %gather3A_710 = arith.constant 0 : i32
      %gather3A_711 = tpu.memref_slice %arg6[%gather3A_708, %gather3A_709, %gather3A_710] : memref<2x16x1000xf32, #tpu.memory_space<vmem>> -> memref<1x16x1000xf32, #tpu.memory_space<vmem>>
      %gather3A_712 = tpu.memref_squeeze %gather3A_711 : memref<1x16x1000xf32, #tpu.memory_space<vmem>> -> memref<16x1000xf32, #tpu.memory_space<vmem>>
      %gather3A_713 = tpu.vector_load_idx %gather3A_712[%iota3A, %broadcast_in_dim3A_707] : memref<16x1000xf32, #tpu.memory_space<vmem>>[vector<16xi32>, vector<16xi32>], vector<16xf32>,
      %swap3A_714 = arith.constant 0 : i32
      %swap3A_715 = arith.constant 5 : i32
      %swap3A_716 = arith.index_cast %swap3A_714 : i32 to index
      %swap3A_717 = arith.index_cast %scan3A_612 : i32 to index
      %swap3A_718 = arith.index_cast %swap3A_715 : i32 to index
      %swap3A_719 = arith.constant 0 : index
      %swap3A_720 = tpu.vector_load %arg7[%swap3A_716, %swap3A_717, %swap3A_718, %swap3A_719] {strides = array<i32>} : memref<2x125x8x16xf32, #tpu.memory_space<vmem>>, vector<16xf32>,
      tpu.vector_store %arg7[%swap3A_716, %swap3A_717, %swap3A_718, %swap3A_719], %gather3A_713 {strides = array<i32>} : memref<2x125x8x16xf32, #tpu.memory_space<vmem>>, vector<16xf32>,
      %mul3A_721 = arith.constant 8 : i32
      %mul3A_722 = arith.muli %mul3A_721, %scan3A_612 : i32
      %add3A_723 = arith.constant 6 : i32
      %add3A_724 = arith.addi %mul3A_722, %add3A_723 : i32
      %broadcast_in_dim3A_725 = vector.broadcast %add3A_724 : i32 to vector<16xi32>
      %gather3A_726 = arith.constant 0 : i32
      %gather3A_727 = arith.constant 0 : i32
      %gather3A_728 = arith.constant 0 : i32
      %gather3A_729 = tpu.memref_slice %arg6[%gather3A_726, %gather3A_727, %gather3A_728] : memref<2x16x1000xf32, #tpu.memory_space<vmem>> -> memref<1x16x1000xf32, #tpu.memory_space<vmem>>
      %gather3A_730 = tpu.memref_squeeze %gather3A_729 : memref<1x16x1000xf32, #tpu.memory_space<vmem>> -> memref<16x1000xf32, #tpu.memory_space<vmem>>
      %gather3A_731 = tpu.vector_load_idx %gather3A_730[%iota3A, %broadcast_in_dim3A_725] : memref<16x1000xf32, #tpu.memory_space<vmem>>[vector<16xi32>, vector<16xi32>], vector<16xf32>,
      %swap3A_732 = arith.constant 0 : i32
      %swap3A_733 = arith.constant 6 : i32
      %swap3A_734 = arith.index_cast %swap3A_732 : i32 to index
      %swap3A_735 = arith.index_cast %scan3A_612 : i32 to index
      %swap3A_736 = arith.index_cast %swap3A_733 : i32 to index
      %swap3A_737 = arith.constant 0 : index
      %swap3A_738 = tpu.vector_load %arg7[%swap3A_734, %swap3A_735, %swap3A_736, %swap3A_737] {strides = array<i32>} : memref<2x125x8x16xf32, #tpu.memory_space<vmem>>, vector<16xf32>,
      tpu.vector_store %arg7[%swap3A_734, %swap3A_735, %swap3A_736, %swap3A_737], %gather3A_731 {strides = array<i32>} : memref<2x125x8x16xf32, #tpu.memory_space<vmem>>, vector<16xf32>,
      %mul3A_739 = arith.constant 8 : i32
      %mul3A_740 = arith.muli %mul3A_739, %scan3A_612 : i32
      %add3A_741 = arith.constant 7 : i32
      %add3A_742 = arith.addi %mul3A_740, %add3A_741 : i32
      %broadcast_in_dim3A_743 = vector.broadcast %add3A_742 : i32 to vector<16xi32>
      %gather3A_744 = arith.constant 0 : i32
      %gather3A_745 = arith.constant 0 : i32
      %gather3A_746 = arith.constant 0 : i32
      %gather3A_747 = tpu.memref_slice %arg6[%gather3A_744, %gather3A_745, %gather3A_746] : memref<2x16x1000xf32, #tpu.memory_space<vmem>> -> memref<1x16x1000xf32, #tpu.memory_space<vmem>>
      %gather3A_748 = tpu.memref_squeeze %gather3A_747 : memref<1x16x1000xf32, #tpu.memory_space<vmem>> -> memref<16x1000xf32, #tpu.memory_space<vmem>>
      %gather3A_749 = tpu.vector_load_idx %gather3A_748[%iota3A, %broadcast_in_dim3A_743] : memref<16x1000xf32, #tpu.memory_space<vmem>>[vector<16xi32>, vector<16xi32>], vector<16xf32>,
      %swap3A_750 = arith.constant 0 : i32
      %swap3A_751 = arith.constant 7 : i32
      %swap3A_752 = arith.index_cast %swap3A_750 : i32 to index
      %swap3A_753 = arith.index_cast %scan3A_612 : i32 to index
      %swap3A_754 = arith.index_cast %swap3A_751 : i32 to index
      %swap3A_755 = arith.constant 0 : index
      %swap3A_756 = tpu.vector_load %arg7[%swap3A_752, %swap3A_753, %swap3A_754, %swap3A_755] {strides = array<i32>} : memref<2x125x8x16xf32, #tpu.memory_space<vmem>>, vector<16xf32>,
      tpu.vector_store %arg7[%swap3A_752, %swap3A_753, %swap3A_754, %swap3A_755], %gather3A_749 {strides = array<i32>} : memref<2x125x8x16xf32, #tpu.memory_space<vmem>>, vector<16xf32>,
      %scan3A_757 = arith.constant 4 : i32
      %scan3A_758 = arith.addi %scan3A_177, %scan3A_757 : i32
      %mul3A_759 = arith.constant 8 : i32
      %mul3A_760 = arith.muli %mul3A_759, %scan3A_758 : i32
      %add3A_761 = arith.constant 0 : i32
      %add3A_762 = arith.addi %mul3A_760, %add3A_761 : i32
      %broadcast_in_dim3A_763 = vector.broadcast %add3A_762 : i32 to vector<16xi32>
      %gather3A_764 = arith.constant 0 : i32
      %gather3A_765 = arith.constant 0 : i32
      %gather3A_766 = arith.constant 0 : i32
      %gather3A_767 = tpu.memref_slice %arg6[%gather3A_764, %gather3A_765, %gather3A_766] : memref<2x16x1000xf32, #tpu.memory_space<vmem>> -> memref<1x16x1000xf32, #tpu.memory_space<vmem>>
      %gather3A_768 = tpu.memref_squeeze %gather3A_767 : memref<1x16x1000xf32, #tpu.memory_space<vmem>> -> memref<16x1000xf32, #tpu.memory_space<vmem>>
      %gather3A_769 = tpu.vector_load_idx %gather3A_768[%iota3A, %broadcast_in_dim3A_763] : memref<16x1000xf32, #tpu.memory_space<vmem>>[vector<16xi32>, vector<16xi32>], vector<16xf32>,
      %swap3A_770 = arith.constant 0 : i32
      %swap3A_771 = arith.constant 0 : i32
      %swap3A_772 = arith.index_cast %swap3A_770 : i32 to index
      %swap3A_773 = arith.index_cast %scan3A_758 : i32 to index
      %swap3A_774 = arith.index_cast %swap3A_771 : i32 to index
      %swap3A_775 = arith.constant 0 : index
      %swap3A_776 = tpu.vector_load %arg7[%swap3A_772, %swap3A_773, %swap3A_774, %swap3A_775] {strides = array<i32>} : memref<2x125x8x16xf32, #tpu.memory_space<vmem>>, vector<16xf32>,
      tpu.vector_store %arg7[%swap3A_772, %swap3A_773, %swap3A_774, %swap3A_775], %gather3A_769 {strides = array<i32>} : memref<2x125x8x16xf32, #tpu.memory_space<vmem>>, vector<16xf32>,
      %mul3A_777 = arith.constant 8 : i32
      %mul3A_778 = arith.muli %mul3A_777, %scan3A_758 : i32
      %add3A_779 = arith.constant 1 : i32
      %add3A_780 = arith.addi %mul3A_778, %add3A_779 : i32
      %broadcast_in_dim3A_781 = vector.broadcast %add3A_780 : i32 to vector<16xi32>
      %gather3A_782 = arith.constant 0 : i32
      %gather3A_783 = arith.constant 0 : i32
      %gather3A_784 = arith.constant 0 : i32
      %gather3A_785 = tpu.memref_slice %arg6[%gather3A_782, %gather3A_783, %gather3A_784] : memref<2x16x1000xf32, #tpu.memory_space<vmem>> -> memref<1x16x1000xf32, #tpu.memory_space<vmem>>
      %gather3A_786 = tpu.memref_squeeze %gather3A_785 : memref<1x16x1000xf32, #tpu.memory_space<vmem>> -> memref<16x1000xf32, #tpu.memory_space<vmem>>
      %gather3A_787 = tpu.vector_load_idx %gather3A_786[%iota3A, %broadcast_in_dim3A_781] : memref<16x1000xf32, #tpu.memory_space<vmem>>[vector<16xi32>, vector<16xi32>], vector<16xf32>,
      %swap3A_788 = arith.constant 0 : i32
      %swap3A_789 = arith.constant 1 : i32
      %swap3A_790 = arith.index_cast %swap3A_788 : i32 to index
      %swap3A_791 = arith.index_cast %scan3A_758 : i32 to index
      %swap3A_792 = arith.index_cast %swap3A_789 : i32 to index
      %swap3A_793 = arith.constant 0 : index
      %swap3A_794 = tpu.vector_load %arg7[%swap3A_790, %swap3A_791, %swap3A_792, %swap3A_793] {strides = array<i32>} : memref<2x125x8x16xf32, #tpu.memory_space<vmem>>, vector<16xf32>,
      tpu.vector_store %arg7[%swap3A_790, %swap3A_791, %swap3A_792, %swap3A_793], %gather3A_787 {strides = array<i32>} : memref<2x125x8x16xf32, #tpu.memory_space<vmem>>, vector<16xf32>,
      %mul3A_795 = arith.constant 8 : i32
      %mul3A_796 = arith.muli %mul3A_795, %scan3A_758 : i32
      %add3A_797 = arith.constant 2 : i32
      %add3A_798 = arith.addi %mul3A_796, %add3A_797 : i32
      %broadcast_in_dim3A_799 = vector.broadcast %add3A_798 : i32 to vector<16xi32>
      %gather3A_800 = arith.constant 0 : i32
      %gather3A_801 = arith.constant 0 : i32
      %gather3A_802 = arith.constant 0 : i32
      %gather3A_803 = tpu.memref_slice %arg6[%gather3A_800, %gather3A_801, %gather3A_802] : memref<2x16x1000xf32, #tpu.memory_space<vmem>> -> memref<1x16x1000xf32, #tpu.memory_space<vmem>>
      %gather3A_804 = tpu.memref_squeeze %gather3A_803 : memref<1x16x1000xf32, #tpu.memory_space<vmem>> -> memref<16x1000xf32, #tpu.memory_space<vmem>>
      %gather3A_805 = tpu.vector_load_idx %gather3A_804[%iota3A, %broadcast_in_dim3A_799] : memref<16x1000xf32, #tpu.memory_space<vmem>>[vector<16xi32>, vector<16xi32>], vector<16xf32>,
      %swap3A_806 = arith.constant 0 : i32
      %swap3A_807 = arith.constant 2 : i32
      %swap3A_808 = arith.index_cast %swap3A_806 : i32 to index
      %swap3A_809 = arith.index_cast %scan3A_758 : i32 to index
      %swap3A_810 = arith.index_cast %swap3A_807 : i32 to index
      %swap3A_811 = arith.constant 0 : index
      %swap3A_812 = tpu.vector_load %arg7[%swap3A_808, %swap3A_809, %swap3A_810, %swap3A_811] {strides = array<i32>} : memref<2x125x8x16xf32, #tpu.memory_space<vmem>>, vector<16xf32>,
      tpu.vector_store %arg7[%swap3A_808, %swap3A_809, %swap3A_810, %swap3A_811], %gather3A_805 {strides = array<i32>} : memref<2x125x8x16xf32, #tpu.memory_space<vmem>>, vector<16xf32>,
      %mul3A_813 = arith.constant 8 : i32
      %mul3A_814 = arith.muli %mul3A_813, %scan3A_758 : i32
      %add3A_815 = arith.constant 3 : i32
      %add3A_816 = arith.addi %mul3A_814, %add3A_815 : i32
      %broadcast_in_dim3A_817 = vector.broadcast %add3A_816 : i32 to vector<16xi32>
      %gather3A_818 = arith.constant 0 : i32
      %gather3A_819 = arith.constant 0 : i32
      %gather3A_820 = arith.constant 0 : i32
      %gather3A_821 = tpu.memref_slice %arg6[%gather3A_818, %gather3A_819, %gather3A_820] : memref<2x16x1000xf32, #tpu.memory_space<vmem>> -> memref<1x16x1000xf32, #tpu.memory_space<vmem>>
      %gather3A_822 = tpu.memref_squeeze %gather3A_821 : memref<1x16x1000xf32, #tpu.memory_space<vmem>> -> memref<16x1000xf32, #tpu.memory_space<vmem>>
      %gather3A_823 = tpu.vector_load_idx %gather3A_822[%iota3A, %broadcast_in_dim3A_817] : memref<16x1000xf32, #tpu.memory_space<vmem>>[vector<16xi32>, vector<16xi32>], vector<16xf32>,
      %swap3A_824 = arith.constant 0 : i32
      %swap3A_825 = arith.constant 3 : i32
      %swap3A_826 = arith.index_cast %swap3A_824 : i32 to index
      %swap3A_827 = arith.index_cast %scan3A_758 : i32 to index
      %swap3A_828 = arith.index_cast %swap3A_825 : i32 to index
      %swap3A_829 = arith.constant 0 : index
      %swap3A_830 = tpu.vector_load %arg7[%swap3A_826, %swap3A_827, %swap3A_828, %swap3A_829] {strides = array<i32>} : memref<2x125x8x16xf32, #tpu.memory_space<vmem>>, vector<16xf32>,
      tpu.vector_store %arg7[%swap3A_826, %swap3A_827, %swap3A_828, %swap3A_829], %gather3A_823 {strides = array<i32>} : memref<2x125x8x16xf32, #tpu.memory_space<vmem>>, vector<16xf32>,
      %mul3A_831 = arith.constant 8 : i32
      %mul3A_832 = arith.muli %mul3A_831, %scan3A_758 : i32
      %add3A_833 = arith.constant 4 : i32
      %add3A_834 = arith.addi %mul3A_832, %add3A_833 : i32
      %broadcast_in_dim3A_835 = vector.broadcast %add3A_834 : i32 to vector<16xi32>
      %gather3A_836 = arith.constant 0 : i32
      %gather3A_837 = arith.constant 0 : i32
      %gather3A_838 = arith.constant 0 : i32
      %gather3A_839 = tpu.memref_slice %arg6[%gather3A_836, %gather3A_837, %gather3A_838] : memref<2x16x1000xf32, #tpu.memory_space<vmem>> -> memref<1x16x1000xf32, #tpu.memory_space<vmem>>
      %gather3A_840 = tpu.memref_squeeze %gather3A_839 : memref<1x16x1000xf32, #tpu.memory_space<vmem>> -> memref<16x1000xf32, #tpu.memory_space<vmem>>
      %gather3A_841 = tpu.vector_load_idx %gather3A_840[%iota3A, %broadcast_in_dim3A_835] : memref<16x1000xf32, #tpu.memory_space<vmem>>[vector<16xi32>, vector<16xi32>], vector<16xf32>,
      %swap3A_842 = arith.constant 0 : i32
      %swap3A_843 = arith.constant 4 : i32
      %swap3A_844 = arith.index_cast %swap3A_842 : i32 to index
      %swap3A_845 = arith.index_cast %scan3A_758 : i32 to index
      %swap3A_846 = arith.index_cast %swap3A_843 : i32 to index
      %swap3A_847 = arith.constant 0 : index
      %swap3A_848 = tpu.vector_load %arg7[%swap3A_844, %swap3A_845, %swap3A_846, %swap3A_847] {strides = array<i32>} : memref<2x125x8x16xf32, #tpu.memory_space<vmem>>, vector<16xf32>,
      tpu.vector_store %arg7[%swap3A_844, %swap3A_845, %swap3A_846, %swap3A_847], %gather3A_841 {strides = array<i32>} : memref<2x125x8x16xf32, #tpu.memory_space<vmem>>, vector<16xf32>,
      %mul3A_849 = arith.constant 8 : i32
      %mul3A_850 = arith.muli %mul3A_849, %scan3A_758 : i32
      %add3A_851 = arith.constant 5 : i32
      %add3A_852 = arith.addi %mul3A_850, %add3A_851 : i32
      %broadcast_in_dim3A_853 = vector.broadcast %add3A_852 : i32 to vector<16xi32>
      %gather3A_854 = arith.constant 0 : i32
      %gather3A_855 = arith.constant 0 : i32
      %gather3A_856 = arith.constant 0 : i32
      %gather3A_857 = tpu.memref_slice %arg6[%gather3A_854, %gather3A_855, %gather3A_856] : memref<2x16x1000xf32, #tpu.memory_space<vmem>> -> memref<1x16x1000xf32, #tpu.memory_space<vmem>>
      %gather3A_858 = tpu.memref_squeeze %gather3A_857 : memref<1x16x1000xf32, #tpu.memory_space<vmem>> -> memref<16x1000xf32, #tpu.memory_space<vmem>>
      %gather3A_859 = tpu.vector_load_idx %gather3A_858[%iota3A, %broadcast_in_dim3A_853] : memref<16x1000xf32, #tpu.memory_space<vmem>>[vector<16xi32>, vector<16xi32>], vector<16xf32>,
      %swap3A_860 = arith.constant 0 : i32
      %swap3A_861 = arith.constant 5 : i32
      %swap3A_862 = arith.index_cast %swap3A_860 : i32 to index
      %swap3A_863 = arith.index_cast %scan3A_758 : i32 to index
      %swap3A_864 = arith.index_cast %swap3A_861 : i32 to index
      %swap3A_865 = arith.constant 0 : index
      %swap3A_866 = tpu.vector_load %arg7[%swap3A_862, %swap3A_863, %swap3A_864, %swap3A_865] {strides = array<i32>} : memref<2x125x8x16xf32, #tpu.memory_space<vmem>>, vector<16xf32>,
      tpu.vector_store %arg7[%swap3A_862, %swap3A_863, %swap3A_864, %swap3A_865], %gather3A_859 {strides = array<i32>} : memref<2x125x8x16xf32, #tpu.memory_space<vmem>>, vector<16xf32>,
      %mul3A_867 = arith.constant 8 : i32
      %mul3A_868 = arith.muli %mul3A_867, %scan3A_758 : i32
      %add3A_869 = arith.constant 6 : i32
      %add3A_870 = arith.addi %mul3A_868, %add3A_869 : i32
      %broadcast_in_dim3A_871 = vector.broadcast %add3A_870 : i32 to vector<16xi32>
      %gather3A_872 = arith.constant 0 : i32
      %gather3A_873 = arith.constant 0 : i32
      %gather3A_874 = arith.constant 0 : i32
      %gather3A_875 = tpu.memref_slice %arg6[%gather3A_872, %gather3A_873, %gather3A_874] : memref<2x16x1000xf32, #tpu.memory_space<vmem>> -> memref<1x16x1000xf32, #tpu.memory_space<vmem>>
      %gather3A_876 = tpu.memref_squeeze %gather3A_875 : memref<1x16x1000xf32, #tpu.memory_space<vmem>> -> memref<16x1000xf32, #tpu.memory_space<vmem>>
      %gather3A_877 = tpu.vector_load_idx %gather3A_876[%iota3A, %broadcast_in_dim3A_871] : memref<16x1000xf32, #tpu.memory_space<vmem>>[vector<16xi32>, vector<16xi32>], vector<16xf32>,
      %swap3A_878 = arith.constant 0 : i32
      %swap3A_879 = arith.constant 6 : i32
      %swap3A_880 = arith.index_cast %swap3A_878 : i32 to index
      %swap3A_881 = arith.index_cast %scan3A_758 : i32 to index
      %swap3A_882 = arith.index_cast %swap3A_879 : i32 to index
      %swap3A_883 = arith.constant 0 : index
      %swap3A_884 = tpu.vector_load %arg7[%swap3A_880, %swap3A_881, %swap3A_882, %swap3A_883] {strides = array<i32>} : memref<2x125x8x16xf32, #tpu.memory_space<vmem>>, vector<16xf32>,
      tpu.vector_store %arg7[%swap3A_880, %swap3A_881, %swap3A_882, %swap3A_883], %gather3A_877 {strides = array<i32>} : memref<2x125x8x16xf32, #tpu.memory_space<vmem>>, vector<16xf32>,
      %mul3A_885 = arith.constant 8 : i32
      %mul3A_886 = arith.muli %mul3A_885, %scan3A_758 : i32
      %add3A_887 = arith.constant 7 : i32
      %add3A_888 = arith.addi %mul3A_886, %add3A_887 : i32
      %broadcast_in_dim3A_889 = vector.broadcast %add3A_888 : i32 to vector<16xi32>
      %gather3A_890 = arith.constant 0 : i32
      %gather3A_891 = arith.constant 0 : i32
      %gather3A_892 = arith.constant 0 : i32
      %gather3A_893 = tpu.memref_slice %arg6[%gather3A_890, %gather3A_891, %gather3A_892] : memref<2x16x1000xf32, #tpu.memory_space<vmem>> -> memref<1x16x1000xf32, #tpu.memory_space<vmem>>
      %gather3A_894 = tpu.memref_squeeze %gather3A_893 : memref<1x16x1000xf32, #tpu.memory_space<vmem>> -> memref<16x1000xf32, #tpu.memory_space<vmem>>
      %gather3A_895 = tpu.vector_load_idx %gather3A_894[%iota3A, %broadcast_in_dim3A_889] : memref<16x1000xf32, #tpu.memory_space<vmem>>[vector<16xi32>, vector<16xi32>], vector<16xf32>,
      %swap3A_896 = arith.constant 0 : i32
      %swap3A_897 = arith.constant 7 : i32
      %swap3A_898 = arith.index_cast %swap3A_896 : i32 to index
      %swap3A_899 = arith.index_cast %scan3A_758 : i32 to index
      %swap3A_900 = arith.index_cast %swap3A_897 : i32 to index
      %swap3A_901 = arith.constant 0 : index
      %swap3A_902 = tpu.vector_load %arg7[%swap3A_898, %swap3A_899, %swap3A_900, %swap3A_901] {strides = array<i32>} : memref<2x125x8x16xf32, #tpu.memory_space<vmem>>, vector<16xf32>,
      tpu.vector_store %arg7[%swap3A_898, %swap3A_899, %swap3A_900, %swap3A_901], %gather3A_895 {strides = array<i32>} : memref<2x125x8x16xf32, #tpu.memory_space<vmem>>, vector<16xf32>,
    }
    %scan3A_73 = arith.constant 125 : i32
    %add3A_74 = arith.constant 0 : i32
    %add3A_75 = arith.addi %mul3A_2, %add3A_74 : i32
    %div3A_76 = arith.constant 64 : i32
    %div3A_77 = arith.divsi %add3A_75, %div3A_76 : i32
    %rem3A_78 = arith.constant 64 : i32
    %rem3A_79 = arith.remsi %add3A_75, %rem3A_78 : i32
    %div3A_80 = arith.constant 8 : i32
    %div3A_81 = arith.divsi %rem3A_79, %div3A_80 : i32
    %rem3A_82 = arith.constant 8 : i32
    %rem3A_83 = arith.remsi %rem3A_79, %rem3A_82 : i32
    %mul3A_84 = arith.constant 16 : i32
    %mul3A_85 = arith.muli %mul3A_84, %rem3A_83 : i32
    %dma_start3A_86 = arith.constant 0 : i32
    %dma_start3A_87 = arith.constant 0 : i32
    %dma_start3A_88 = arith.constant 0 : i32
    %dma_start3A_89 = arith.constant 0 : i32
    %dma_start3A_90 = tpu.memref_slice %arg7[%dma_start3A_86, %dma_start3A_87, %dma_start3A_88, %dma_start3A_89] : memref<2x125x8x16xf32, #tpu.memory_space<vmem>> -> memref<1x125x8x16xf32, #tpu.memory_space<vmem>>
    %dma_start3A_91 = tpu.memref_squeeze %dma_start3A_90 : memref<1x125x8x16xf32, #tpu.memory_space<vmem>> -> memref<125x8x16xf32, #tpu.memory_space<vmem>>
    %dma_start3A_92 = arith.constant 0 : i32
    %dma_start3A_93 = arith.constant 0 : i32
    %dma_start3A_94 = tpu.memref_slice %arg4[%div3A_77, %dma_start3A_92, %div3A_81, %dma_start3A_93, %mul3A_85] : memref<50x125x8x8x128xf32, #tpu.memory_space<hbm>> -> memref<1x125x1x8x16xf32, #tpu.memory_space<hbm>>
    %dma_start3A_95 = tpu.memref_squeeze %dma_start3A_94 : memref<1x125x1x8x16xf32, #tpu.memory_space<hbm>> -> memref<125x8x16xf32, #tpu.memory_space<hbm>>
    %dma_start3A_96 = arith.constant 0 : i32
    %dma_start3A_97 = arith.constant 0 : i32
    %dma_start3A_98 = tpu.memref_slice %arg4[%div3A_77, %dma_start3A_96, %div3A_81, %dma_start3A_97, %mul3A_85] : memref<50x125x8x8x128xf32, #tpu.memory_space<hbm>> -> memref<1x125x1x8x16xf32, #tpu.memory_space<hbm>>
    %dma_start3A_99 = tpu.memref_squeeze %dma_start3A_98 : memref<1x125x1x8x16xf32, #tpu.memory_space<hbm>> -> memref<125x8x16xf32, #tpu.memory_space<hbm>>
    %dma_start3A_100 = arith.constant 0 : i32
    %dma_start3A_101 = arith.constant 0 : i32
    %dma_start3A_102 = arith.constant 0 : i32
    %dma_start3A_103 = tpu.memref_slice %arg7[%dma_start3A_86, %dma_start3A_100, %dma_start3A_101, %dma_start3A_102] : memref<2x125x8x16xf32, #tpu.memory_space<vmem>> -> memref<1x125x8x16xf32, #tpu.memory_space<vmem>>
    %dma_start3A_104 = tpu.memref_squeeze %dma_start3A_103 : memref<1x125x8x16xf32, #tpu.memory_space<vmem>> -> memref<125x8x16xf32, #tpu.memory_space<vmem>>
    tpu.enqueue_dma source(%dma_start3A_104 : memref<125x8x16xf32, #tpu.memory_space<vmem>>) target(%dma_start3A_99 : memref<125x8x16xf32, #tpu.memory_space<hbm>>) target_semaphore(%arg9 : memref<!tpu.dma_semaphore, #tpu.memory_space<semaphore_mem>>)
    %scan3A_105 = arith.constant 0 : i32
    %scan3A_106 = arith.constant 2 : i32
    %scan3A_107 = arith.constant 99 : i32
    %scan3A_108 = arith.addi %scan3A_106, %scan3A_107 : i32
    %scan3A_109 = arith.constant 1 : i32
    scf.for %scan3A_177 = %scan3A_106 to %scan3A_108 step %scan3A_109  : i32 {
      %rem3A_178 = arith.constant 2 : i32
      %rem3A_179 = arith.remsi %scan3A_177, %rem3A_178 : i32
      %sub3A = arith.constant 1 : i32
      %sub3A_180 = arith.subi %sub3A, %rem3A_179 : i32
      %le3A = arith.constant 99 : i32
      %le3A_181 = arith.cmpi sle, %scan3A_177, %le3A : i32
      %convert_element_type3A = arith.extui %le3A_181 : i1 to i32
      %cond3A = arith.constant 0 : i32
      %cond3A_182 = arith.cmpi ne, %convert_element_type3A, %cond3A : i32
      scf.if %cond3A_182 {
        %add3A_238 = arith.addi %mul3A_2, %scan3A_177 : i32
        %div3A_239 = arith.constant 64 : i32
        %div3A_240 = arith.divsi %add3A_238, %div3A_239 : i32
        %rem3A_241 = arith.constant 64 : i32
        %rem3A_242 = arith.remsi %add3A_238, %rem3A_241 : i32
        %div3A_243 = arith.constant 8 : i32
        %div3A_244 = arith.divsi %rem3A_242, %div3A_243 : i32
        %rem3A_245 = arith.constant 8 : i32
        %rem3A_246 = arith.remsi %rem3A_242, %rem3A_245 : i32
        %mul3A_247 = arith.constant 128 : i32
        %mul3A_248 = arith.muli %mul3A_247, %div3A_244 : i32
        %mul3A_249 = arith.constant 16 : i32
        %mul3A_250 = arith.muli %mul3A_249, %rem3A_246 : i32
        %add3A_251 = arith.addi %mul3A_248, %mul3A_250 : i32
        "tpu.region"() ({
          %run_scoped3A_262 = tpu.sem_alloc : memref<!tpu.dma_semaphore, #tpu.memory_space<semaphore_mem>>
          %dma_start3A_263 = arith.constant 0 : i32
          %dma_start3A_264 = tpu.memref_slice %arg5[%rem3A_179, %dma_start3A_263] : memref<2x16xi32, #tpu.memory_space<vmem>> -> memref<1x16xi32, #tpu.memory_space<vmem>>
          %dma_start3A_265 = tpu.memref_squeeze %dma_start3A_264 : memref<1x16xi32, #tpu.memory_space<vmem>> -> memref<16xi32, #tpu.memory_space<vmem>>
          %dma_start3A_266 = tpu.memref_slice %arg3[%div3A_240, %add3A_251] : memref<50x1024xi32, #tpu.memory_space<hbm>> -> memref<1x16xi32, #tpu.memory_space<hbm>>
          %dma_start3A_267 = tpu.memref_squeeze %dma_start3A_266 : memref<1x16xi32, #tpu.memory_space<hbm>> -> memref<16xi32, #tpu.memory_space<hbm>>
          %dma_start3A_268 = arith.constant 0 : i32
          %dma_start3A_269 = tpu.memref_slice %arg5[%rem3A_179, %dma_start3A_268] : memref<2x16xi32, #tpu.memory_space<vmem>> -> memref<1x16xi32, #tpu.memory_space<vmem>>
          %dma_start3A_270 = tpu.memref_squeeze %dma_start3A_269 : memref<1x16xi32, #tpu.memory_space<vmem>> -> memref<16xi32, #tpu.memory_space<vmem>>
          %dma_start3A_271 = tpu.memref_slice %arg3[%div3A_240, %add3A_251] : memref<50x1024xi32, #tpu.memory_space<hbm>> -> memref<1x16xi32, #tpu.memory_space<hbm>>
          %dma_start3A_272 = tpu.memref_squeeze %dma_start3A_271 : memref<1x16xi32, #tpu.memory_space<hbm>> -> memref<16xi32, #tpu.memory_space<hbm>>
          tpu.enqueue_dma source(%dma_start3A_272 : memref<16xi32, #tpu.memory_space<hbm>>) target(%dma_start3A_270 : memref<16xi32, #tpu.memory_space<vmem>>) target_semaphore(%run_scoped3A_262 : memref<!tpu.dma_semaphore, #tpu.memory_space<semaphore_mem>>)
          %dma_wait3A_273 = arith.constant 0 : i32
          %dma_wait3A_274 = tpu.memref_slice %arg5[%rem3A_179, %dma_wait3A_273] : memref<2x16xi32, #tpu.memory_space<vmem>> -> memref<1x16xi32, #tpu.memory_space<vmem>>
          %dma_wait3A_275 = tpu.memref_squeeze %dma_wait3A_274 : memref<1x16xi32, #tpu.memory_space<vmem>> -> memref<16xi32, #tpu.memory_space<vmem>>
          %dma_wait3A_276 = tpu.memref_slice %arg3[%div3A_240, %add3A_251] : memref<50x1024xi32, #tpu.memory_space<hbm>> -> memref<1x16xi32, #tpu.memory_space<hbm>>
          %dma_wait3A_277 = tpu.memref_squeeze %dma_wait3A_276 : memref<1x16xi32, #tpu.memory_space<hbm>> -> memref<16xi32, #tpu.memory_space<hbm>>
          %dma_wait3A_278 = arith.constant 0 : i32
          %dma_wait3A_279 = tpu.memref_slice %arg5[%rem3A_179, %dma_wait3A_278] : memref<2x16xi32, #tpu.memory_space<vmem>> -> memref<1x16xi32, #tpu.memory_space<vmem>>
          %dma_wait3A_280 = tpu.memref_squeeze %dma_wait3A_279 : memref<1x16xi32, #tpu.memory_space<vmem>> -> memref<16xi32, #tpu.memory_space<vmem>>
          %dma_wait3A_281 = tpu.memref_slice %arg3[%div3A_240, %add3A_251] : memref<50x1024xi32, #tpu.memory_space<hbm>> -> memref<1x16xi32, #tpu.memory_space<hbm>>
          %dma_wait3A_282 = tpu.memref_squeeze %dma_wait3A_281 : memref<1x16xi32, #tpu.memory_space<hbm>> -> memref<16xi32, #tpu.memory_space<hbm>>
          tpu.wait_dma2 semaphore(%run_scoped3A_262 : memref<!tpu.dma_semaphore, #tpu.memory_space<semaphore_mem>>) src(%dma_wait3A_282 : memref<16xi32, #tpu.memory_space<hbm>>) dst(%dma_wait3A_280 : memref<16xi32, #tpu.memory_space<vmem>>)
          tpu.yield
        }) : () -> ()
        %dma_start3A_252 = arith.constant 0 : i32
        %dma_start3A_253 = arith.constant 0 : i32
        %dma_start3A_254 = tpu.memref_slice %arg6[%rem3A_179, %dma_start3A_252, %dma_start3A_253] : memref<2x16x1000xf32, #tpu.memory_space<vmem>> -> memref<1x16x1000xf32, #tpu.memory_space<vmem>>
        %dma_start3A_255 = tpu.memref_squeeze %dma_start3A_254 : memref<1x16x1000xf32, #tpu.memory_space<vmem>> -> memref<16x1000xf32, #tpu.memory_space<vmem>>
        %dma_start3A_256 = arith.constant 0 : i32
        %dma_start3A_257 = tpu.memref_slice %arg5[%rem3A_179, %dma_start3A_256] : memref<2x16xi32, #tpu.memory_space<vmem>> -> memref<1x16xi32, #tpu.memory_space<vmem>>
        %dma_start3A_258 = tpu.memref_squeeze %dma_start3A_257 : memref<1x16xi32, #tpu.memory_space<vmem>> -> memref<16xi32, #tpu.memory_space<vmem>>
        %dma_start3A_259 = arith.constant 0 : i32
        %dma_start3A_260 = arith.constant 0 : i32
        %dma_start3A_261 = tpu.memref_slice %arg2[%dma_start3A_259, %dma_start3A_260] : memref<1000x1000xf32, #tpu.memory_space<hbm>> -> memref<1000x1000xf32, #tpu.memory_space<hbm>>
        tpu.enqueue_indirect_dma source(%dma_start3A_261 : memref<1000x1000xf32, #tpu.memory_space<hbm>>) target(%dma_start3A_255 : memref<16x1000xf32, #tpu.memory_space<vmem>>) offsets(%dma_start3A_258 : memref<16xi32, #tpu.memory_space<vmem>>) semaphore(%arg8 : memref<!tpu.dma_semaphore, #tpu.memory_space<semaphore_mem>>)
      } else {
      }
      %dma_wait3A_183 = arith.constant 0 : i32
      %dma_wait3A_184 = arith.constant 0 : i32
      %dma_wait3A_185 = tpu.memref_slice %arg6[%sub3A_180, %dma_wait3A_183, %dma_wait3A_184] : memref<2x16x1000xf32, #tpu.memory_space<vmem>> -> memref<1x16x1000xf32, #tpu.memory_space<vmem>>
      %dma_wait3A_186 = tpu.memref_squeeze %dma_wait3A_185 : memref<1x16x1000xf32, #tpu.memory_space<vmem>> -> memref<16x1000xf32, #tpu.memory_space<vmem>>
      %dma_wait3A_187 = arith.constant 0 : i32
      %dma_wait3A_188 = arith.constant 0 : i32
      %dma_wait3A_189 = tpu.memref_slice %arg2[%dma_wait3A_187, %dma_wait3A_188] : memref<1000x1000xf32, #tpu.memory_space<hbm>> -> memref<16x1000xf32, #tpu.memory_space<hbm>>
      %dma_wait3A_190 = arith.constant 0 : i32
      %dma_wait3A_191 = arith.constant 0 : i32
      %dma_wait3A_192 = tpu.memref_slice %arg6[%sub3A_180, %dma_wait3A_190, %dma_wait3A_191] : memref<2x16x1000xf32, #tpu.memory_space<vmem>> -> memref<1x16x1000xf32, #tpu.memory_space<vmem>>
      %dma_wait3A_193 = tpu.memref_squeeze %dma_wait3A_192 : memref<1x16x1000xf32, #tpu.memory_space<vmem>> -> memref<16x1000xf32, #tpu.memory_space<vmem>>
      %dma_wait3A_194 = arith.constant 0 : i32
      %dma_wait3A_195 = arith.constant 0 : i32
      %dma_wait3A_196 = tpu.memref_slice %arg2[%dma_wait3A_194, %dma_wait3A_195] : memref<1000x1000xf32, #tpu.memory_space<hbm>> -> memref<16x1000xf32, #tpu.memory_space<hbm>>
      tpu.wait_dma2 semaphore(%arg8 : memref<!tpu.dma_semaphore, #tpu.memory_space<semaphore_mem>>) src(%dma_wait3A_196 : memref<16x1000xf32, #tpu.memory_space<hbm>>) dst(%dma_wait3A_193 : memref<16x1000xf32, #tpu.memory_space<vmem>>)
      %ge3A = arith.constant 3 : i32
      %ge3A_197 = arith.cmpi sge, %scan3A_177, %ge3A : i32
      %convert_element_type3A_198 = arith.extui %ge3A_197 : i1 to i32
      %cond3A_199 = arith.constant 0 : i32
      %cond3A_200 = arith.cmpi ne, %convert_element_type3A_198, %cond3A_199 : i32
      scf.if %cond3A_200 {
        %sub3A_238 = arith.constant 3 : i32
        %sub3A_239 = arith.subi %scan3A_177, %sub3A_238 : i32
        %add3A_240 = arith.addi %mul3A_2, %sub3A_239 : i32
        %div3A_241 = arith.constant 64 : i32
        %div3A_242 = arith.divsi %add3A_240, %div3A_241 : i32
        %rem3A_243 = arith.constant 64 : i32
        %rem3A_244 = arith.remsi %add3A_240, %rem3A_243 : i32
        %div3A_245 = arith.constant 8 : i32
        %div3A_246 = arith.divsi %rem3A_244, %div3A_245 : i32
        %rem3A_247 = arith.constant 8 : i32
        %rem3A_248 = arith.remsi %rem3A_244, %rem3A_247 : i32
        %mul3A_249 = arith.constant 16 : i32
        %mul3A_250 = arith.muli %mul3A_249, %rem3A_248 : i32
        %dma_wait3A_251 = arith.constant 0 : i32
        %dma_wait3A_252 = arith.constant 0 : i32
        %dma_wait3A_253 = arith.constant 0 : i32
        %dma_wait3A_254 = tpu.memref_slice %arg7[%sub3A_180, %dma_wait3A_251, %dma_wait3A_252, %dma_wait3A_253] : memref<2x125x8x16xf32, #tpu.memory_space<vmem>> -> memref<1x125x8x16xf32, #tpu.memory_space<vmem>>
        %dma_wait3A_255 = tpu.memref_squeeze %dma_wait3A_254 : memref<1x125x8x16xf32, #tpu.memory_space<vmem>> -> memref<125x8x16xf32, #tpu.memory_space<vmem>>
        %dma_wait3A_256 = arith.constant 0 : i32
        %dma_wait3A_257 = arith.constant 0 : i32
        %dma_wait3A_258 = tpu.memref_slice %arg4[%div3A_242, %dma_wait3A_256, %div3A_246, %dma_wait3A_257, %mul3A_250] : memref<50x125x8x8x128xf32, #tpu.memory_space<hbm>> -> memref<1x125x1x8x16xf32, #tpu.memory_space<hbm>>
        %dma_wait3A_259 = tpu.memref_squeeze %dma_wait3A_258 : memref<1x125x1x8x16xf32, #tpu.memory_space<hbm>> -> memref<125x8x16xf32, #tpu.memory_space<hbm>>
        %dma_wait3A_260 = arith.constant 0 : i32
        %dma_wait3A_261 = arith.constant 0 : i32
        %dma_wait3A_262 = tpu.memref_slice %arg4[%div3A_242, %dma_wait3A_260, %div3A_246, %dma_wait3A_261, %mul3A_250] : memref<50x125x8x8x128xf32, #tpu.memory_space<hbm>> -> memref<1x125x1x8x16xf32, #tpu.memory_space<hbm>>
        %dma_wait3A_263 = tpu.memref_squeeze %dma_wait3A_262 : memref<1x125x1x8x16xf32, #tpu.memory_space<hbm>> -> memref<125x8x16xf32, #tpu.memory_space<hbm>>
        %dma_wait3A_264 = arith.constant 0 : i32
        %dma_wait3A_265 = arith.constant 0 : i32
        %dma_wait3A_266 = arith.constant 0 : i32
        %dma_wait3A_267 = tpu.memref_slice %arg7[%sub3A_180, %dma_wait3A_264, %dma_wait3A_265, %dma_wait3A_266] : memref<2x125x8x16xf32, #tpu.memory_space<vmem>> -> memref<1x125x8x16xf32, #tpu.memory_space<vmem>>
        %dma_wait3A_268 = tpu.memref_squeeze %dma_wait3A_267 : memref<1x125x8x16xf32, #tpu.memory_space<vmem>> -> memref<125x8x16xf32, #tpu.memory_space<vmem>>
        tpu.wait_dma2 semaphore(%arg9 : memref<!tpu.dma_semaphore, #tpu.memory_space<semaphore_mem>>) src(%dma_wait3A_268 : memref<125x8x16xf32, #tpu.memory_space<vmem>>) dst(%dma_wait3A_263 : memref<125x8x16xf32, #tpu.memory_space<hbm>>)
      } else {
      }
      %scan3A_201 = arith.constant 0 : i32
      %scan3A_202 = arith.constant 0 : i32
      %scan3A_203 = arith.constant 125 : i32
      %scan3A_204 = arith.addi %scan3A_202, %scan3A_203 : i32
      %scan3A_205 = arith.constant 5 : i32
      scf.for %scan3A_238 = %scan3A_202 to %scan3A_204 step %scan3A_205  : i32 {
        %mul3A_239 = arith.constant 8 : i32
        %mul3A_240 = arith.muli %mul3A_239, %scan3A_238 : i32
        %add3A_241 = arith.constant 0 : i32
        %add3A_242 = arith.addi %mul3A_240, %add3A_241 : i32
        %broadcast_in_dim3A = vector.broadcast %add3A_242 : i32 to vector<16xi32>
        %gather3A = arith.constant 0 : i32
        %gather3A_243 = arith.constant 0 : i32
        %gather3A_244 = tpu.memref_slice %arg6[%sub3A_180, %gather3A, %gather3A_243] : memref<2x16x1000xf32, #tpu.memory_space<vmem>> -> memref<1x16x1000xf32, #tpu.memory_space<vmem>>
        %gather3A_245 = tpu.memref_squeeze %gather3A_244 : memref<1x16x1000xf32, #tpu.memory_space<vmem>> -> memref<16x1000xf32, #tpu.memory_space<vmem>>
        %gather3A_246 = tpu.vector_load_idx %gather3A_245[%iota3A, %broadcast_in_dim3A] : memref<16x1000xf32, #tpu.memory_space<vmem>>[vector<16xi32>, vector<16xi32>], vector<16xf32>,
        %swap3A = arith.constant 0 : i32
        %swap3A_247 = arith.index_cast %sub3A_180 : i32 to index
        %swap3A_248 = arith.index_cast %scan3A_238 : i32 to index
        %swap3A_249 = arith.index_cast %swap3A : i32 to index
        %swap3A_250 = arith.constant 0 : index
        %swap3A_251 = tpu.vector_load %arg7[%swap3A_247, %swap3A_248, %swap3A_249, %swap3A_250] {strides = array<i32>} : memref<2x125x8x16xf32, #tpu.memory_space<vmem>>, vector<16xf32>,
        tpu.vector_store %arg7[%swap3A_247, %swap3A_248, %swap3A_249, %swap3A_250], %gather3A_246 {strides = array<i32>} : memref<2x125x8x16xf32, #tpu.memory_space<vmem>>, vector<16xf32>,
        %mul3A_252 = arith.constant 8 : i32
        %mul3A_253 = arith.muli %mul3A_252, %scan3A_238 : i32
        %add3A_254 = arith.constant 1 : i32
        %add3A_255 = arith.addi %mul3A_253, %add3A_254 : i32
        %broadcast_in_dim3A_256 = vector.broadcast %add3A_255 : i32 to vector<16xi32>
        %gather3A_257 = arith.constant 0 : i32
        %gather3A_258 = arith.constant 0 : i32
        %gather3A_259 = tpu.memref_slice %arg6[%sub3A_180, %gather3A_257, %gather3A_258] : memref<2x16x1000xf32, #tpu.memory_space<vmem>> -> memref<1x16x1000xf32, #tpu.memory_space<vmem>>
        %gather3A_260 = tpu.memref_squeeze %gather3A_259 : memref<1x16x1000xf32, #tpu.memory_space<vmem>> -> memref<16x1000xf32, #tpu.memory_space<vmem>>
        %gather3A_261 = tpu.vector_load_idx %gather3A_260[%iota3A, %broadcast_in_dim3A_256] : memref<16x1000xf32, #tpu.memory_space<vmem>>[vector<16xi32>, vector<16xi32>], vector<16xf32>,
        %swap3A_262 = arith.constant 1 : i32
        %swap3A_263 = arith.index_cast %sub3A_180 : i32 to index
        %swap3A_264 = arith.index_cast %scan3A_238 : i32 to index
        %swap3A_265 = arith.index_cast %swap3A_262 : i32 to index
        %swap3A_266 = arith.constant 0 : index
        %swap3A_267 = tpu.vector_load %arg7[%swap3A_263, %swap3A_264, %swap3A_265, %swap3A_266] {strides = array<i32>} : memref<2x125x8x16xf32, #tpu.memory_space<vmem>>, vector<16xf32>,
        tpu.vector_store %arg7[%swap3A_263, %swap3A_264, %swap3A_265, %swap3A_266], %gather3A_261 {strides = array<i32>} : memref<2x125x8x16xf32, #tpu.memory_space<vmem>>, vector<16xf32>,
        %mul3A_268 = arith.constant 8 : i32
        %mul3A_269 = arith.muli %mul3A_268, %scan3A_238 : i32
        %add3A_270 = arith.constant 2 : i32
        %add3A_271 = arith.addi %mul3A_269, %add3A_270 : i32
        %broadcast_in_dim3A_272 = vector.broadcast %add3A_271 : i32 to vector<16xi32>
        %gather3A_273 = arith.constant 0 : i32
        %gather3A_274 = arith.constant 0 : i32
        %gather3A_275 = tpu.memref_slice %arg6[%sub3A_180, %gather3A_273, %gather3A_274] : memref<2x16x1000xf32, #tpu.memory_space<vmem>> -> memref<1x16x1000xf32, #tpu.memory_space<vmem>>
        %gather3A_276 = tpu.memref_squeeze %gather3A_275 : memref<1x16x1000xf32, #tpu.memory_space<vmem>> -> memref<16x1000xf32, #tpu.memory_space<vmem>>
        %gather3A_277 = tpu.vector_load_idx %gather3A_276[%iota3A, %broadcast_in_dim3A_272] : memref<16x1000xf32, #tpu.memory_space<vmem>>[vector<16xi32>, vector<16xi32>], vector<16xf32>,
        %swap3A_278 = arith.constant 2 : i32
        %swap3A_279 = arith.index_cast %sub3A_180 : i32 to index
        %swap3A_280 = arith.index_cast %scan3A_238 : i32 to index
        %swap3A_281 = arith.index_cast %swap3A_278 : i32 to index
        %swap3A_282 = arith.constant 0 : index
        %swap3A_283 = tpu.vector_load %arg7[%swap3A_279, %swap3A_280, %swap3A_281, %swap3A_282] {strides = array<i32>} : memref<2x125x8x16xf32, #tpu.memory_space<vmem>>, vector<16xf32>,
        tpu.vector_store %arg7[%swap3A_279, %swap3A_280, %swap3A_281, %swap3A_282], %gather3A_277 {strides = array<i32>} : memref<2x125x8x16xf32, #tpu.memory_space<vmem>>, vector<16xf32>,
        %mul3A_284 = arith.constant 8 : i32
        %mul3A_285 = arith.muli %mul3A_284, %scan3A_238 : i32
        %add3A_286 = arith.constant 3 : i32
        %add3A_287 = arith.addi %mul3A_285, %add3A_286 : i32
        %broadcast_in_dim3A_288 = vector.broadcast %add3A_287 : i32 to vector<16xi32>
        %gather3A_289 = arith.constant 0 : i32
        %gather3A_290 = arith.constant 0 : i32
        %gather3A_291 = tpu.memref_slice %arg6[%sub3A_180, %gather3A_289, %gather3A_290] : memref<2x16x1000xf32, #tpu.memory_space<vmem>> -> memref<1x16x1000xf32, #tpu.memory_space<vmem>>
        %gather3A_292 = tpu.memref_squeeze %gather3A_291 : memref<1x16x1000xf32, #tpu.memory_space<vmem>> -> memref<16x1000xf32, #tpu.memory_space<vmem>>
        %gather3A_293 = tpu.vector_load_idx %gather3A_292[%iota3A, %broadcast_in_dim3A_288] : memref<16x1000xf32, #tpu.memory_space<vmem>>[vector<16xi32>, vector<16xi32>], vector<16xf32>,
        %swap3A_294 = arith.constant 3 : i32
        %swap3A_295 = arith.index_cast %sub3A_180 : i32 to index
        %swap3A_296 = arith.index_cast %scan3A_238 : i32 to index
        %swap3A_297 = arith.index_cast %swap3A_294 : i32 to index
        %swap3A_298 = arith.constant 0 : index
        %swap3A_299 = tpu.vector_load %arg7[%swap3A_295, %swap3A_296, %swap3A_297, %swap3A_298] {strides = array<i32>} : memref<2x125x8x16xf32, #tpu.memory_space<vmem>>, vector<16xf32>,
        tpu.vector_store %arg7[%swap3A_295, %swap3A_296, %swap3A_297, %swap3A_298], %gather3A_293 {strides = array<i32>} : memref<2x125x8x16xf32, #tpu.memory_space<vmem>>, vector<16xf32>,
        %mul3A_300 = arith.constant 8 : i32
        %mul3A_301 = arith.muli %mul3A_300, %scan3A_238 : i32
        %add3A_302 = arith.constant 4 : i32
        %add3A_303 = arith.addi %mul3A_301, %add3A_302 : i32
        %broadcast_in_dim3A_304 = vector.broadcast %add3A_303 : i32 to vector<16xi32>
        %gather3A_305 = arith.constant 0 : i32
        %gather3A_306 = arith.constant 0 : i32
        %gather3A_307 = tpu.memref_slice %arg6[%sub3A_180, %gather3A_305, %gather3A_306] : memref<2x16x1000xf32, #tpu.memory_space<vmem>> -> memref<1x16x1000xf32, #tpu.memory_space<vmem>>
        %gather3A_308 = tpu.memref_squeeze %gather3A_307 : memref<1x16x1000xf32, #tpu.memory_space<vmem>> -> memref<16x1000xf32, #tpu.memory_space<vmem>>
        %gather3A_309 = tpu.vector_load_idx %gather3A_308[%iota3A, %broadcast_in_dim3A_304] : memref<16x1000xf32, #tpu.memory_space<vmem>>[vector<16xi32>, vector<16xi32>], vector<16xf32>,
        %swap3A_310 = arith.constant 4 : i32
        %swap3A_311 = arith.index_cast %sub3A_180 : i32 to index
        %swap3A_312 = arith.index_cast %scan3A_238 : i32 to index
        %swap3A_313 = arith.index_cast %swap3A_310 : i32 to index
        %swap3A_314 = arith.constant 0 : index
        %swap3A_315 = tpu.vector_load %arg7[%swap3A_311, %swap3A_312, %swap3A_313, %swap3A_314] {strides = array<i32>} : memref<2x125x8x16xf32, #tpu.memory_space<vmem>>, vector<16xf32>,
        tpu.vector_store %arg7[%swap3A_311, %swap3A_312, %swap3A_313, %swap3A_314], %gather3A_309 {strides = array<i32>} : memref<2x125x8x16xf32, #tpu.memory_space<vmem>>, vector<16xf32>,
        %mul3A_316 = arith.constant 8 : i32
        %mul3A_317 = arith.muli %mul3A_316, %scan3A_238 : i32
        %add3A_318 = arith.constant 5 : i32
        %add3A_319 = arith.addi %mul3A_317, %add3A_318 : i32
        %broadcast_in_dim3A_320 = vector.broadcast %add3A_319 : i32 to vector<16xi32>
        %gather3A_321 = arith.constant 0 : i32
        %gather3A_322 = arith.constant 0 : i32
        %gather3A_323 = tpu.memref_slice %arg6[%sub3A_180, %gather3A_321, %gather3A_322] : memref<2x16x1000xf32, #tpu.memory_space<vmem>> -> memref<1x16x1000xf32, #tpu.memory_space<vmem>>
        %gather3A_324 = tpu.memref_squeeze %gather3A_323 : memref<1x16x1000xf32, #tpu.memory_space<vmem>> -> memref<16x1000xf32, #tpu.memory_space<vmem>>
        %gather3A_325 = tpu.vector_load_idx %gather3A_324[%iota3A, %broadcast_in_dim3A_320] : memref<16x1000xf32, #tpu.memory_space<vmem>>[vector<16xi32>, vector<16xi32>], vector<16xf32>,
        %swap3A_326 = arith.constant 5 : i32
        %swap3A_327 = arith.index_cast %sub3A_180 : i32 to index
        %swap3A_328 = arith.index_cast %scan3A_238 : i32 to index
        %swap3A_329 = arith.index_cast %swap3A_326 : i32 to index
        %swap3A_330 = arith.constant 0 : index
        %swap3A_331 = tpu.vector_load %arg7[%swap3A_327, %swap3A_328, %swap3A_329, %swap3A_330] {strides = array<i32>} : memref<2x125x8x16xf32, #tpu.memory_space<vmem>>, vector<16xf32>,
        tpu.vector_store %arg7[%swap3A_327, %swap3A_328, %swap3A_329, %swap3A_330], %gather3A_325 {strides = array<i32>} : memref<2x125x8x16xf32, #tpu.memory_space<vmem>>, vector<16xf32>,
        %mul3A_332 = arith.constant 8 : i32
        %mul3A_333 = arith.muli %mul3A_332, %scan3A_238 : i32
        %add3A_334 = arith.constant 6 : i32
        %add3A_335 = arith.addi %mul3A_333, %add3A_334 : i32
        %broadcast_in_dim3A_336 = vector.broadcast %add3A_335 : i32 to vector<16xi32>
        %gather3A_337 = arith.constant 0 : i32
        %gather3A_338 = arith.constant 0 : i32
        %gather3A_339 = tpu.memref_slice %arg6[%sub3A_180, %gather3A_337, %gather3A_338] : memref<2x16x1000xf32, #tpu.memory_space<vmem>> -> memref<1x16x1000xf32, #tpu.memory_space<vmem>>
        %gather3A_340 = tpu.memref_squeeze %gather3A_339 : memref<1x16x1000xf32, #tpu.memory_space<vmem>> -> memref<16x1000xf32, #tpu.memory_space<vmem>>
        %gather3A_341 = tpu.vector_load_idx %gather3A_340[%iota3A, %broadcast_in_dim3A_336] : memref<16x1000xf32, #tpu.memory_space<vmem>>[vector<16xi32>, vector<16xi32>], vector<16xf32>,
        %swap3A_342 = arith.constant 6 : i32
        %swap3A_343 = arith.index_cast %sub3A_180 : i32 to index
        %swap3A_344 = arith.index_cast %scan3A_238 : i32 to index
        %swap3A_345 = arith.index_cast %swap3A_342 : i32 to index
        %swap3A_346 = arith.constant 0 : index
        %swap3A_347 = tpu.vector_load %arg7[%swap3A_343, %swap3A_344, %swap3A_345, %swap3A_346] {strides = array<i32>} : memref<2x125x8x16xf32, #tpu.memory_space<vmem>>, vector<16xf32>,
        tpu.vector_store %arg7[%swap3A_343, %swap3A_344, %swap3A_345, %swap3A_346], %gather3A_341 {strides = array<i32>} : memref<2x125x8x16xf32, #tpu.memory_space<vmem>>, vector<16xf32>,
        %mul3A_348 = arith.constant 8 : i32
        %mul3A_349 = arith.muli %mul3A_348, %scan3A_238 : i32
        %add3A_350 = arith.constant 7 : i32
        %add3A_351 = arith.addi %mul3A_349, %add3A_350 : i32
        %broadcast_in_dim3A_352 = vector.broadcast %add3A_351 : i32 to vector<16xi32>
        %gather3A_353 = arith.constant 0 : i32
        %gather3A_354 = arith.constant 0 : i32
        %gather3A_355 = tpu.memref_slice %arg6[%sub3A_180, %gather3A_353, %gather3A_354] : memref<2x16x1000xf32, #tpu.memory_space<vmem>> -> memref<1x16x1000xf32, #tpu.memory_space<vmem>>
        %gather3A_356 = tpu.memref_squeeze %gather3A_355 : memref<1x16x1000xf32, #tpu.memory_space<vmem>> -> memref<16x1000xf32, #tpu.memory_space<vmem>>
        %gather3A_357 = tpu.vector_load_idx %gather3A_356[%iota3A, %broadcast_in_dim3A_352] : memref<16x1000xf32, #tpu.memory_space<vmem>>[vector<16xi32>, vector<16xi32>], vector<16xf32>,
        %swap3A_358 = arith.constant 7 : i32
        %swap3A_359 = arith.index_cast %sub3A_180 : i32 to index
        %swap3A_360 = arith.index_cast %scan3A_238 : i32 to index
        %swap3A_361 = arith.index_cast %swap3A_358 : i32 to index
        %swap3A_362 = arith.constant 0 : index
        %swap3A_363 = tpu.vector_load %arg7[%swap3A_359, %swap3A_360, %swap3A_361, %swap3A_362] {strides = array<i32>} : memref<2x125x8x16xf32, #tpu.memory_space<vmem>>, vector<16xf32>,
        tpu.vector_store %arg7[%swap3A_359, %swap3A_360, %swap3A_361, %swap3A_362], %gather3A_357 {strides = array<i32>} : memref<2x125x8x16xf32, #tpu.memory_space<vmem>>, vector<16xf32>,
        %scan3A_364 = arith.constant 1 : i32
        %scan3A_365 = arith.addi %scan3A_238, %scan3A_364 : i32
        %mul3A_366 = arith.constant 8 : i32
        %mul3A_367 = arith.muli %mul3A_366, %scan3A_365 : i32
        %add3A_368 = arith.constant 0 : i32
        %add3A_369 = arith.addi %mul3A_367, %add3A_368 : i32
        %broadcast_in_dim3A_370 = vector.broadcast %add3A_369 : i32 to vector<16xi32>
        %gather3A_371 = arith.constant 0 : i32
        %gather3A_372 = arith.constant 0 : i32
        %gather3A_373 = tpu.memref_slice %arg6[%sub3A_180, %gather3A_371, %gather3A_372] : memref<2x16x1000xf32, #tpu.memory_space<vmem>> -> memref<1x16x1000xf32, #tpu.memory_space<vmem>>
        %gather3A_374 = tpu.memref_squeeze %gather3A_373 : memref<1x16x1000xf32, #tpu.memory_space<vmem>> -> memref<16x1000xf32, #tpu.memory_space<vmem>>
        %gather3A_375 = tpu.vector_load_idx %gather3A_374[%iota3A, %broadcast_in_dim3A_370] : memref<16x1000xf32, #tpu.memory_space<vmem>>[vector<16xi32>, vector<16xi32>], vector<16xf32>,
        %swap3A_376 = arith.constant 0 : i32
        %swap3A_377 = arith.index_cast %sub3A_180 : i32 to index
        %swap3A_378 = arith.index_cast %scan3A_365 : i32 to index
        %swap3A_379 = arith.index_cast %swap3A_376 : i32 to index
        %swap3A_380 = arith.constant 0 : index
        %swap3A_381 = tpu.vector_load %arg7[%swap3A_377, %swap3A_378, %swap3A_379, %swap3A_380] {strides = array<i32>} : memref<2x125x8x16xf32, #tpu.memory_space<vmem>>, vector<16xf32>,
        tpu.vector_store %arg7[%swap3A_377, %swap3A_378, %swap3A_379, %swap3A_380], %gather3A_375 {strides = array<i32>} : memref<2x125x8x16xf32, #tpu.memory_space<vmem>>, vector<16xf32>,
        %mul3A_382 = arith.constant 8 : i32
        %mul3A_383 = arith.muli %mul3A_382, %scan3A_365 : i32
        %add3A_384 = arith.constant 1 : i32
        %add3A_385 = arith.addi %mul3A_383, %add3A_384 : i32
        %broadcast_in_dim3A_386 = vector.broadcast %add3A_385 : i32 to vector<16xi32>
        %gather3A_387 = arith.constant 0 : i32
        %gather3A_388 = arith.constant 0 : i32
        %gather3A_389 = tpu.memref_slice %arg6[%sub3A_180, %gather3A_387, %gather3A_388] : memref<2x16x1000xf32, #tpu.memory_space<vmem>> -> memref<1x16x1000xf32, #tpu.memory_space<vmem>>
        %gather3A_390 = tpu.memref_squeeze %gather3A_389 : memref<1x16x1000xf32, #tpu.memory_space<vmem>> -> memref<16x1000xf32, #tpu.memory_space<vmem>>
        %gather3A_391 = tpu.vector_load_idx %gather3A_390[%iota3A, %broadcast_in_dim3A_386] : memref<16x1000xf32, #tpu.memory_space<vmem>>[vector<16xi32>, vector<16xi32>], vector<16xf32>,
        %swap3A_392 = arith.constant 1 : i32
        %swap3A_393 = arith.index_cast %sub3A_180 : i32 to index
        %swap3A_394 = arith.index_cast %scan3A_365 : i32 to index
        %swap3A_395 = arith.index_cast %swap3A_392 : i32 to index
        %swap3A_396 = arith.constant 0 : index
        %swap3A_397 = tpu.vector_load %arg7[%swap3A_393, %swap3A_394, %swap3A_395, %swap3A_396] {strides = array<i32>} : memref<2x125x8x16xf32, #tpu.memory_space<vmem>>, vector<16xf32>,
        tpu.vector_store %arg7[%swap3A_393, %swap3A_394, %swap3A_395, %swap3A_396], %gather3A_391 {strides = array<i32>} : memref<2x125x8x16xf32, #tpu.memory_space<vmem>>, vector<16xf32>,
        %mul3A_398 = arith.constant 8 : i32
        %mul3A_399 = arith.muli %mul3A_398, %scan3A_365 : i32
        %add3A_400 = arith.constant 2 : i32
        %add3A_401 = arith.addi %mul3A_399, %add3A_400 : i32
        %broadcast_in_dim3A_402 = vector.broadcast %add3A_401 : i32 to vector<16xi32>
        %gather3A_403 = arith.constant 0 : i32
        %gather3A_404 = arith.constant 0 : i32
        %gather3A_405 = tpu.memref_slice %arg6[%sub3A_180, %gather3A_403, %gather3A_404] : memref<2x16x1000xf32, #tpu.memory_space<vmem>> -> memref<1x16x1000xf32, #tpu.memory_space<vmem>>
        %gather3A_406 = tpu.memref_squeeze %gather3A_405 : memref<1x16x1000xf32, #tpu.memory_space<vmem>> -> memref<16x1000xf32, #tpu.memory_space<vmem>>
        %gather3A_407 = tpu.vector_load_idx %gather3A_406[%iota3A, %broadcast_in_dim3A_402] : memref<16x1000xf32, #tpu.memory_space<vmem>>[vector<16xi32>, vector<16xi32>], vector<16xf32>,
        %swap3A_408 = arith.constant 2 : i32
        %swap3A_409 = arith.index_cast %sub3A_180 : i32 to index
        %swap3A_410 = arith.index_cast %scan3A_365 : i32 to index
        %swap3A_411 = arith.index_cast %swap3A_408 : i32 to index
        %swap3A_412 = arith.constant 0 : index
        %swap3A_413 = tpu.vector_load %arg7[%swap3A_409, %swap3A_410, %swap3A_411, %swap3A_412] {strides = array<i32>} : memref<2x125x8x16xf32, #tpu.memory_space<vmem>>, vector<16xf32>,
        tpu.vector_store %arg7[%swap3A_409, %swap3A_410, %swap3A_411, %swap3A_412], %gather3A_407 {strides = array<i32>} : memref<2x125x8x16xf32, #tpu.memory_space<vmem>>, vector<16xf32>,
        %mul3A_414 = arith.constant 8 : i32
        %mul3A_415 = arith.muli %mul3A_414, %scan3A_365 : i32
        %add3A_416 = arith.constant 3 : i32
        %add3A_417 = arith.addi %mul3A_415, %add3A_416 : i32
        %broadcast_in_dim3A_418 = vector.broadcast %add3A_417 : i32 to vector<16xi32>
        %gather3A_419 = arith.constant 0 : i32
        %gather3A_420 = arith.constant 0 : i32
        %gather3A_421 = tpu.memref_slice %arg6[%sub3A_180, %gather3A_419, %gather3A_420] : memref<2x16x1000xf32, #tpu.memory_space<vmem>> -> memref<1x16x1000xf32, #tpu.memory_space<vmem>>
        %gather3A_422 = tpu.memref_squeeze %gather3A_421 : memref<1x16x1000xf32, #tpu.memory_space<vmem>> -> memref<16x1000xf32, #tpu.memory_space<vmem>>
        %gather3A_423 = tpu.vector_load_idx %gather3A_422[%iota3A, %broadcast_in_dim3A_418] : memref<16x1000xf32, #tpu.memory_space<vmem>>[vector<16xi32>, vector<16xi32>], vector<16xf32>,
        %swap3A_424 = arith.constant 3 : i32
        %swap3A_425 = arith.index_cast %sub3A_180 : i32 to index
        %swap3A_426 = arith.index_cast %scan3A_365 : i32 to index
        %swap3A_427 = arith.index_cast %swap3A_424 : i32 to index
        %swap3A_428 = arith.constant 0 : index
        %swap3A_429 = tpu.vector_load %arg7[%swap3A_425, %swap3A_426, %swap3A_427, %swap3A_428] {strides = array<i32>} : memref<2x125x8x16xf32, #tpu.memory_space<vmem>>, vector<16xf32>,
        tpu.vector_store %arg7[%swap3A_425, %swap3A_426, %swap3A_427, %swap3A_428], %gather3A_423 {strides = array<i32>} : memref<2x125x8x16xf32, #tpu.memory_space<vmem>>, vector<16xf32>,
        %mul3A_430 = arith.constant 8 : i32
        %mul3A_431 = arith.muli %mul3A_430, %scan3A_365 : i32
        %add3A_432 = arith.constant 4 : i32
        %add3A_433 = arith.addi %mul3A_431, %add3A_432 : i32
        %broadcast_in_dim3A_434 = vector.broadcast %add3A_433 : i32 to vector<16xi32>
        %gather3A_435 = arith.constant 0 : i32
        %gather3A_436 = arith.constant 0 : i32
        %gather3A_437 = tpu.memref_slice %arg6[%sub3A_180, %gather3A_435, %gather3A_436] : memref<2x16x1000xf32, #tpu.memory_space<vmem>> -> memref<1x16x1000xf32, #tpu.memory_space<vmem>>
        %gather3A_438 = tpu.memref_squeeze %gather3A_437 : memref<1x16x1000xf32, #tpu.memory_space<vmem>> -> memref<16x1000xf32, #tpu.memory_space<vmem>>
        %gather3A_439 = tpu.vector_load_idx %gather3A_438[%iota3A, %broadcast_in_dim3A_434] : memref<16x1000xf32, #tpu.memory_space<vmem>>[vector<16xi32>, vector<16xi32>], vector<16xf32>,
        %swap3A_440 = arith.constant 4 : i32
        %swap3A_441 = arith.index_cast %sub3A_180 : i32 to index
        %swap3A_442 = arith.index_cast %scan3A_365 : i32 to index
        %swap3A_443 = arith.index_cast %swap3A_440 : i32 to index
        %swap3A_444 = arith.constant 0 : index
        %swap3A_445 = tpu.vector_load %arg7[%swap3A_441, %swap3A_442, %swap3A_443, %swap3A_444] {strides = array<i32>} : memref<2x125x8x16xf32, #tpu.memory_space<vmem>>, vector<16xf32>,
        tpu.vector_store %arg7[%swap3A_441, %swap3A_442, %swap3A_443, %swap3A_444], %gather3A_439 {strides = array<i32>} : memref<2x125x8x16xf32, #tpu.memory_space<vmem>>, vector<16xf32>,
        %mul3A_446 = arith.constant 8 : i32
        %mul3A_447 = arith.muli %mul3A_446, %scan3A_365 : i32
        %add3A_448 = arith.constant 5 : i32
        %add3A_449 = arith.addi %mul3A_447, %add3A_448 : i32
        %broadcast_in_dim3A_450 = vector.broadcast %add3A_449 : i32 to vector<16xi32>
        %gather3A_451 = arith.constant 0 : i32
        %gather3A_452 = arith.constant 0 : i32
        %gather3A_453 = tpu.memref_slice %arg6[%sub3A_180, %gather3A_451, %gather3A_452] : memref<2x16x1000xf32, #tpu.memory_space<vmem>> -> memref<1x16x1000xf32, #tpu.memory_space<vmem>>
        %gather3A_454 = tpu.memref_squeeze %gather3A_453 : memref<1x16x1000xf32, #tpu.memory_space<vmem>> -> memref<16x1000xf32, #tpu.memory_space<vmem>>
        %gather3A_455 = tpu.vector_load_idx %gather3A_454[%iota3A, %broadcast_in_dim3A_450] : memref<16x1000xf32, #tpu.memory_space<vmem>>[vector<16xi32>, vector<16xi32>], vector<16xf32>,
        %swap3A_456 = arith.constant 5 : i32
        %swap3A_457 = arith.index_cast %sub3A_180 : i32 to index
        %swap3A_458 = arith.index_cast %scan3A_365 : i32 to index
        %swap3A_459 = arith.index_cast %swap3A_456 : i32 to index
        %swap3A_460 = arith.constant 0 : index
        %swap3A_461 = tpu.vector_load %arg7[%swap3A_457, %swap3A_458, %swap3A_459, %swap3A_460] {strides = array<i32>} : memref<2x125x8x16xf32, #tpu.memory_space<vmem>>, vector<16xf32>,
        tpu.vector_store %arg7[%swap3A_457, %swap3A_458, %swap3A_459, %swap3A_460], %gather3A_455 {strides = array<i32>} : memref<2x125x8x16xf32, #tpu.memory_space<vmem>>, vector<16xf32>,
        %mul3A_462 = arith.constant 8 : i32
        %mul3A_463 = arith.muli %mul3A_462, %scan3A_365 : i32
        %add3A_464 = arith.constant 6 : i32
        %add3A_465 = arith.addi %mul3A_463, %add3A_464 : i32
        %broadcast_in_dim3A_466 = vector.broadcast %add3A_465 : i32 to vector<16xi32>
        %gather3A_467 = arith.constant 0 : i32
        %gather3A_468 = arith.constant 0 : i32
        %gather3A_469 = tpu.memref_slice %arg6[%sub3A_180, %gather3A_467, %gather3A_468] : memref<2x16x1000xf32, #tpu.memory_space<vmem>> -> memref<1x16x1000xf32, #tpu.memory_space<vmem>>
        %gather3A_470 = tpu.memref_squeeze %gather3A_469 : memref<1x16x1000xf32, #tpu.memory_space<vmem>> -> memref<16x1000xf32, #tpu.memory_space<vmem>>
        %gather3A_471 = tpu.vector_load_idx %gather3A_470[%iota3A, %broadcast_in_dim3A_466] : memref<16x1000xf32, #tpu.memory_space<vmem>>[vector<16xi32>, vector<16xi32>], vector<16xf32>,
        %swap3A_472 = arith.constant 6 : i32
        %swap3A_473 = arith.index_cast %sub3A_180 : i32 to index
        %swap3A_474 = arith.index_cast %scan3A_365 : i32 to index
        %swap3A_475 = arith.index_cast %swap3A_472 : i32 to index
        %swap3A_476 = arith.constant 0 : index
        %swap3A_477 = tpu.vector_load %arg7[%swap3A_473, %swap3A_474, %swap3A_475, %swap3A_476] {strides = array<i32>} : memref<2x125x8x16xf32, #tpu.memory_space<vmem>>, vector<16xf32>,
        tpu.vector_store %arg7[%swap3A_473, %swap3A_474, %swap3A_475, %swap3A_476], %gather3A_471 {strides = array<i32>} : memref<2x125x8x16xf32, #tpu.memory_space<vmem>>, vector<16xf32>,
        %mul3A_478 = arith.constant 8 : i32
        %mul3A_479 = arith.muli %mul3A_478, %scan3A_365 : i32
        %add3A_480 = arith.constant 7 : i32
        %add3A_481 = arith.addi %mul3A_479, %add3A_480 : i32
        %broadcast_in_dim3A_482 = vector.broadcast %add3A_481 : i32 to vector<16xi32>
        %gather3A_483 = arith.constant 0 : i32
        %gather3A_484 = arith.constant 0 : i32
        %gather3A_485 = tpu.memref_slice %arg6[%sub3A_180, %gather3A_483, %gather3A_484] : memref<2x16x1000xf32, #tpu.memory_space<vmem>> -> memref<1x16x1000xf32, #tpu.memory_space<vmem>>
        %gather3A_486 = tpu.memref_squeeze %gather3A_485 : memref<1x16x1000xf32, #tpu.memory_space<vmem>> -> memref<16x1000xf32, #tpu.memory_space<vmem>>
        %gather3A_487 = tpu.vector_load_idx %gather3A_486[%iota3A, %broadcast_in_dim3A_482] : memref<16x1000xf32, #tpu.memory_space<vmem>>[vector<16xi32>, vector<16xi32>], vector<16xf32>,
        %swap3A_488 = arith.constant 7 : i32
        %swap3A_489 = arith.index_cast %sub3A_180 : i32 to index
        %swap3A_490 = arith.index_cast %scan3A_365 : i32 to index
        %swap3A_491 = arith.index_cast %swap3A_488 : i32 to index
        %swap3A_492 = arith.constant 0 : index
        %swap3A_493 = tpu.vector_load %arg7[%swap3A_489, %swap3A_490, %swap3A_491, %swap3A_492] {strides = array<i32>} : memref<2x125x8x16xf32, #tpu.memory_space<vmem>>, vector<16xf32>,
        tpu.vector_store %arg7[%swap3A_489, %swap3A_490, %swap3A_491, %swap3A_492], %gather3A_487 {strides = array<i32>} : memref<2x125x8x16xf32, #tpu.memory_space<vmem>>, vector<16xf32>,
        %scan3A_494 = arith.constant 2 : i32
        %scan3A_495 = arith.addi %scan3A_238, %scan3A_494 : i32
        %mul3A_496 = arith.constant 8 : i32
        %mul3A_497 = arith.muli %mul3A_496, %scan3A_495 : i32
        %add3A_498 = arith.constant 0 : i32
        %add3A_499 = arith.addi %mul3A_497, %add3A_498 : i32
        %broadcast_in_dim3A_500 = vector.broadcast %add3A_499 : i32 to vector<16xi32>
        %gather3A_501 = arith.constant 0 : i32
        %gather3A_502 = arith.constant 0 : i32
        %gather3A_503 = tpu.memref_slice %arg6[%sub3A_180, %gather3A_501, %gather3A_502] : memref<2x16x1000xf32, #tpu.memory_space<vmem>> -> memref<1x16x1000xf32, #tpu.memory_space<vmem>>
        %gather3A_504 = tpu.memref_squeeze %gather3A_503 : memref<1x16x1000xf32, #tpu.memory_space<vmem>> -> memref<16x1000xf32, #tpu.memory_space<vmem>>
        %gather3A_505 = tpu.vector_load_idx %gather3A_504[%iota3A, %broadcast_in_dim3A_500] : memref<16x1000xf32, #tpu.memory_space<vmem>>[vector<16xi32>, vector<16xi32>], vector<16xf32>,
        %swap3A_506 = arith.constant 0 : i32
        %swap3A_507 = arith.index_cast %sub3A_180 : i32 to index
        %swap3A_508 = arith.index_cast %scan3A_495 : i32 to index
        %swap3A_509 = arith.index_cast %swap3A_506 : i32 to index
        %swap3A_510 = arith.constant 0 : index
        %swap3A_511 = tpu.vector_load %arg7[%swap3A_507, %swap3A_508, %swap3A_509, %swap3A_510] {strides = array<i32>} : memref<2x125x8x16xf32, #tpu.memory_space<vmem>>, vector<16xf32>,
        tpu.vector_store %arg7[%swap3A_507, %swap3A_508, %swap3A_509, %swap3A_510], %gather3A_505 {strides = array<i32>} : memref<2x125x8x16xf32, #tpu.memory_space<vmem>>, vector<16xf32>,
        %mul3A_512 = arith.constant 8 : i32
        %mul3A_513 = arith.muli %mul3A_512, %scan3A_495 : i32
        %add3A_514 = arith.constant 1 : i32
        %add3A_515 = arith.addi %mul3A_513, %add3A_514 : i32
        %broadcast_in_dim3A_516 = vector.broadcast %add3A_515 : i32 to vector<16xi32>
        %gather3A_517 = arith.constant 0 : i32
        %gather3A_518 = arith.constant 0 : i32
        %gather3A_519 = tpu.memref_slice %arg6[%sub3A_180, %gather3A_517, %gather3A_518] : memref<2x16x1000xf32, #tpu.memory_space<vmem>> -> memref<1x16x1000xf32, #tpu.memory_space<vmem>>
        %gather3A_520 = tpu.memref_squeeze %gather3A_519 : memref<1x16x1000xf32, #tpu.memory_space<vmem>> -> memref<16x1000xf32, #tpu.memory_space<vmem>>
        %gather3A_521 = tpu.vector_load_idx %gather3A_520[%iota3A, %broadcast_in_dim3A_516] : memref<16x1000xf32, #tpu.memory_space<vmem>>[vector<16xi32>, vector<16xi32>], vector<16xf32>,
        %swap3A_522 = arith.constant 1 : i32
        %swap3A_523 = arith.index_cast %sub3A_180 : i32 to index
        %swap3A_524 = arith.index_cast %scan3A_495 : i32 to index
        %swap3A_525 = arith.index_cast %swap3A_522 : i32 to index
        %swap3A_526 = arith.constant 0 : index
        %swap3A_527 = tpu.vector_load %arg7[%swap3A_523, %swap3A_524, %swap3A_525, %swap3A_526] {strides = array<i32>} : memref<2x125x8x16xf32, #tpu.memory_space<vmem>>, vector<16xf32>,
        tpu.vector_store %arg7[%swap3A_523, %swap3A_524, %swap3A_525, %swap3A_526], %gather3A_521 {strides = array<i32>} : memref<2x125x8x16xf32, #tpu.memory_space<vmem>>, vector<16xf32>,
        %mul3A_528 = arith.constant 8 : i32
        %mul3A_529 = arith.muli %mul3A_528, %scan3A_495 : i32
        %add3A_530 = arith.constant 2 : i32
        %add3A_531 = arith.addi %mul3A_529, %add3A_530 : i32
        %broadcast_in_dim3A_532 = vector.broadcast %add3A_531 : i32 to vector<16xi32>
        %gather3A_533 = arith.constant 0 : i32
        %gather3A_534 = arith.constant 0 : i32
        %gather3A_535 = tpu.memref_slice %arg6[%sub3A_180, %gather3A_533, %gather3A_534] : memref<2x16x1000xf32, #tpu.memory_space<vmem>> -> memref<1x16x1000xf32, #tpu.memory_space<vmem>>
        %gather3A_536 = tpu.memref_squeeze %gather3A_535 : memref<1x16x1000xf32, #tpu.memory_space<vmem>> -> memref<16x1000xf32, #tpu.memory_space<vmem>>
        %gather3A_537 = tpu.vector_load_idx %gather3A_536[%iota3A, %broadcast_in_dim3A_532] : memref<16x1000xf32, #tpu.memory_space<vmem>>[vector<16xi32>, vector<16xi32>], vector<16xf32>,
        %swap3A_538 = arith.constant 2 : i32
        %swap3A_539 = arith.index_cast %sub3A_180 : i32 to index
        %swap3A_540 = arith.index_cast %scan3A_495 : i32 to index
        %swap3A_541 = arith.index_cast %swap3A_538 : i32 to index
        %swap3A_542 = arith.constant 0 : index
        %swap3A_543 = tpu.vector_load %arg7[%swap3A_539, %swap3A_540, %swap3A_541, %swap3A_542] {strides = array<i32>} : memref<2x125x8x16xf32, #tpu.memory_space<vmem>>, vector<16xf32>,
        tpu.vector_store %arg7[%swap3A_539, %swap3A_540, %swap3A_541, %swap3A_542], %gather3A_537 {strides = array<i32>} : memref<2x125x8x16xf32, #tpu.memory_space<vmem>>, vector<16xf32>,
        %mul3A_544 = arith.constant 8 : i32
        %mul3A_545 = arith.muli %mul3A_544, %scan3A_495 : i32
        %add3A_546 = arith.constant 3 : i32
        %add3A_547 = arith.addi %mul3A_545, %add3A_546 : i32
        %broadcast_in_dim3A_548 = vector.broadcast %add3A_547 : i32 to vector<16xi32>
        %gather3A_549 = arith.constant 0 : i32
        %gather3A_550 = arith.constant 0 : i32
        %gather3A_551 = tpu.memref_slice %arg6[%sub3A_180, %gather3A_549, %gather3A_550] : memref<2x16x1000xf32, #tpu.memory_space<vmem>> -> memref<1x16x1000xf32, #tpu.memory_space<vmem>>
        %gather3A_552 = tpu.memref_squeeze %gather3A_551 : memref<1x16x1000xf32, #tpu.memory_space<vmem>> -> memref<16x1000xf32, #tpu.memory_space<vmem>>
        %gather3A_553 = tpu.vector_load_idx %gather3A_552[%iota3A, %broadcast_in_dim3A_548] : memref<16x1000xf32, #tpu.memory_space<vmem>>[vector<16xi32>, vector<16xi32>], vector<16xf32>,
        %swap3A_554 = arith.constant 3 : i32
        %swap3A_555 = arith.index_cast %sub3A_180 : i32 to index
        %swap3A_556 = arith.index_cast %scan3A_495 : i32 to index
        %swap3A_557 = arith.index_cast %swap3A_554 : i32 to index
        %swap3A_558 = arith.constant 0 : index
        %swap3A_559 = tpu.vector_load %arg7[%swap3A_555, %swap3A_556, %swap3A_557, %swap3A_558] {strides = array<i32>} : memref<2x125x8x16xf32, #tpu.memory_space<vmem>>, vector<16xf32>,
        tpu.vector_store %arg7[%swap3A_555, %swap3A_556, %swap3A_557, %swap3A_558], %gather3A_553 {strides = array<i32>} : memref<2x125x8x16xf32, #tpu.memory_space<vmem>>, vector<16xf32>,
        %mul3A_560 = arith.constant 8 : i32
        %mul3A_561 = arith.muli %mul3A_560, %scan3A_495 : i32
        %add3A_562 = arith.constant 4 : i32
        %add3A_563 = arith.addi %mul3A_561, %add3A_562 : i32
        %broadcast_in_dim3A_564 = vector.broadcast %add3A_563 : i32 to vector<16xi32>
        %gather3A_565 = arith.constant 0 : i32
        %gather3A_566 = arith.constant 0 : i32
        %gather3A_567 = tpu.memref_slice %arg6[%sub3A_180, %gather3A_565, %gather3A_566] : memref<2x16x1000xf32, #tpu.memory_space<vmem>> -> memref<1x16x1000xf32, #tpu.memory_space<vmem>>
        %gather3A_568 = tpu.memref_squeeze %gather3A_567 : memref<1x16x1000xf32, #tpu.memory_space<vmem>> -> memref<16x1000xf32, #tpu.memory_space<vmem>>
        %gather3A_569 = tpu.vector_load_idx %gather3A_568[%iota3A, %broadcast_in_dim3A_564] : memref<16x1000xf32, #tpu.memory_space<vmem>>[vector<16xi32>, vector<16xi32>], vector<16xf32>,
        %swap3A_570 = arith.constant 4 : i32
        %swap3A_571 = arith.index_cast %sub3A_180 : i32 to index
        %swap3A_572 = arith.index_cast %scan3A_495 : i32 to index
        %swap3A_573 = arith.index_cast %swap3A_570 : i32 to index
        %swap3A_574 = arith.constant 0 : index
        %swap3A_575 = tpu.vector_load %arg7[%swap3A_571, %swap3A_572, %swap3A_573, %swap3A_574] {strides = array<i32>} : memref<2x125x8x16xf32, #tpu.memory_space<vmem>>, vector<16xf32>,
        tpu.vector_store %arg7[%swap3A_571, %swap3A_572, %swap3A_573, %swap3A_574], %gather3A_569 {strides = array<i32>} : memref<2x125x8x16xf32, #tpu.memory_space<vmem>>, vector<16xf32>,
        %mul3A_576 = arith.constant 8 : i32
        %mul3A_577 = arith.muli %mul3A_576, %scan3A_495 : i32
        %add3A_578 = arith.constant 5 : i32
        %add3A_579 = arith.addi %mul3A_577, %add3A_578 : i32
        %broadcast_in_dim3A_580 = vector.broadcast %add3A_579 : i32 to vector<16xi32>
        %gather3A_581 = arith.constant 0 : i32
        %gather3A_582 = arith.constant 0 : i32
        %gather3A_583 = tpu.memref_slice %arg6[%sub3A_180, %gather3A_581, %gather3A_582] : memref<2x16x1000xf32, #tpu.memory_space<vmem>> -> memref<1x16x1000xf32, #tpu.memory_space<vmem>>
        %gather3A_584 = tpu.memref_squeeze %gather3A_583 : memref<1x16x1000xf32, #tpu.memory_space<vmem>> -> memref<16x1000xf32, #tpu.memory_space<vmem>>
        %gather3A_585 = tpu.vector_load_idx %gather3A_584[%iota3A, %broadcast_in_dim3A_580] : memref<16x1000xf32, #tpu.memory_space<vmem>>[vector<16xi32>, vector<16xi32>], vector<16xf32>,
        %swap3A_586 = arith.constant 5 : i32
        %swap3A_587 = arith.index_cast %sub3A_180 : i32 to index
        %swap3A_588 = arith.index_cast %scan3A_495 : i32 to index
        %swap3A_589 = arith.index_cast %swap3A_586 : i32 to index
        %swap3A_590 = arith.constant 0 : index
        %swap3A_591 = tpu.vector_load %arg7[%swap3A_587, %swap3A_588, %swap3A_589, %swap3A_590] {strides = array<i32>} : memref<2x125x8x16xf32, #tpu.memory_space<vmem>>, vector<16xf32>,
        tpu.vector_store %arg7[%swap3A_587, %swap3A_588, %swap3A_589, %swap3A_590], %gather3A_585 {strides = array<i32>} : memref<2x125x8x16xf32, #tpu.memory_space<vmem>>, vector<16xf32>,
        %mul3A_592 = arith.constant 8 : i32
        %mul3A_593 = arith.muli %mul3A_592, %scan3A_495 : i32
        %add3A_594 = arith.constant 6 : i32
        %add3A_595 = arith.addi %mul3A_593, %add3A_594 : i32
        %broadcast_in_dim3A_596 = vector.broadcast %add3A_595 : i32 to vector<16xi32>
        %gather3A_597 = arith.constant 0 : i32
        %gather3A_598 = arith.constant 0 : i32
        %gather3A_599 = tpu.memref_slice %arg6[%sub3A_180, %gather3A_597, %gather3A_598] : memref<2x16x1000xf32, #tpu.memory_space<vmem>> -> memref<1x16x1000xf32, #tpu.memory_space<vmem>>
        %gather3A_600 = tpu.memref_squeeze %gather3A_599 : memref<1x16x1000xf32, #tpu.memory_space<vmem>> -> memref<16x1000xf32, #tpu.memory_space<vmem>>
        %gather3A_601 = tpu.vector_load_idx %gather3A_600[%iota3A, %broadcast_in_dim3A_596] : memref<16x1000xf32, #tpu.memory_space<vmem>>[vector<16xi32>, vector<16xi32>], vector<16xf32>,
        %swap3A_602 = arith.constant 6 : i32
        %swap3A_603 = arith.index_cast %sub3A_180 : i32 to index
        %swap3A_604 = arith.index_cast %scan3A_495 : i32 to index
        %swap3A_605 = arith.index_cast %swap3A_602 : i32 to index
        %swap3A_606 = arith.constant 0 : index
        %swap3A_607 = tpu.vector_load %arg7[%swap3A_603, %swap3A_604, %swap3A_605, %swap3A_606] {strides = array<i32>} : memref<2x125x8x16xf32, #tpu.memory_space<vmem>>, vector<16xf32>,
        tpu.vector_store %arg7[%swap3A_603, %swap3A_604, %swap3A_605, %swap3A_606], %gather3A_601 {strides = array<i32>} : memref<2x125x8x16xf32, #tpu.memory_space<vmem>>, vector<16xf32>,
        %mul3A_608 = arith.constant 8 : i32
        %mul3A_609 = arith.muli %mul3A_608, %scan3A_495 : i32
        %add3A_610 = arith.constant 7 : i32
        %add3A_611 = arith.addi %mul3A_609, %add3A_610 : i32
        %broadcast_in_dim3A_612 = vector.broadcast %add3A_611 : i32 to vector<16xi32>
        %gather3A_613 = arith.constant 0 : i32
        %gather3A_614 = arith.constant 0 : i32
        %gather3A_615 = tpu.memref_slice %arg6[%sub3A_180, %gather3A_613, %gather3A_614] : memref<2x16x1000xf32, #tpu.memory_space<vmem>> -> memref<1x16x1000xf32, #tpu.memory_space<vmem>>
        %gather3A_616 = tpu.memref_squeeze %gather3A_615 : memref<1x16x1000xf32, #tpu.memory_space<vmem>> -> memref<16x1000xf32, #tpu.memory_space<vmem>>
        %gather3A_617 = tpu.vector_load_idx %gather3A_616[%iota3A, %broadcast_in_dim3A_612] : memref<16x1000xf32, #tpu.memory_space<vmem>>[vector<16xi32>, vector<16xi32>], vector<16xf32>,
        %swap3A_618 = arith.constant 7 : i32
        %swap3A_619 = arith.index_cast %sub3A_180 : i32 to index
        %swap3A_620 = arith.index_cast %scan3A_495 : i32 to index
        %swap3A_621 = arith.index_cast %swap3A_618 : i32 to index
        %swap3A_622 = arith.constant 0 : index
        %swap3A_623 = tpu.vector_load %arg7[%swap3A_619, %swap3A_620, %swap3A_621, %swap3A_622] {strides = array<i32>} : memref<2x125x8x16xf32, #tpu.memory_space<vmem>>, vector<16xf32>,
        tpu.vector_store %arg7[%swap3A_619, %swap3A_620, %swap3A_621, %swap3A_622], %gather3A_617 {strides = array<i32>} : memref<2x125x8x16xf32, #tpu.memory_space<vmem>>, vector<16xf32>,
        %scan3A_624 = arith.constant 3 : i32
        %scan3A_625 = arith.addi %scan3A_238, %scan3A_624 : i32
        %mul3A_626 = arith.constant 8 : i32
        %mul3A_627 = arith.muli %mul3A_626, %scan3A_625 : i32
        %add3A_628 = arith.constant 0 : i32
        %add3A_629 = arith.addi %mul3A_627, %add3A_628 : i32
        %broadcast_in_dim3A_630 = vector.broadcast %add3A_629 : i32 to vector<16xi32>
        %gather3A_631 = arith.constant 0 : i32
        %gather3A_632 = arith.constant 0 : i32
        %gather3A_633 = tpu.memref_slice %arg6[%sub3A_180, %gather3A_631, %gather3A_632] : memref<2x16x1000xf32, #tpu.memory_space<vmem>> -> memref<1x16x1000xf32, #tpu.memory_space<vmem>>
        %gather3A_634 = tpu.memref_squeeze %gather3A_633 : memref<1x16x1000xf32, #tpu.memory_space<vmem>> -> memref<16x1000xf32, #tpu.memory_space<vmem>>
        %gather3A_635 = tpu.vector_load_idx %gather3A_634[%iota3A, %broadcast_in_dim3A_630] : memref<16x1000xf32, #tpu.memory_space<vmem>>[vector<16xi32>, vector<16xi32>], vector<16xf32>,
        %swap3A_636 = arith.constant 0 : i32
        %swap3A_637 = arith.index_cast %sub3A_180 : i32 to index
        %swap3A_638 = arith.index_cast %scan3A_625 : i32 to index
        %swap3A_639 = arith.index_cast %swap3A_636 : i32 to index
        %swap3A_640 = arith.constant 0 : index
        %swap3A_641 = tpu.vector_load %arg7[%swap3A_637, %swap3A_638, %swap3A_639, %swap3A_640] {strides = array<i32>} : memref<2x125x8x16xf32, #tpu.memory_space<vmem>>, vector<16xf32>,
        tpu.vector_store %arg7[%swap3A_637, %swap3A_638, %swap3A_639, %swap3A_640], %gather3A_635 {strides = array<i32>} : memref<2x125x8x16xf32, #tpu.memory_space<vmem>>, vector<16xf32>,
        %mul3A_642 = arith.constant 8 : i32
        %mul3A_643 = arith.muli %mul3A_642, %scan3A_625 : i32
        %add3A_644 = arith.constant 1 : i32
        %add3A_645 = arith.addi %mul3A_643, %add3A_644 : i32
        %broadcast_in_dim3A_646 = vector.broadcast %add3A_645 : i32 to vector<16xi32>
        %gather3A_647 = arith.constant 0 : i32
        %gather3A_648 = arith.constant 0 : i32
        %gather3A_649 = tpu.memref_slice %arg6[%sub3A_180, %gather3A_647, %gather3A_648] : memref<2x16x1000xf32, #tpu.memory_space<vmem>> -> memref<1x16x1000xf32, #tpu.memory_space<vmem>>
        %gather3A_650 = tpu.memref_squeeze %gather3A_649 : memref<1x16x1000xf32, #tpu.memory_space<vmem>> -> memref<16x1000xf32, #tpu.memory_space<vmem>>
        %gather3A_651 = tpu.vector_load_idx %gather3A_650[%iota3A, %broadcast_in_dim3A_646] : memref<16x1000xf32, #tpu.memory_space<vmem>>[vector<16xi32>, vector<16xi32>], vector<16xf32>,
        %swap3A_652 = arith.constant 1 : i32
        %swap3A_653 = arith.index_cast %sub3A_180 : i32 to index
        %swap3A_654 = arith.index_cast %scan3A_625 : i32 to index
        %swap3A_655 = arith.index_cast %swap3A_652 : i32 to index
        %swap3A_656 = arith.constant 0 : index
        %swap3A_657 = tpu.vector_load %arg7[%swap3A_653, %swap3A_654, %swap3A_655, %swap3A_656] {strides = array<i32>} : memref<2x125x8x16xf32, #tpu.memory_space<vmem>>, vector<16xf32>,
        tpu.vector_store %arg7[%swap3A_653, %swap3A_654, %swap3A_655, %swap3A_656], %gather3A_651 {strides = array<i32>} : memref<2x125x8x16xf32, #tpu.memory_space<vmem>>, vector<16xf32>,
        %mul3A_658 = arith.constant 8 : i32
        %mul3A_659 = arith.muli %mul3A_658, %scan3A_625 : i32
        %add3A_660 = arith.constant 2 : i32
        %add3A_661 = arith.addi %mul3A_659, %add3A_660 : i32
        %broadcast_in_dim3A_662 = vector.broadcast %add3A_661 : i32 to vector<16xi32>
        %gather3A_663 = arith.constant 0 : i32
        %gather3A_664 = arith.constant 0 : i32
        %gather3A_665 = tpu.memref_slice %arg6[%sub3A_180, %gather3A_663, %gather3A_664] : memref<2x16x1000xf32, #tpu.memory_space<vmem>> -> memref<1x16x1000xf32, #tpu.memory_space<vmem>>
        %gather3A_666 = tpu.memref_squeeze %gather3A_665 : memref<1x16x1000xf32, #tpu.memory_space<vmem>> -> memref<16x1000xf32, #tpu.memory_space<vmem>>
        %gather3A_667 = tpu.vector_load_idx %gather3A_666[%iota3A, %broadcast_in_dim3A_662] : memref<16x1000xf32, #tpu.memory_space<vmem>>[vector<16xi32>, vector<16xi32>], vector<16xf32>,
        %swap3A_668 = arith.constant 2 : i32
        %swap3A_669 = arith.index_cast %sub3A_180 : i32 to index
        %swap3A_670 = arith.index_cast %scan3A_625 : i32 to index
        %swap3A_671 = arith.index_cast %swap3A_668 : i32 to index
        %swap3A_672 = arith.constant 0 : index
        %swap3A_673 = tpu.vector_load %arg7[%swap3A_669, %swap3A_670, %swap3A_671, %swap3A_672] {strides = array<i32>} : memref<2x125x8x16xf32, #tpu.memory_space<vmem>>, vector<16xf32>,
        tpu.vector_store %arg7[%swap3A_669, %swap3A_670, %swap3A_671, %swap3A_672], %gather3A_667 {strides = array<i32>} : memref<2x125x8x16xf32, #tpu.memory_space<vmem>>, vector<16xf32>,
        %mul3A_674 = arith.constant 8 : i32
        %mul3A_675 = arith.muli %mul3A_674, %scan3A_625 : i32
        %add3A_676 = arith.constant 3 : i32
        %add3A_677 = arith.addi %mul3A_675, %add3A_676 : i32
        %broadcast_in_dim3A_678 = vector.broadcast %add3A_677 : i32 to vector<16xi32>
        %gather3A_679 = arith.constant 0 : i32
        %gather3A_680 = arith.constant 0 : i32
        %gather3A_681 = tpu.memref_slice %arg6[%sub3A_180, %gather3A_679, %gather3A_680] : memref<2x16x1000xf32, #tpu.memory_space<vmem>> -> memref<1x16x1000xf32, #tpu.memory_space<vmem>>
        %gather3A_682 = tpu.memref_squeeze %gather3A_681 : memref<1x16x1000xf32, #tpu.memory_space<vmem>> -> memref<16x1000xf32, #tpu.memory_space<vmem>>
        %gather3A_683 = tpu.vector_load_idx %gather3A_682[%iota3A, %broadcast_in_dim3A_678] : memref<16x1000xf32, #tpu.memory_space<vmem>>[vector<16xi32>, vector<16xi32>], vector<16xf32>,
        %swap3A_684 = arith.constant 3 : i32
        %swap3A_685 = arith.index_cast %sub3A_180 : i32 to index
        %swap3A_686 = arith.index_cast %scan3A_625 : i32 to index
        %swap3A_687 = arith.index_cast %swap3A_684 : i32 to index
        %swap3A_688 = arith.constant 0 : index
        %swap3A_689 = tpu.vector_load %arg7[%swap3A_685, %swap3A_686, %swap3A_687, %swap3A_688] {strides = array<i32>} : memref<2x125x8x16xf32, #tpu.memory_space<vmem>>, vector<16xf32>,
        tpu.vector_store %arg7[%swap3A_685, %swap3A_686, %swap3A_687, %swap3A_688], %gather3A_683 {strides = array<i32>} : memref<2x125x8x16xf32, #tpu.memory_space<vmem>>, vector<16xf32>,
        %mul3A_690 = arith.constant 8 : i32
        %mul3A_691 = arith.muli %mul3A_690, %scan3A_625 : i32
        %add3A_692 = arith.constant 4 : i32
        %add3A_693 = arith.addi %mul3A_691, %add3A_692 : i32
        %broadcast_in_dim3A_694 = vector.broadcast %add3A_693 : i32 to vector<16xi32>
        %gather3A_695 = arith.constant 0 : i32
        %gather3A_696 = arith.constant 0 : i32
        %gather3A_697 = tpu.memref_slice %arg6[%sub3A_180, %gather3A_695, %gather3A_696] : memref<2x16x1000xf32, #tpu.memory_space<vmem>> -> memref<1x16x1000xf32, #tpu.memory_space<vmem>>
        %gather3A_698 = tpu.memref_squeeze %gather3A_697 : memref<1x16x1000xf32, #tpu.memory_space<vmem>> -> memref<16x1000xf32, #tpu.memory_space<vmem>>
        %gather3A_699 = tpu.vector_load_idx %gather3A_698[%iota3A, %broadcast_in_dim3A_694] : memref<16x1000xf32, #tpu.memory_space<vmem>>[vector<16xi32>, vector<16xi32>], vector<16xf32>,
        %swap3A_700 = arith.constant 4 : i32
        %swap3A_701 = arith.index_cast %sub3A_180 : i32 to index
        %swap3A_702 = arith.index_cast %scan3A_625 : i32 to index
        %swap3A_703 = arith.index_cast %swap3A_700 : i32 to index
        %swap3A_704 = arith.constant 0 : index
        %swap3A_705 = tpu.vector_load %arg7[%swap3A_701, %swap3A_702, %swap3A_703, %swap3A_704] {strides = array<i32>} : memref<2x125x8x16xf32, #tpu.memory_space<vmem>>, vector<16xf32>,
        tpu.vector_store %arg7[%swap3A_701, %swap3A_702, %swap3A_703, %swap3A_704], %gather3A_699 {strides = array<i32>} : memref<2x125x8x16xf32, #tpu.memory_space<vmem>>, vector<16xf32>,
        %mul3A_706 = arith.constant 8 : i32
        %mul3A_707 = arith.muli %mul3A_706, %scan3A_625 : i32
        %add3A_708 = arith.constant 5 : i32
        %add3A_709 = arith.addi %mul3A_707, %add3A_708 : i32
        %broadcast_in_dim3A_710 = vector.broadcast %add3A_709 : i32 to vector<16xi32>
        %gather3A_711 = arith.constant 0 : i32
        %gather3A_712 = arith.constant 0 : i32
        %gather3A_713 = tpu.memref_slice %arg6[%sub3A_180, %gather3A_711, %gather3A_712] : memref<2x16x1000xf32, #tpu.memory_space<vmem>> -> memref<1x16x1000xf32, #tpu.memory_space<vmem>>
        %gather3A_714 = tpu.memref_squeeze %gather3A_713 : memref<1x16x1000xf32, #tpu.memory_space<vmem>> -> memref<16x1000xf32, #tpu.memory_space<vmem>>
        %gather3A_715 = tpu.vector_load_idx %gather3A_714[%iota3A, %broadcast_in_dim3A_710] : memref<16x1000xf32, #tpu.memory_space<vmem>>[vector<16xi32>, vector<16xi32>], vector<16xf32>,
        %swap3A_716 = arith.constant 5 : i32
        %swap3A_717 = arith.index_cast %sub3A_180 : i32 to index
        %swap3A_718 = arith.index_cast %scan3A_625 : i32 to index
        %swap3A_719 = arith.index_cast %swap3A_716 : i32 to index
        %swap3A_720 = arith.constant 0 : index
        %swap3A_721 = tpu.vector_load %arg7[%swap3A_717, %swap3A_718, %swap3A_719, %swap3A_720] {strides = array<i32>} : memref<2x125x8x16xf32, #tpu.memory_space<vmem>>, vector<16xf32>,
        tpu.vector_store %arg7[%swap3A_717, %swap3A_718, %swap3A_719, %swap3A_720], %gather3A_715 {strides = array<i32>} : memref<2x125x8x16xf32, #tpu.memory_space<vmem>>, vector<16xf32>,
        %mul3A_722 = arith.constant 8 : i32
        %mul3A_723 = arith.muli %mul3A_722, %scan3A_625 : i32
        %add3A_724 = arith.constant 6 : i32
        %add3A_725 = arith.addi %mul3A_723, %add3A_724 : i32
        %broadcast_in_dim3A_726 = vector.broadcast %add3A_725 : i32 to vector<16xi32>
        %gather3A_727 = arith.constant 0 : i32
        %gather3A_728 = arith.constant 0 : i32
        %gather3A_729 = tpu.memref_slice %arg6[%sub3A_180, %gather3A_727, %gather3A_728] : memref<2x16x1000xf32, #tpu.memory_space<vmem>> -> memref<1x16x1000xf32, #tpu.memory_space<vmem>>
        %gather3A_730 = tpu.memref_squeeze %gather3A_729 : memref<1x16x1000xf32, #tpu.memory_space<vmem>> -> memref<16x1000xf32, #tpu.memory_space<vmem>>
        %gather3A_731 = tpu.vector_load_idx %gather3A_730[%iota3A, %broadcast_in_dim3A_726] : memref<16x1000xf32, #tpu.memory_space<vmem>>[vector<16xi32>, vector<16xi32>], vector<16xf32>,
        %swap3A_732 = arith.constant 6 : i32
        %swap3A_733 = arith.index_cast %sub3A_180 : i32 to index
        %swap3A_734 = arith.index_cast %scan3A_625 : i32 to index
        %swap3A_735 = arith.index_cast %swap3A_732 : i32 to index
        %swap3A_736 = arith.constant 0 : index
        %swap3A_737 = tpu.vector_load %arg7[%swap3A_733, %swap3A_734, %swap3A_735, %swap3A_736] {strides = array<i32>} : memref<2x125x8x16xf32, #tpu.memory_space<vmem>>, vector<16xf32>,
        tpu.vector_store %arg7[%swap3A_733, %swap3A_734, %swap3A_735, %swap3A_736], %gather3A_731 {strides = array<i32>} : memref<2x125x8x16xf32, #tpu.memory_space<vmem>>, vector<16xf32>,
        %mul3A_738 = arith.constant 8 : i32
        %mul3A_739 = arith.muli %mul3A_738, %scan3A_625 : i32
        %add3A_740 = arith.constant 7 : i32
        %add3A_741 = arith.addi %mul3A_739, %add3A_740 : i32
        %broadcast_in_dim3A_742 = vector.broadcast %add3A_741 : i32 to vector<16xi32>
        %gather3A_743 = arith.constant 0 : i32
        %gather3A_744 = arith.constant 0 : i32
        %gather3A_745 = tpu.memref_slice %arg6[%sub3A_180, %gather3A_743, %gather3A_744] : memref<2x16x1000xf32, #tpu.memory_space<vmem>> -> memref<1x16x1000xf32, #tpu.memory_space<vmem>>
        %gather3A_746 = tpu.memref_squeeze %gather3A_745 : memref<1x16x1000xf32, #tpu.memory_space<vmem>> -> memref<16x1000xf32, #tpu.memory_space<vmem>>
        %gather3A_747 = tpu.vector_load_idx %gather3A_746[%iota3A, %broadcast_in_dim3A_742] : memref<16x1000xf32, #tpu.memory_space<vmem>>[vector<16xi32>, vector<16xi32>], vector<16xf32>,
        %swap3A_748 = arith.constant 7 : i32
        %swap3A_749 = arith.index_cast %sub3A_180 : i32 to index
        %swap3A_750 = arith.index_cast %scan3A_625 : i32 to index
        %swap3A_751 = arith.index_cast %swap3A_748 : i32 to index
        %swap3A_752 = arith.constant 0 : index
        %swap3A_753 = tpu.vector_load %arg7[%swap3A_749, %swap3A_750, %swap3A_751, %swap3A_752] {strides = array<i32>} : memref<2x125x8x16xf32, #tpu.memory_space<vmem>>, vector<16xf32>,
        tpu.vector_store %arg7[%swap3A_749, %swap3A_750, %swap3A_751, %swap3A_752], %gather3A_747 {strides = array<i32>} : memref<2x125x8x16xf32, #tpu.memory_space<vmem>>, vector<16xf32>,
        %scan3A_754 = arith.constant 4 : i32
        %scan3A_755 = arith.addi %scan3A_238, %scan3A_754 : i32
        %mul3A_756 = arith.constant 8 : i32
        %mul3A_757 = arith.muli %mul3A_756, %scan3A_755 : i32
        %add3A_758 = arith.constant 0 : i32
        %add3A_759 = arith.addi %mul3A_757, %add3A_758 : i32
        %broadcast_in_dim3A_760 = vector.broadcast %add3A_759 : i32 to vector<16xi32>
        %gather3A_761 = arith.constant 0 : i32
        %gather3A_762 = arith.constant 0 : i32
        %gather3A_763 = tpu.memref_slice %arg6[%sub3A_180, %gather3A_761, %gather3A_762] : memref<2x16x1000xf32, #tpu.memory_space<vmem>> -> memref<1x16x1000xf32, #tpu.memory_space<vmem>>
        %gather3A_764 = tpu.memref_squeeze %gather3A_763 : memref<1x16x1000xf32, #tpu.memory_space<vmem>> -> memref<16x1000xf32, #tpu.memory_space<vmem>>
        %gather3A_765 = tpu.vector_load_idx %gather3A_764[%iota3A, %broadcast_in_dim3A_760] : memref<16x1000xf32, #tpu.memory_space<vmem>>[vector<16xi32>, vector<16xi32>], vector<16xf32>,
        %swap3A_766 = arith.constant 0 : i32
        %swap3A_767 = arith.index_cast %sub3A_180 : i32 to index
        %swap3A_768 = arith.index_cast %scan3A_755 : i32 to index
        %swap3A_769 = arith.index_cast %swap3A_766 : i32 to index
        %swap3A_770 = arith.constant 0 : index
        %swap3A_771 = tpu.vector_load %arg7[%swap3A_767, %swap3A_768, %swap3A_769, %swap3A_770] {strides = array<i32>} : memref<2x125x8x16xf32, #tpu.memory_space<vmem>>, vector<16xf32>,
        tpu.vector_store %arg7[%swap3A_767, %swap3A_768, %swap3A_769, %swap3A_770], %gather3A_765 {strides = array<i32>} : memref<2x125x8x16xf32, #tpu.memory_space<vmem>>, vector<16xf32>,
        %mul3A_772 = arith.constant 8 : i32
        %mul3A_773 = arith.muli %mul3A_772, %scan3A_755 : i32
        %add3A_774 = arith.constant 1 : i32
        %add3A_775 = arith.addi %mul3A_773, %add3A_774 : i32
        %broadcast_in_dim3A_776 = vector.broadcast %add3A_775 : i32 to vector<16xi32>
        %gather3A_777 = arith.constant 0 : i32
        %gather3A_778 = arith.constant 0 : i32
        %gather3A_779 = tpu.memref_slice %arg6[%sub3A_180, %gather3A_777, %gather3A_778] : memref<2x16x1000xf32, #tpu.memory_space<vmem>> -> memref<1x16x1000xf32, #tpu.memory_space<vmem>>
        %gather3A_780 = tpu.memref_squeeze %gather3A_779 : memref<1x16x1000xf32, #tpu.memory_space<vmem>> -> memref<16x1000xf32, #tpu.memory_space<vmem>>
        %gather3A_781 = tpu.vector_load_idx %gather3A_780[%iota3A, %broadcast_in_dim3A_776] : memref<16x1000xf32, #tpu.memory_space<vmem>>[vector<16xi32>, vector<16xi32>], vector<16xf32>,
        %swap3A_782 = arith.constant 1 : i32
        %swap3A_783 = arith.index_cast %sub3A_180 : i32 to index
        %swap3A_784 = arith.index_cast %scan3A_755 : i32 to index
        %swap3A_785 = arith.index_cast %swap3A_782 : i32 to index
        %swap3A_786 = arith.constant 0 : index
        %swap3A_787 = tpu.vector_load %arg7[%swap3A_783, %swap3A_784, %swap3A_785, %swap3A_786] {strides = array<i32>} : memref<2x125x8x16xf32, #tpu.memory_space<vmem>>, vector<16xf32>,
        tpu.vector_store %arg7[%swap3A_783, %swap3A_784, %swap3A_785, %swap3A_786], %gather3A_781 {strides = array<i32>} : memref<2x125x8x16xf32, #tpu.memory_space<vmem>>, vector<16xf32>,
        %mul3A_788 = arith.constant 8 : i32
        %mul3A_789 = arith.muli %mul3A_788, %scan3A_755 : i32
        %add3A_790 = arith.constant 2 : i32
        %add3A_791 = arith.addi %mul3A_789, %add3A_790 : i32
        %broadcast_in_dim3A_792 = vector.broadcast %add3A_791 : i32 to vector<16xi32>
        %gather3A_793 = arith.constant 0 : i32
        %gather3A_794 = arith.constant 0 : i32
        %gather3A_795 = tpu.memref_slice %arg6[%sub3A_180, %gather3A_793, %gather3A_794] : memref<2x16x1000xf32, #tpu.memory_space<vmem>> -> memref<1x16x1000xf32, #tpu.memory_space<vmem>>
        %gather3A_796 = tpu.memref_squeeze %gather3A_795 : memref<1x16x1000xf32, #tpu.memory_space<vmem>> -> memref<16x1000xf32, #tpu.memory_space<vmem>>
        %gather3A_797 = tpu.vector_load_idx %gather3A_796[%iota3A, %broadcast_in_dim3A_792] : memref<16x1000xf32, #tpu.memory_space<vmem>>[vector<16xi32>, vector<16xi32>], vector<16xf32>,
        %swap3A_798 = arith.constant 2 : i32
        %swap3A_799 = arith.index_cast %sub3A_180 : i32 to index
        %swap3A_800 = arith.index_cast %scan3A_755 : i32 to index
        %swap3A_801 = arith.index_cast %swap3A_798 : i32 to index
        %swap3A_802 = arith.constant 0 : index
        %swap3A_803 = tpu.vector_load %arg7[%swap3A_799, %swap3A_800, %swap3A_801, %swap3A_802] {strides = array<i32>} : memref<2x125x8x16xf32, #tpu.memory_space<vmem>>, vector<16xf32>,
        tpu.vector_store %arg7[%swap3A_799, %swap3A_800, %swap3A_801, %swap3A_802], %gather3A_797 {strides = array<i32>} : memref<2x125x8x16xf32, #tpu.memory_space<vmem>>, vector<16xf32>,
        %mul3A_804 = arith.constant 8 : i32
        %mul3A_805 = arith.muli %mul3A_804, %scan3A_755 : i32
        %add3A_806 = arith.constant 3 : i32
        %add3A_807 = arith.addi %mul3A_805, %add3A_806 : i32
        %broadcast_in_dim3A_808 = vector.broadcast %add3A_807 : i32 to vector<16xi32>
        %gather3A_809 = arith.constant 0 : i32
        %gather3A_810 = arith.constant 0 : i32
        %gather3A_811 = tpu.memref_slice %arg6[%sub3A_180, %gather3A_809, %gather3A_810] : memref<2x16x1000xf32, #tpu.memory_space<vmem>> -> memref<1x16x1000xf32, #tpu.memory_space<vmem>>
        %gather3A_812 = tpu.memref_squeeze %gather3A_811 : memref<1x16x1000xf32, #tpu.memory_space<vmem>> -> memref<16x1000xf32, #tpu.memory_space<vmem>>
        %gather3A_813 = tpu.vector_load_idx %gather3A_812[%iota3A, %broadcast_in_dim3A_808] : memref<16x1000xf32, #tpu.memory_space<vmem>>[vector<16xi32>, vector<16xi32>], vector<16xf32>,
        %swap3A_814 = arith.constant 3 : i32
        %swap3A_815 = arith.index_cast %sub3A_180 : i32 to index
        %swap3A_816 = arith.index_cast %scan3A_755 : i32 to index
        %swap3A_817 = arith.index_cast %swap3A_814 : i32 to index
        %swap3A_818 = arith.constant 0 : index
        %swap3A_819 = tpu.vector_load %arg7[%swap3A_815, %swap3A_816, %swap3A_817, %swap3A_818] {strides = array<i32>} : memref<2x125x8x16xf32, #tpu.memory_space<vmem>>, vector<16xf32>,
        tpu.vector_store %arg7[%swap3A_815, %swap3A_816, %swap3A_817, %swap3A_818], %gather3A_813 {strides = array<i32>} : memref<2x125x8x16xf32, #tpu.memory_space<vmem>>, vector<16xf32>,
        %mul3A_820 = arith.constant 8 : i32
        %mul3A_821 = arith.muli %mul3A_820, %scan3A_755 : i32
        %add3A_822 = arith.constant 4 : i32
        %add3A_823 = arith.addi %mul3A_821, %add3A_822 : i32
        %broadcast_in_dim3A_824 = vector.broadcast %add3A_823 : i32 to vector<16xi32>
        %gather3A_825 = arith.constant 0 : i32
        %gather3A_826 = arith.constant 0 : i32
        %gather3A_827 = tpu.memref_slice %arg6[%sub3A_180, %gather3A_825, %gather3A_826] : memref<2x16x1000xf32, #tpu.memory_space<vmem>> -> memref<1x16x1000xf32, #tpu.memory_space<vmem>>
        %gather3A_828 = tpu.memref_squeeze %gather3A_827 : memref<1x16x1000xf32, #tpu.memory_space<vmem>> -> memref<16x1000xf32, #tpu.memory_space<vmem>>
        %gather3A_829 = tpu.vector_load_idx %gather3A_828[%iota3A, %broadcast_in_dim3A_824] : memref<16x1000xf32, #tpu.memory_space<vmem>>[vector<16xi32>, vector<16xi32>], vector<16xf32>,
        %swap3A_830 = arith.constant 4 : i32
        %swap3A_831 = arith.index_cast %sub3A_180 : i32 to index
        %swap3A_832 = arith.index_cast %scan3A_755 : i32 to index
        %swap3A_833 = arith.index_cast %swap3A_830 : i32 to index
        %swap3A_834 = arith.constant 0 : index
        %swap3A_835 = tpu.vector_load %arg7[%swap3A_831, %swap3A_832, %swap3A_833, %swap3A_834] {strides = array<i32>} : memref<2x125x8x16xf32, #tpu.memory_space<vmem>>, vector<16xf32>,
        tpu.vector_store %arg7[%swap3A_831, %swap3A_832, %swap3A_833, %swap3A_834], %gather3A_829 {strides = array<i32>} : memref<2x125x8x16xf32, #tpu.memory_space<vmem>>, vector<16xf32>,
        %mul3A_836 = arith.constant 8 : i32
        %mul3A_837 = arith.muli %mul3A_836, %scan3A_755 : i32
        %add3A_838 = arith.constant 5 : i32
        %add3A_839 = arith.addi %mul3A_837, %add3A_838 : i32
        %broadcast_in_dim3A_840 = vector.broadcast %add3A_839 : i32 to vector<16xi32>
        %gather3A_841 = arith.constant 0 : i32
        %gather3A_842 = arith.constant 0 : i32
        %gather3A_843 = tpu.memref_slice %arg6[%sub3A_180, %gather3A_841, %gather3A_842] : memref<2x16x1000xf32, #tpu.memory_space<vmem>> -> memref<1x16x1000xf32, #tpu.memory_space<vmem>>
        %gather3A_844 = tpu.memref_squeeze %gather3A_843 : memref<1x16x1000xf32, #tpu.memory_space<vmem>> -> memref<16x1000xf32, #tpu.memory_space<vmem>>
        %gather3A_845 = tpu.vector_load_idx %gather3A_844[%iota3A, %broadcast_in_dim3A_840] : memref<16x1000xf32, #tpu.memory_space<vmem>>[vector<16xi32>, vector<16xi32>], vector<16xf32>,
        %swap3A_846 = arith.constant 5 : i32
        %swap3A_847 = arith.index_cast %sub3A_180 : i32 to index
        %swap3A_848 = arith.index_cast %scan3A_755 : i32 to index
        %swap3A_849 = arith.index_cast %swap3A_846 : i32 to index
        %swap3A_850 = arith.constant 0 : index
        %swap3A_851 = tpu.vector_load %arg7[%swap3A_847, %swap3A_848, %swap3A_849, %swap3A_850] {strides = array<i32>} : memref<2x125x8x16xf32, #tpu.memory_space<vmem>>, vector<16xf32>,
        tpu.vector_store %arg7[%swap3A_847, %swap3A_848, %swap3A_849, %swap3A_850], %gather3A_845 {strides = array<i32>} : memref<2x125x8x16xf32, #tpu.memory_space<vmem>>, vector<16xf32>,
        %mul3A_852 = arith.constant 8 : i32
        %mul3A_853 = arith.muli %mul3A_852, %scan3A_755 : i32
        %add3A_854 = arith.constant 6 : i32
        %add3A_855 = arith.addi %mul3A_853, %add3A_854 : i32
        %broadcast_in_dim3A_856 = vector.broadcast %add3A_855 : i32 to vector<16xi32>
        %gather3A_857 = arith.constant 0 : i32
        %gather3A_858 = arith.constant 0 : i32
        %gather3A_859 = tpu.memref_slice %arg6[%sub3A_180, %gather3A_857, %gather3A_858] : memref<2x16x1000xf32, #tpu.memory_space<vmem>> -> memref<1x16x1000xf32, #tpu.memory_space<vmem>>
        %gather3A_860 = tpu.memref_squeeze %gather3A_859 : memref<1x16x1000xf32, #tpu.memory_space<vmem>> -> memref<16x1000xf32, #tpu.memory_space<vmem>>
        %gather3A_861 = tpu.vector_load_idx %gather3A_860[%iota3A, %broadcast_in_dim3A_856] : memref<16x1000xf32, #tpu.memory_space<vmem>>[vector<16xi32>, vector<16xi32>], vector<16xf32>,
        %swap3A_862 = arith.constant 6 : i32
        %swap3A_863 = arith.index_cast %sub3A_180 : i32 to index
        %swap3A_864 = arith.index_cast %scan3A_755 : i32 to index
        %swap3A_865 = arith.index_cast %swap3A_862 : i32 to index
        %swap3A_866 = arith.constant 0 : index
        %swap3A_867 = tpu.vector_load %arg7[%swap3A_863, %swap3A_864, %swap3A_865, %swap3A_866] {strides = array<i32>} : memref<2x125x8x16xf32, #tpu.memory_space<vmem>>, vector<16xf32>,
        tpu.vector_store %arg7[%swap3A_863, %swap3A_864, %swap3A_865, %swap3A_866], %gather3A_861 {strides = array<i32>} : memref<2x125x8x16xf32, #tpu.memory_space<vmem>>, vector<16xf32>,
        %mul3A_868 = arith.constant 8 : i32
        %mul3A_869 = arith.muli %mul3A_868, %scan3A_755 : i32
        %add3A_870 = arith.constant 7 : i32
        %add3A_871 = arith.addi %mul3A_869, %add3A_870 : i32
        %broadcast_in_dim3A_872 = vector.broadcast %add3A_871 : i32 to vector<16xi32>
        %gather3A_873 = arith.constant 0 : i32
        %gather3A_874 = arith.constant 0 : i32
        %gather3A_875 = tpu.memref_slice %arg6[%sub3A_180, %gather3A_873, %gather3A_874] : memref<2x16x1000xf32, #tpu.memory_space<vmem>> -> memref<1x16x1000xf32, #tpu.memory_space<vmem>>
        %gather3A_876 = tpu.memref_squeeze %gather3A_875 : memref<1x16x1000xf32, #tpu.memory_space<vmem>> -> memref<16x1000xf32, #tpu.memory_space<vmem>>
        %gather3A_877 = tpu.vector_load_idx %gather3A_876[%iota3A, %broadcast_in_dim3A_872] : memref<16x1000xf32, #tpu.memory_space<vmem>>[vector<16xi32>, vector<16xi32>], vector<16xf32>,
        %swap3A_878 = arith.constant 7 : i32
        %swap3A_879 = arith.index_cast %sub3A_180 : i32 to index
        %swap3A_880 = arith.index_cast %scan3A_755 : i32 to index
        %swap3A_881 = arith.index_cast %swap3A_878 : i32 to index
        %swap3A_882 = arith.constant 0 : index
        %swap3A_883 = tpu.vector_load %arg7[%swap3A_879, %swap3A_880, %swap3A_881, %swap3A_882] {strides = array<i32>} : memref<2x125x8x16xf32, #tpu.memory_space<vmem>>, vector<16xf32>,
        tpu.vector_store %arg7[%swap3A_879, %swap3A_880, %swap3A_881, %swap3A_882], %gather3A_877 {strides = array<i32>} : memref<2x125x8x16xf32, #tpu.memory_space<vmem>>, vector<16xf32>,
      }
      %scan3A_206 = arith.constant 125 : i32
      %sub3A_207 = arith.constant 1 : i32
      %sub3A_208 = arith.subi %scan3A_177, %sub3A_207 : i32
      %add3A_209 = arith.addi %mul3A_2, %sub3A_208 : i32
      %div3A_210 = arith.constant 64 : i32
      %div3A_211 = arith.divsi %add3A_209, %div3A_210 : i32
      %rem3A_212 = arith.constant 64 : i32
      %rem3A_213 = arith.remsi %add3A_209, %rem3A_212 : i32
      %div3A_214 = arith.constant 8 : i32
      %div3A_215 = arith.divsi %rem3A_213, %div3A_214 : i32
      %rem3A_216 = arith.constant 8 : i32
      %rem3A_217 = arith.remsi %rem3A_213, %rem3A_216 : i32
      %mul3A_218 = arith.constant 16 : i32
      %mul3A_219 = arith.muli %mul3A_218, %rem3A_217 : i32
      %dma_start3A_220 = arith.constant 0 : i32
      %dma_start3A_221 = arith.constant 0 : i32
      %dma_start3A_222 = arith.constant 0 : i32
      %dma_start3A_223 = tpu.memref_slice %arg7[%sub3A_180, %dma_start3A_220, %dma_start3A_221, %dma_start3A_222] : memref<2x125x8x16xf32, #tpu.memory_space<vmem>> -> memref<1x125x8x16xf32, #tpu.memory_space<vmem>>
      %dma_start3A_224 = tpu.memref_squeeze %dma_start3A_223 : memref<1x125x8x16xf32, #tpu.memory_space<vmem>> -> memref<125x8x16xf32, #tpu.memory_space<vmem>>
      %dma_start3A_225 = arith.constant 0 : i32
      %dma_start3A_226 = arith.constant 0 : i32
      %dma_start3A_227 = tpu.memref_slice %arg4[%div3A_211, %dma_start3A_225, %div3A_215, %dma_start3A_226, %mul3A_219] : memref<50x125x8x8x128xf32, #tpu.memory_space<hbm>> -> memref<1x125x1x8x16xf32, #tpu.memory_space<hbm>>
      %dma_start3A_228 = tpu.memref_squeeze %dma_start3A_227 : memref<1x125x1x8x16xf32, #tpu.memory_space<hbm>> -> memref<125x8x16xf32, #tpu.memory_space<hbm>>
      %dma_start3A_229 = arith.constant 0 : i32
      %dma_start3A_230 = arith.constant 0 : i32
      %dma_start3A_231 = tpu.memref_slice %arg4[%div3A_211, %dma_start3A_229, %div3A_215, %dma_start3A_230, %mul3A_219] : memref<50x125x8x8x128xf32, #tpu.memory_space<hbm>> -> memref<1x125x1x8x16xf32, #tpu.memory_space<hbm>>
      %dma_start3A_232 = tpu.memref_squeeze %dma_start3A_231 : memref<1x125x1x8x16xf32, #tpu.memory_space<hbm>> -> memref<125x8x16xf32, #tpu.memory_space<hbm>>
      %dma_start3A_233 = arith.constant 0 : i32
      %dma_start3A_234 = arith.constant 0 : i32
      %dma_start3A_235 = arith.constant 0 : i32
      %dma_start3A_236 = tpu.memref_slice %arg7[%sub3A_180, %dma_start3A_233, %dma_start3A_234, %dma_start3A_235] : memref<2x125x8x16xf32, #tpu.memory_space<vmem>> -> memref<1x125x8x16xf32, #tpu.memory_space<vmem>>
      %dma_start3A_237 = tpu.memref_squeeze %dma_start3A_236 : memref<1x125x8x16xf32, #tpu.memory_space<vmem>> -> memref<125x8x16xf32, #tpu.memory_space<vmem>>
      tpu.enqueue_dma source(%dma_start3A_237 : memref<125x8x16xf32, #tpu.memory_space<vmem>>) target(%dma_start3A_232 : memref<125x8x16xf32, #tpu.memory_space<hbm>>) target_semaphore(%arg9 : memref<!tpu.dma_semaphore, #tpu.memory_space<semaphore_mem>>)
    }
    %scan3A_110 = arith.constant 99 : i32
    %rem3A_111 = arith.constant 98 : i32
    %rem3A_112 = arith.constant 2 : i32
    %rem3A_113 = arith.remsi %rem3A_111, %rem3A_112 : i32
    %add3A_114 = arith.constant 98 : i32
    %add3A_115 = arith.addi %mul3A_2, %add3A_114 : i32
    %div3A_116 = arith.constant 64 : i32
    %div3A_117 = arith.divsi %add3A_115, %div3A_116 : i32
    %rem3A_118 = arith.constant 64 : i32
    %rem3A_119 = arith.remsi %add3A_115, %rem3A_118 : i32
    %div3A_120 = arith.constant 8 : i32
    %div3A_121 = arith.divsi %rem3A_119, %div3A_120 : i32
    %rem3A_122 = arith.constant 8 : i32
    %rem3A_123 = arith.remsi %rem3A_119, %rem3A_122 : i32
    %mul3A_124 = arith.constant 16 : i32
    %mul3A_125 = arith.muli %mul3A_124, %rem3A_123 : i32
    %dma_wait3A_126 = arith.constant 0 : i32
    %dma_wait3A_127 = arith.constant 0 : i32
    %dma_wait3A_128 = arith.constant 0 : i32
    %dma_wait3A_129 = tpu.memref_slice %arg7[%rem3A_113, %dma_wait3A_126, %dma_wait3A_127, %dma_wait3A_128] : memref<2x125x8x16xf32, #tpu.memory_space<vmem>> -> memref<1x125x8x16xf32, #tpu.memory_space<vmem>>
    %dma_wait3A_130 = tpu.memref_squeeze %dma_wait3A_129 : memref<1x125x8x16xf32, #tpu.memory_space<vmem>> -> memref<125x8x16xf32, #tpu.memory_space<vmem>>
    %dma_wait3A_131 = arith.constant 0 : i32
    %dma_wait3A_132 = arith.constant 0 : i32
    %dma_wait3A_133 = tpu.memref_slice %arg4[%div3A_117, %dma_wait3A_131, %div3A_121, %dma_wait3A_132, %mul3A_125] : memref<50x125x8x8x128xf32, #tpu.memory_space<hbm>> -> memref<1x125x1x8x16xf32, #tpu.memory_space<hbm>>
    %dma_wait3A_134 = tpu.memref_squeeze %dma_wait3A_133 : memref<1x125x1x8x16xf32, #tpu.memory_space<hbm>> -> memref<125x8x16xf32, #tpu.memory_space<hbm>>
    %dma_wait3A_135 = arith.constant 0 : i32
    %dma_wait3A_136 = arith.constant 0 : i32
    %dma_wait3A_137 = tpu.memref_slice %arg4[%div3A_117, %dma_wait3A_135, %div3A_121, %dma_wait3A_136, %mul3A_125] : memref<50x125x8x8x128xf32, #tpu.memory_space<hbm>> -> memref<1x125x1x8x16xf32, #tpu.memory_space<hbm>>
    %dma_wait3A_138 = tpu.memref_squeeze %dma_wait3A_137 : memref<1x125x1x8x16xf32, #tpu.memory_space<hbm>> -> memref<125x8x16xf32, #tpu.memory_space<hbm>>
    %dma_wait3A_139 = arith.constant 0 : i32
    %dma_wait3A_140 = arith.constant 0 : i32
    %dma_wait3A_141 = arith.constant 0 : i32
    %dma_wait3A_142 = tpu.memref_slice %arg7[%rem3A_113, %dma_wait3A_139, %dma_wait3A_140, %dma_wait3A_141] : memref<2x125x8x16xf32, #tpu.memory_space<vmem>> -> memref<1x125x8x16xf32, #tpu.memory_space<vmem>>
    %dma_wait3A_143 = tpu.memref_squeeze %dma_wait3A_142 : memref<1x125x8x16xf32, #tpu.memory_space<vmem>> -> memref<125x8x16xf32, #tpu.memory_space<vmem>>
    tpu.wait_dma2 semaphore(%arg9 : memref<!tpu.dma_semaphore, #tpu.memory_space<semaphore_mem>>) src(%dma_wait3A_143 : memref<125x8x16xf32, #tpu.memory_space<vmem>>) dst(%dma_wait3A_138 : memref<125x8x16xf32, #tpu.memory_space<hbm>>)
    %rem3A_144 = arith.constant 99 : i32
    %rem3A_145 = arith.constant 2 : i32
    %rem3A_146 = arith.remsi %rem3A_144, %rem3A_145 : i32
    %add3A_147 = arith.constant 99 : i32
    %add3A_148 = arith.addi %mul3A_2, %add3A_147 : i32
    %div3A_149 = arith.constant 64 : i32
    %div3A_150 = arith.divsi %add3A_148, %div3A_149 : i32
    %rem3A_151 = arith.constant 64 : i32
    %rem3A_152 = arith.remsi %add3A_148, %rem3A_151 : i32
    %div3A_153 = arith.constant 8 : i32
    %div3A_154 = arith.divsi %rem3A_152, %div3A_153 : i32
    %rem3A_155 = arith.constant 8 : i32
    %rem3A_156 = arith.remsi %rem3A_152, %rem3A_155 : i32
    %mul3A_157 = arith.constant 16 : i32
    %mul3A_158 = arith.muli %mul3A_157, %rem3A_156 : i32
    %dma_wait3A_159 = arith.constant 0 : i32
    %dma_wait3A_160 = arith.constant 0 : i32
    %dma_wait3A_161 = arith.constant 0 : i32
    %dma_wait3A_162 = tpu.memref_slice %arg7[%rem3A_146, %dma_wait3A_159, %dma_wait3A_160, %dma_wait3A_161] : memref<2x125x8x16xf32, #tpu.memory_space<vmem>> -> memref<1x125x8x16xf32, #tpu.memory_space<vmem>>
    %dma_wait3A_163 = tpu.memref_squeeze %dma_wait3A_162 : memref<1x125x8x16xf32, #tpu.memory_space<vmem>> -> memref<125x8x16xf32, #tpu.memory_space<vmem>>
    %dma_wait3A_164 = arith.constant 0 : i32
    %dma_wait3A_165 = arith.constant 0 : i32
    %dma_wait3A_166 = tpu.memref_slice %arg4[%div3A_150, %dma_wait3A_164, %div3A_154, %dma_wait3A_165, %mul3A_158] : memref<50x125x8x8x128xf32, #tpu.memory_space<hbm>> -> memref<1x125x1x8x16xf32, #tpu.memory_space<hbm>>
    %dma_wait3A_167 = tpu.memref_squeeze %dma_wait3A_166 : memref<1x125x1x8x16xf32, #tpu.memory_space<hbm>> -> memref<125x8x16xf32, #tpu.memory_space<hbm>>
    %dma_wait3A_168 = arith.constant 0 : i32
    %dma_wait3A_169 = arith.constant 0 : i32
    %dma_wait3A_170 = tpu.memref_slice %arg4[%div3A_150, %dma_wait3A_168, %div3A_154, %dma_wait3A_169, %mul3A_158] : memref<50x125x8x8x128xf32, #tpu.memory_space<hbm>> -> memref<1x125x1x8x16xf32, #tpu.memory_space<hbm>>
    %dma_wait3A_171 = tpu.memref_squeeze %dma_wait3A_170 : memref<1x125x1x8x16xf32, #tpu.memory_space<hbm>> -> memref<125x8x16xf32, #tpu.memory_space<hbm>>
    %dma_wait3A_172 = arith.constant 0 : i32
    %dma_wait3A_173 = arith.constant 0 : i32
    %dma_wait3A_174 = arith.constant 0 : i32
    %dma_wait3A_175 = tpu.memref_slice %arg7[%rem3A_146, %dma_wait3A_172, %dma_wait3A_173, %dma_wait3A_174] : memref<2x125x8x16xf32, #tpu.memory_space<vmem>> -> memref<1x125x8x16xf32, #tpu.memory_space<vmem>>
    %dma_wait3A_176 = tpu.memref_squeeze %dma_wait3A_175 : memref<1x125x8x16xf32, #tpu.memory_space<vmem>> -> memref<125x8x16xf32, #tpu.memory_space<vmem>>
    tpu.wait_dma2 semaphore(%arg9 : memref<!tpu.dma_semaphore, #tpu.memory_space<semaphore_mem>>) src(%dma_wait3A_176 : memref<125x8x16xf32, #tpu.memory_space<vmem>>) dst(%dma_wait3A_171 : memref<125x8x16xf32, #tpu.memory_space<hbm>>)
    return
  }
}

module attributes {stable_mosaic.version = 14 : i64} {
  func.func @_table_body(%arg0: memref<1000x64xf32, #tpu.memory_space<vmem>>, %arg1: memref<1000x64xf32, #tpu.memory_space<vmem>>, %arg2: memref<1000x1000xf32, #tpu.memory_space<vmem>>) attributes {dimension_semantics = [], scalar_prefetch = 0 : i64, scratch_operands = 0 : i64, tpu.core_type = #tpu.core_type<tc>} {
    %get3A = arith.constant 0 : index
    %get3A_0 = arith.constant 0 : index
    %get3A_1 = vector.load %arg0[%get3A, %get3A_0] : memref<1000x64xf32, #tpu.memory_space<vmem>>, vector<1000x64xf32>
    %get3A_2 = arith.constant 0 : index
    %get3A_3 = arith.constant 0 : index
    %get3A_4 = vector.load %arg1[%get3A_2, %get3A_3] : memref<1000x64xf32, #tpu.memory_space<vmem>>, vector<1000x64xf32>
    %dot_general3A = arith.constant dense<0.000000e+00> : vector<1000x1000xf32>
    %dot_general3A_5 = tpu.matmul %get3A_1, %get3A_4, %dot_general3A {dimension_numbers = #tpu.dot_dimension_numbers<[1], [1], [0], [0], [0, 0, 1, 0], [], []>, transpose_lhs_hint = false} : vector<1000x64xf32>, vector<1000x64xf32>, vector<1000x1000xf32> -> vector<1000x1000xf32>
    %swap3A = arith.constant 0 : index
    %swap3A_6 = arith.constant 0 : index
    %swap3A_7 = vector.load %arg2[%swap3A, %swap3A_6] : memref<1000x1000xf32, #tpu.memory_space<vmem>>, vector<1000x1000xf32>
    tpu.vector_store %arg2[%swap3A, %swap3A_6], %dot_general3A_5 {strides = array<i32>} : memref<1000x1000xf32, #tpu.memory_space<vmem>>, vector<1000x1000xf32>,
    return
  }
}

</mosaic_0001>

<sc_bundles>
// kernel: kernel.4.cloned.1.call-start
scs
__scs_entry_jumppad:
0x0: {  	(pc) =	sbr.rel $0x88, $3  }
0x1: {  	(tag) =	ssettag $0x0;
	lr =	simm.s32 $0x1  }
0x2: {  	[smem:$0x3F9E] =	sst lr;
	_ =	strace $0xD0000000  }
0x3: {  	_ = 	snop  }
0x4: {  	_ = 	snop  }
0x5: {  	_ = 	snop  }
0x6: {  	_ = 	snop  }
0x7: {  	_ = 	snop  }
__scs_overlays_trampoline_lowered:
0x8: {  	[smem:$0x3FAD] =	sst s0  }
0x9: {  	[smem:$0x3FAE] =	sst s1  }
0xa: {  	[smem:$0x3FAF] =	sst s2  }
0xb: {  	[smem:$0x3FB0] =	sst s3  }
0xc: {  	[smem:$0x3FB1] =	sst s4  }
0xd: {  	[smem:$0x3FB2] =	sst s5  }
0xe: {  	[smem:$0x3FB3] =	sst s6  }
0xf: {  	[smem:$0x3FB4] =	sst s7  }
0x10: {  	[smem:$0x3FB5] =	sst s8  }
0x11: {  	[smem:$0x3FB6] =	sst s9;
	s0 =	simm.s32 @!p0 $0x0  }
0x12: {  	s1 =	sld [smem:$0x3F9C];
	s0 =	simm.s32 @p0 $0x1  }
0x13: {  	[smem:$0x3FB7] =	sst s0;
	s0 =	simm.s32 @!p1 $0x0  }
0x14: {  	s2 =	sld [smem:$0x3F9B];
	s0 =	simm.s32 @p1 $0x1  }
0x15: {  	[smem:$0x3FB8] =	sst s0;
	s0 =	simm.s32 @!p2 $0x0  }
0x16: {  	s3 =	sld [smem:$0x3FDB];
	s0 =	simm.s32 @p2 $0x1  }
0x17: {  	s4 =	simm.s32 $0x1BF5;
	[smem:$0x3FBA] =	sst s0  }
0x18: {  	s0 =	sld [smem:$0x3F9D];
	_ =	swait.ge [sflag:s4], $0x0  }
0x19: {  	s7 =	sld [smem:$0x3F9E]  }
0x1a: {  	s8 =	sadd.s32 $0xFFFFE003, lr  }
0x1b: {  	s9 =	sadd.s32 $0xFFFFFEF7, lr;
	s5 =	simm.s32 $0xFFFFFFFF;
	p2 =	slt.u32 s8, $0xFFFFF086  }
0x1c: {  	p1 =	slt.u32 s9, $0xF7A;
	s5 =	simm.s32 @!p2 $0x0  }
0x1d: {  	s5 =	simm.s32 @p1 $0x1;
	p0 =	seq.s32 s7, s2  }
0x1e: {  	s7 =	smul.u32 @!p0 $0xF7A, s2;
	p2 =	seq.s32 @!p0 s5, $0x0  }
0x1f: {  	s9 =	smul.u32 $0xF7A, s1;
	s8 =	simm.s32 @!p0 $0x1BF5;
	p2 =	por !p2, p0  }
0x20: {  	[sflag:s8] =	ssyncset.s32 @!p0 $0xFFFFF086;
	s6 =	sadd.s32 @!p0 s3, s7;
	s7 =	simm.s32 @!p0 $0x108  }
0x21: {  	s3 =	sadd.s32 s3, s9;
	s6 =	sadd.s32 @!p0 $0x88, s6;
	s7 =	simm.s32 @p2 $0x1082  }
0x22: {  	[simem:s7], [sflag:s8] =	dma.local @!p0 [hbm:s6], $0xF7A  }
0x23: {  	s9 =	sor.u32 $0xD0000000, s2;
	s6 =	simm.s32 $0x108;
	_ =	swait.ge @!p0 [sflag:s8], $0x0  }
0x24: {  	s3 =	sadd.s32 $0x88, s3;
	s6 =	simm.s32 @!p1 $0x1082;
	[sflag:s4] =	ssyncset.s32 $0xFFFFF086  }
0x25: {  	[simem:s6], [sflag:s4] =	dma.local [hbm:s3], $0xF7A  }
0x26: {  	[smem:$0x3F9E] =	sst s1;
	(tag) =	ssettag s2;
	_ =	strace s9  }
0x27: {  	s1 =	sld [smem:$0x3FAE]  }
0x28: {  	s2 =	sld [smem:$0x3FAF]  }
0x29: {  	s4 =	sld [smem:$0x3FB1]  }
0x2a: {  	p0 =	seq.s32 s5, $0x0;
	s5 =	sld [smem:$0x3FB2]  }
0x2b: {  	s6 =	sld [smem:$0x3FB3]  }
0x2c: {  	s7 =	sld [smem:$0x3FB4]  }
0x2d: {  	s3 =	simm.s32 $0x108;
	s8 =	sld [smem:$0x3FB5]  }
0x2e: {  	s3 =	simm.s32 @!p0 $0x1082;
	s9 =	sld [smem:$0x3FB6]  }
0x2f: {  	lr =	sadd.s32 s0, s3;
	s0 =	sld [smem:$0x3FAD]  }
0x30: {  	s3 =	sld [smem:$0x3FB0]  }
0x31: {  	[smem:$0x3FB9] =	sst s10  }
0x32: {  	s10 =	sld [smem:$0x3FB7];
	_ =	sdelay $0x3  }
0x33: {  	p0 =	seq.s32 s10, $0x1;
	s10 =	sld [smem:$0x3FB9];
	_ =	sdelay $0x3  }
0x34: {  	[smem:$0x3FB9] =	sst s10  }
0x35: {  	s10 =	sld [smem:$0x3FB8];
	_ =	sdelay $0x3  }
0x36: {  	p1 =	seq.s32 s10, $0x1;
	s10 =	sld [smem:$0x3FB9];
	_ =	sdelay $0x3  }
0x37: {  	[smem:$0x3FB9] =	sst s10  }
0x38: {  	s10 =	sld [smem:$0x3FBA]  }
0x39: {  	_ = 	snop;
	(pc) =	sbr.ind lr, $3  }
0x3a: {  	_ = 	snop  }
0x3b: {  	_ = 	snop  }
0x3c: {  	p2 =	seq.s32 s10, $0x1;
	s10 =	sld [smem:$0x3FB9]  }
0x3d: {  	_ =	shalt  }
0x3e: {  	_ =	shalt  }
0x3f: {  	_ =	shalt  }
0x40: {  	_ =	shalt  }
0x41: {  	_ =	shalt  }
0x42: {  	_ =	shalt  }
0x43: {  	_ =	shalt  }
0x44: {  	_ =	shalt  }
0x45: {  	_ =	shalt  }
0x46: {  	_ =	shalt  }
0x47: {  	_ =	shalt  }
0x48: {  	_ =	shalt  }
0x49: {  	_ =	shalt  }
0x4a: {  	_ =	shalt  }
0x4b: {  	_ =	shalt  }
0x4c: {  	_ =	shalt  }
0x4d: {  	_ =	shalt  }
0x4e: {  	_ =	shalt  }
0x4f: {  	_ =	shalt  }
0x50: {  	_ =	shalt  }
0x51: {  	_ =	shalt  }
0x52: {  	_ =	shalt  }
0x53: {  	_ =	shalt  }
0x54: {  	_ =	shalt  }
0x55: {  	_ =	shalt  }
0x56: {  	_ =	shalt  }
0x57: {  	_ =	shalt  }
0x58: {  	_ =	shalt  }
0x59: {  	_ =	shalt  }
0x5a: {  	_ =	shalt  }
0x5b: {  	_ =	shalt  }
0x5c: {  	_ =	shalt  }
0x5d: {  	_ =	shalt  }
0x5e: {  	_ =	shalt  }
0x5f: {  	_ =	shalt  }
0x60: {  	_ =	shalt  }
0x61: {  	_ =	shalt  }
0x62: {  	_ =	shalt  }
0x63: {  	_ =	shalt  }
0x64: {  	_ =	shalt  }
0x65: {  	_ =	shalt  }
0x66: {  	_ =	shalt  }
0x67: {  	_ =	shalt  }
0x68: {  	_ =	shalt  }
0x69: {  	_ =	shalt  }
0x6a: {  	_ =	shalt  }
0x6b: {  	_ =	shalt  }
0x6c: {  	_ =	shalt  }
0x6d: {  	_ =	shalt  }
0x6e: {  	_ =	shalt  }
0x6f: {  	_ =	shalt  }
0x70: {  	_ =	shalt  }
0x71: {  	_ =	shalt  }
0x72: {  	_ =	shalt  }
0x73: {  	_ =	shalt  }
0x74: {  	_ =	shalt  }
0x75: {  	_ =	shalt  }
0x76: {  	_ =	shalt  }
0x77: {  	_ =	shalt  }
0x78: {  	_ =	shalt  }
0x79: {  	_ =	shalt  }
0x7a: {  	_ =	shalt  }
0x7b: {  	_ =	shalt  }
0x7c: {  	_ =	shalt  }
0x7d: {  	_ =	shalt  }
0x7e: {  	_ =	shalt  }
0x7f: {  	_ =	shalt  }
0x80: {  	_ =	shalt  }
0x81: {  	_ =	shalt  }
0x82: {  	_ =	shalt  }
0x83: {  	_ =	shalt  }
0x84: {  	_ =	shalt  }
0x85: {  	_ =	shalt  }
0x86: {  	_ =	shalt  }
0x87: {  	_ =	shalt  }
.Lfunc_end0:
.L_simem_size_0:
called_computation_lowered:
.L_overlay_start_0:
0x88: {  	s2 =	sld [smem:$0x3FD9]  }
0x89: {  	s3 =	sld [smem:$0x3FFE];
	_ =	sdelay $0x1  }
0x8a: {  	s1 =	srdreg.scid  }
0x8b: {  	s0 =	sand.u32 $0x1, s1  }
0x8c: {  	s17 =	sshll.u32 s0, $0xA;
	s2 =	sadd.s32 s3, s2  }
0x8d: {  	s2 =	sadd.s32 s2, s17  }
0x8e: {  	[smem:$0x3FC5] =	sst s2  }
0x8f: {  	_ = 	snop  }
0x90: {  	s2 =	sld [smem:$0x3FD0];
	(tm) =	ssettm $0x1  }
0x91: {  	s18 =	sld [smem:$0x3FFB];
	_ =	sdelay $0x3  }
0x92: {  	_ =	strace s18  }
0x93: {  	s3 =	sld [smem:$0x3FFC];
	_ =	sdelay $0x3  }
0x94: {  	_ =	strace s3  }
0x95: {  	s3 =	sld [smem:$0x3FFD];
	_ =	sdelay $0x3  }
0x96: {  	_ =	strace s3  }
0x97: {  	_ =	strace $0x8FFFFFFF  }
0x98: {  	s19 =	sld [smem:$0x3FDB];
	_ =	sdelay $0x1  }
0x99: {  	s4 =	simm.s32 $_scs_section_size  }
0x9a: {  	s5 =	simm.s32 $_size__tile_overlayer_lowered;
	s6 =	simm.s32 $_tile_overlayer_lowered  }
0x9b: {  	s22 =	simm.s32 $0x1BFF;
	s21 =	sshll.u32 s6, $0x1;
	s3 =	sadd.s32 s4, s19  }
0x9c: {  	s7 =	simm.s32 $0x0;
	s20 =	sshll.u32 s5, $0x1;
	s5 =	sadd.s32 s21, s3  }
0x9d: {  	[timem:s7], [sflag:s22] =	dma.local [hbm:s5], s20  }
0x9e: {  	_ =	swait.ge [sflag:s22], s20  }
0x9f: {  	s4 =	ssub.s32 $0x0, s20;
	[sflag:s22] =	ssyncset.done $0x0  }
0xa0: {  	[sflag:s22] =	ssyncadd.s32 s4;
	_ =	sdelay $0x1  }
0xa1: {  	s23 =	simm.s32 $0x1B8B  }
0xa2: {  	_ =	swait.ge [sflag:s23], $0x1  }
0xa3: {  	[sflag:s23] =	ssyncset.done $0x0  }
0xa4: {  	s25 =	simm.s32 $0x1B8E;
	s24 =	sld [smem:$0x3FFE];
	[sflag:s23] =	ssyncadd.s32 $0xFFFFFFFF  }
0xa5: {  	s26 =	simm.s32 $execute0_lowered;
	[smem:$0x3FD2] =	sst s25  }
0xa6: {  	s5 =	sshll.u32 s26, $0x1;
	_ =	strace $0x80000046;
	[dreg:$0x1] =	wrdreg $0xFFFFFFFF  }
0xa7: {  	s28 =	simm.s32 $_size_execute0_lowered;
	s3 =	sadd.s32 s3, s5;
	[dreg:$0x0] =	wrdreg $0x0  }
0xa8: {  	s5 =	sshll.u32 s28, $0x1;
	[dreg:$0x2] =	wrdreg s3  }
0xa9: {  	[dreg:$0x3] =	wrdreg s5  }
0xaa: {  	[dreg:$0x4] =	wrdreg $0xC0  }
0xab: {  	_ =	task [dreg:s7], $0x5FFFF  }
0xac: {  	[dreg:$0x1] =	wrdreg $0xFFFFFFFF  }
0xad: {  	[dreg:$0x0] =	wrdreg $0x60  }
0xae: {  	[dreg:$0x2] =	wrdreg s24  }
0xaf: {  	[dreg:$0x3] =	wrdreg s2  }
0xb0: {  	[dreg:$0x4] =	wrdreg $0x9  }
0xb1: {  	_ =	task.clear_ibuf [dreg:s7], $0x5FFFF;
	_ =	strace $0x90000046  }
0xb2: {  	s29 =	simm.s32 $0x9;
	_ =	strace $0x80000048  }
0xb3: {  	_ =	swait.ge [sflag:s29], $0x1  }
0xb4: {  	[sflag:s29] =	ssyncadd.s32 $0xFFFFFFFF  }
0xb5: {  	_ =	strace $0x90000048  }
0xb6: {  	_ =	sfence  }
0xb7: {  	s30 =	sld [smem:$0x0];
	_ =	sdelay $0x2  }
0xb8: {  	s31 =	sshll.u32 s1, $0xD;
	s1 =	sshrl.u32 s1, $0x2  }
0xb9: {  	s3 =	sand.u32 $0x4000, s31;
	s1 =	sadd.s32 s1, s30  }
0xba: {  	s0 =	sor.u32 s3, s0;
	s1 =	sshll.u32 s1, $0x11  }
0xbb: {  	s0 =	sor.u32 s1, s0  }
0xbc: {  	s0 =	sadd.s32 $0x8F2B, s0  }
0xbd: {  	[sflag:s0] =	ssyncadd.remote.s32 $0x1  }
0xbe: {  	_ =	sfence.sel $0xFFFF  }
0xbf: {  	[dreg:$0x0] =	wrdreg $0xFFFFFFFF;
	(pc) =	sbr.abs _section_cstart, $3  }
0xc0: {  	[dreg:$0x1] =	wrdreg $0xFFFFFFFF  }
0xc1: {  	_ =	task.clear_ibuf [dreg:s7], $0x2FFFF;
	_ =	strace $0x9FFFFFFF  }
0xc2: {  	(tm) =	ssettm $0x7FFFFFFF  }
0xc3: {  	_ =	shalt  }
tec
execute0_lowered:
.L_overlay_start_1:
0x0: {  	(tag) =	ssettag $0x1  }
0x1: {  	s6 =	rddreg [dreg:$0x0]  }
0x2: {  	s7 =	srdreg.scid;
	s2 =	rddreg [dreg:$0x1]  }
0x3: {  	s0 =	stileid.u32;
	s1 =	rddreg [dreg:$0x2];
	s3 =	simm.s32 $0x0  }
0x4: {  	s16 =	simm.s32 $0x1;
	s17 =	simm.s32 $0x80;
	s18 =	simm.s32 $0x2  }
0x5: {  	s19 =	simm.s32 $0x0;
	s8 =	sand.u32 $0x1, s7;
	s4 =	sshll.u32 s0, $0x1  }
0x6: {  	[smem:$0x7FF] =	sst s3;
	s5 =	sadd.s32 $0x1E00, s6;
	s9 =	sor.u32 s8, s4  }
0x7: {  	s6 =	sadd.s32 $0x400, s6;
	s7 =	sshll.u32 s7, $0x6;
	s4 =	smul.u32 $0x64, s9  }
0x8: {  	s10 =	ssub.s32 $0x2, s8;
	_ =	strace $0x80000047;
	s15 =	smul.u32 $0x240, s9  }
0x9: {  	s8 =	sshll.u32 s8, $0x6;
	s11 =	sshrl.u32 s10, $0x1;
	s9 =	smul.u32 $0x640, s9  }
0xa: {  	s7 =	sand.u32 $0x40, s7;
	s11 =	ssub.s32 s10, s11;
	s24 =	sshrl.u32 s4, $0x3  }
0xb: {  	s12 =	sshrl.u32 s4, $0x6;
	s25 =	sand.u32 $0x380, s15;
	s9 =	sand.u32 $0xFC00, s9  }
0xc: {  	s11 =	smax.u32 s11, $0x1;
	s15 =	simm.s32 $0x3EA0;
	s10 =	sand.u32 $0x7, s24  }
0xd: {  	s13 =	sshll.u32 s12, $0xA;
	s12 =	smul.u32 $0xFA000, s12;
	s7 =	sor.u32 s25, s7  }
0xe: {  	v0 =	vlaneseq.u32;
	s14 =	sshll.u32 s10, $0x7;
	s10 =	sshll.u32 s10, $0xA;
	s7 =	sor.u32 s9, s7  }
0xf: {  	v0 =	vmul.u32 $0x3E8, v0;
	s13 =	sor.u32 s13, s14;
	s26 =	sor.u32 s12, s10;
	s29 =	sshrl.u32 s7, $0x3  }
0x10: {  	v1 =	vimm.s32 $0x0;
	vm0 =	vcmask $0x300;
	s10 =	sadd.s32 $0xFFFFFFFF, s4;
	s12 =	simm.s32 $0x3;
	s14 =	simm.s32 $0x20  }
0x11: {  	v1 =	vsel vm0, $0x3, v1;
	v2 =	vor.u32 $0x1, v0;
	s13 =	sor.u32 s8, s13;
	s8 =	sor.u32 s8, s26;
	s30 =	sadd.s32 s29, s6  }
0x12: {  	v3 =	vor.u32 $0x2, v0;
	v4 =	vor.u32 $0x3, v0;
	v5 =	vor.u32 $0x4, v0;
	s28 =	sshrl.u32 s13, $0x3;
	s31 =	sshrl.u32 s8, $0x3;
	s8 =	sadd.s32 $0x2, s30  }
0x13: {  	v6 =	vor.u32 $0x5, v0;
	v7 =	vor.u32 $0x6, v0;
	v8 =	vor.u32 $0x7, v0;
	s13 =	simm.s32 $0x10;
	s7 =	sadd.s32 s6, s28;
	s9 =	sadd.s32 s2, s31  }
.LBB2_1:
0x14: {  	[tilespmem:s3], [sflag:$0x3] =	stream.linear.gather [hbm4b:s7+s3], $0x10, $0x38;
	[tilespmem:$0xFA20] =	vst v63  }
0x15: {  	_ =	swait.ge [sflag:s12], $0x10  }
0x16: {  	[sflag:s12] =	ssyncset.done $0x0  }
0x17: {  	[sflag:s12] =	ssyncadd.s32 $0xFFFFFFF0  }
0x18: {  	v9 =	vmov s3;
	[tilespmem:s14], [sflag:$0x1] =	stream.indirect.gather [hbm4b:s5+s13], $0x3E8, s3, s13, $0xb8;
	[tilespmem:$0xFA20] =	vst v63  }
0x19: {  	v9 =	vshrl.u32 v9, $0x3  }
0x1a: {  	v9 =	vshll.u32 v9, v1;
	[tilespmem:s13], [sflag:$0x3] =	stream.linear.gather [hbm4b:s8+s3], $0x10, $0x38;
	[tilespmem:$0xFA20] =	vst v63  }
0x1b: {  	v9 =	vbroadcast v9, $0x0;
	_ =	swait.ge [sflag:s12], $0x10  }
0x1c: {  	[sflag:s12] =	ssyncset.done $0x0  }
0x1d: {  	v10 =	vadd.s32 v0, v9;
	[sflag:s12] =	ssyncadd.s32 $0xFFFFFFF0  }
0x1e: {  	[tilespmem:s15], [sflag:$0x1] =	stream.indirect.gather [hbm4b:s5+s13], $0x3E8, s13, s13, $0xb8;
	[tilespmem:$0xFA20] =	vst v63  }
0x1f: {  	_ =	swait.ge [sflag:s16], $0x3E80  }
0x20: {  	[sflag:s16] =	ssyncset.done $0x0  }
0x21: {  	[sflag:s16] =	ssyncadd.s32 $0xFFFFC180  }
0x22: {  	v10 =	vld.idx.msk [tilespmem:v10+s14+$0x0], $0xffff  }
0x23: {  	v11 =	vadd.s32 v2, v9;
	_ =	sdelay $0x2  }
0x24: {  	s20 =	simm.s32 $0x7E60  }
0x25: {  	[tilespmem:s20+$0xFFFFFEC0] =	vst v10  }
0x26: {  	v10 =	vld.idx.msk [tilespmem:v11+s14+$0x0], $0xffff  }
0x27: {  	v11 =	vadd.s32 v3, v9;
	_ =	sdelay $0x3  }
0x28: {  	[tilespmem:s20+$0xFFFFFED0] =	vst v10  }
0x29: {  	v10 =	vld.idx.msk [tilespmem:v11+s14+$0x0], $0xffff  }
0x2a: {  	v11 =	vadd.s32 v4, v9;
	_ =	sdelay $0x3  }
0x2b: {  	[tilespmem:s20+$0xFFFFFEE0] =	vst v10  }
0x2c: {  	v10 =	vld.idx.msk [tilespmem:v11+s14+$0x0], $0xffff  }
0x2d: {  	v11 =	vadd.s32 v5, v9;
	_ =	sdelay $0x3  }
0x2e: {  	[tilespmem:s20+$0xFFFFFEF0] =	vst v10  }
0x2f: {  	v10 =	vld.idx.msk [tilespmem:v11+s14+$0x0], $0xffff  }
0x30: {  	v11 =	vadd.s32 v6, v9;
	_ =	sdelay $0x3  }
0x31: {  	[tilespmem:s20+$0xFFFFFF00] =	vst v10  }
0x32: {  	v10 =	vld.idx.msk [tilespmem:v11+s14+$0x0], $0xffff  }
0x33: {  	v11 =	vadd.s32 v7, v9;
	_ =	sdelay $0x3  }
0x34: {  	[tilespmem:s20+$0xFFFFFF10] =	vst v10  }
0x35: {  	v10 =	vld.idx.msk [tilespmem:v11+s14+$0x0], $0xffff  }
0x36: {  	s21 =	simm.s32 $0x8;
	v9 =	vadd.s32 v8, v9  }
0x37: {  	v11 =	vmov s21  }
0x38: {  	v11 =	vshrl.u32 v11, $0x3  }
0x39: {  	v11 =	vshll.u32 v11, v1  }
0x3a: {  	[tilespmem:s20+$0xFFFFFF20] =	vst v10;
	v10 =	vbroadcast v11, $0x0  }
0x3b: {  	v9 =	vld.idx.msk [tilespmem:v9+s14+$0x0], $0xffff  }
0x3c: {  	v11 =	vadd.s32 v0, v10;
	_ =	sdelay $0x3  }
0x3d: {  	[tilespmem:s20+$0xFFFFFF30] =	vst v9  }
0x3e: {  	v9 =	vld.idx.msk [tilespmem:v11+s14+$0x0], $0xffff  }
0x3f: {  	v11 =	vadd.s32 v2, v10;
	_ =	sdelay $0x3  }
0x40: {  	[tilespmem:s20+$0xFFFFFF40] =	vst v9  }
0x41: {  	v9 =	vld.idx.msk [tilespmem:v11+s14+$0x0], $0xffff  }
0x42: {  	v11 =	vadd.s32 v3, v10;
	_ =	sdelay $0x3  }
0x43: {  	[tilespmem:s20+$0xFFFFFF50] =	vst v9  }
0x44: {  	v9 =	vld.idx.msk [tilespmem:v11+s14+$0x0], $0xffff  }
0x45: {  	v11 =	vadd.s32 v4, v10;
	_ =	sdelay $0x3  }
0x46: {  	[tilespmem:s20+$0xFFFFFF60] =	vst v9  }
0x47: {  	v9 =	vld.idx.msk [tilespmem:v11+s14+$0x0], $0xffff  }
0x48: {  	v11 =	vadd.s32 v5, v10;
	_ =	sdelay $0x3  }
0x49: {  	[tilespmem:s20+$0xFFFFFF70] =	vst v9  }
0x4a: {  	v9 =	vld.idx.msk [tilespmem:v11+s14+$0x0], $0xffff  }
0x4b: {  	v11 =	vadd.s32 v6, v10;
	_ =	sdelay $0x3  }
0x4c: {  	[tilespmem:s20+$0xFFFFFF80] =	vst v9  }
0x4d: {  	v9 =	vld.idx.msk [tilespmem:v11+s14+$0x0], $0xffff  }
0x4e: {  	v11 =	vadd.s32 v7, v10;
	_ =	sdelay $0x3  }
0x4f: {  	[tilespmem:s20+$0xFFFFFF90] =	vst v9  }
0x50: {  	v9 =	vld.idx.msk [tilespmem:v11+s14+$0x0], $0xffff  }
0x51: {  	s29 =	simm.s32 $0x10;
	v10 =	vadd.s32 v8, v10  }
0x52: {  	v11 =	vmov s29  }
0x53: {  	v11 =	vshrl.u32 v11, $0x3  }
0x54: {  	v11 =	vshll.u32 v11, v1  }
0x55: {  	[tilespmem:s20+$0xFFFFFFA0] =	vst v9;
	v9 =	vbroadcast v11, $0x0  }
0x56: {  	v10 =	vld.idx.msk [tilespmem:v10+s14+$0x0], $0xffff  }
0x57: {  	v11 =	vadd.s32 v0, v9;
	_ =	sdelay $0x3  }
0x58: {  	[tilespmem:s20+$0xFFFFFFB0] =	vst v10  }
0x59: {  	v10 =	vld.idx.msk [tilespmem:v11+s14+$0x0], $0xffff  }
0x5a: {  	v11 =	vadd.s32 v2, v9;
	_ =	sdelay $0x3  }
0x5b: {  	[tilespmem:s20+$0xFFFFFFC0] =	vst v10  }
0x5c: {  	v10 =	vld.idx.msk [tilespmem:v11+s14+$0x0], $0xffff  }
0x5d: {  	v11 =	vadd.s32 v3, v9;
	_ =	sdelay $0x3  }
0x5e: {  	[tilespmem:s20+$0xFFFFFFD0] =	vst v10  }
0x5f: {  	v10 =	vld.idx.msk [tilespmem:v11+s14+$0x0], $0xffff  }
0x60: {  	v11 =	vadd.s32 v4, v9;
	_ =	sdelay $0x3  }
0x61: {  	[tilespmem:s20+$0xFFFFFFE0] =	vst v10  }
0x62: {  	v10 =	vld.idx.msk [tilespmem:v11+s14+$0x0], $0xffff  }
0x63: {  	v11 =	vadd.s32 v5, v9;
	_ =	sdelay $0x3  }
0x64: {  	[tilespmem:s20+$0xFFFFFFF0] =	vst v10  }
0x65: {  	v10 =	vld.idx.msk [tilespmem:v11+s14+$0x0], $0xffff  }
0x66: {  	v11 =	vadd.s32 v6, v9;
	_ =	sdelay $0x3  }
0x67: {  	[tilespmem:s20+$0x0] =	vst v10  }
0x68: {  	v10 =	vld.idx.msk [tilespmem:v11+s14+$0x0], $0xffff  }
0x69: {  	v11 =	vadd.s32 v7, v9;
	_ =	sdelay $0x3  }
0x6a: {  	[tilespmem:s20+$0x10] =	vst v10  }
0x6b: {  	v10 =	vld.idx.msk [tilespmem:v11+s14+$0x0], $0xffff  }
0x6c: {  	s30 =	simm.s32 $0x18;
	v9 =	vadd.s32 v8, v9  }
0x6d: {  	v11 =	vmov s30  }
0x6e: {  	v11 =	vshrl.u32 v11, $0x3  }
0x6f: {  	v11 =	vshll.u32 v11, v1  }
0x70: {  	[tilespmem:s20+$0x20] =	vst v10;
	v10 =	vbroadcast v11, $0x0  }
0x71: {  	v9 =	vld.idx.msk [tilespmem:v9+s14+$0x0], $0xffff  }
0x72: {  	v11 =	vadd.s32 v0, v10;
	_ =	sdelay $0x3  }
0x73: {  	[tilespmem:s20+$0x30] =	vst v9  }
0x74: {  	v9 =	vld.idx.msk [tilespmem:v11+s14+$0x0], $0xffff  }
0x75: {  	v11 =	vadd.s32 v2, v10;
	_ =	sdelay $0x3  }
0x76: {  	[tilespmem:s20+$0x40] =	vst v9  }
0x77: {  	v9 =	vld.idx.msk [tilespmem:v11+s14+$0x0], $0xffff  }
0x78: {  	v11 =	vadd.s32 v3, v10;
	_ =	sdelay $0x3  }
0x79: {  	[tilespmem:s20+$0x50] =	vst v9  }
0x7a: {  	v9 =	vld.idx.msk [tilespmem:v11+s14+$0x0], $0xffff  }
0x7b: {  	v11 =	vadd.s32 v4, v10;
	_ =	sdelay $0x3  }
0x7c: {  	[tilespmem:s20+$0x60] =	vst v9  }
0x7d: {  	v9 =	vld.idx.msk [tilespmem:v11+s14+$0x0], $0xffff  }
0x7e: {  	v11 =	vadd.s32 v5, v10;
	_ =	sdelay $0x3  }
0x7f: {  	[tilespmem:s20+$0x70] =	vst v9  }
0x80: {  	v9 =	vld.idx.msk [tilespmem:v11+s14+$0x0], $0xffff  }
0x81: {  	v11 =	vadd.s32 v6, v10;
	_ =	sdelay $0x3  }
0x82: {  	[tilespmem:s20+$0x80] =	vst v9  }
0x83: {  	v9 =	vld.idx.msk [tilespmem:v11+s14+$0x0], $0xffff  }
0x84: {  	v11 =	vadd.s32 v7, v10;
	_ =	sdelay $0x3  }
0x85: {  	[tilespmem:s20+$0x90] =	vst v9  }
0x86: {  	v9 =	vld.idx.msk [tilespmem:v11+s14+$0x0], $0xffff  }
0x87: {  	s31 =	simm.s32 $0x20;
	v10 =	vadd.s32 v8, v10  }
0x88: {  	v11 =	vmov s31  }
0x89: {  	v11 =	vshrl.u32 v11, $0x3  }
0x8a: {  	v11 =	vshll.u32 v11, v1  }
0x8b: {  	v11 =	vbroadcast v11, $0x0;
	[tilespmem:s20+$0xA0] =	vst v9  }
0x8c: {  	v9 =	vld.idx.msk [tilespmem:v10+s14+$0x0], $0xffff  }
0x8d: {  	v10 =	vadd.s32 v0, v11;
	_ =	sdelay $0x3  }
0x8e: {  	[tilespmem:s20+$0xB0] =	vst v9  }
0x8f: {  	v9 =	vld.idx.msk [tilespmem:v10+s14+$0x0], $0xffff  }
0x90: {  	v10 =	vadd.s32 v2, v11;
	_ =	sdelay $0x3  }
0x91: {  	[tilespmem:s20+$0xC0] =	vst v9  }
0x92: {  	v9 =	vld.idx.msk [tilespmem:v10+s14+$0x0], $0xffff  }
0x93: {  	v10 =	vadd.s32 v3, v11;
	_ =	sdelay $0x3  }
0x94: {  	[tilespmem:s20+$0xD0] =	vst v9  }
0x95: {  	v9 =	vld.idx.msk [tilespmem:v10+s14+$0x0], $0xffff  }
0x96: {  	v10 =	vadd.s32 v4, v11;
	_ =	sdelay $0x3  }
0x97: {  	[tilespmem:s20+$0xE0] =	vst v9  }
0x98: {  	v9 =	vld.idx.msk [tilespmem:v10+s14+$0x0], $0xffff  }
0x99: {  	v10 =	vadd.s32 v5, v11;
	_ =	sdelay $0x3  }
0x9a: {  	[tilespmem:s20+$0xF0] =	vst v9  }
0x9b: {  	v9 =	vld.idx.msk [tilespmem:v10+s14+$0x0], $0xffff  }
0x9c: {  	v10 =	vadd.s32 v6, v11;
	_ =	sdelay $0x3  }
0x9d: {  	[tilespmem:s20+$0x100] =	vst v9  }
0x9e: {  	v9 =	vld.idx.msk [tilespmem:v10+s14+$0x0], $0xffff  }
0x9f: {  	v10 =	vadd.s32 v7, v11;
	_ =	sdelay $0x3  }
0xa0: {  	[tilespmem:s20+$0x110] =	vst v9  }
0xa1: {  	v9 =	vld.idx.msk [tilespmem:v10+s14+$0x0], $0xffff  }
0xa2: {  	v10 =	vadd.s32 v8, v11  }
0xa3: {  	s22 =	simm.s32 $0x28;
	s21 =	simm.s32 $0x0  }
.LBB2_2:
0xa4: {  	v11 =	vmov s22;
	s21 =	sadd.s32 $0x5, s21  }
0xa5: {  	v11 =	vshrl.u32 v11, $0x3;
	p0 =	slt.u32 s21, $0x78  }
0xa6: {  	v11 =	vshll.u32 v11, v1;
	[tilespmem:s20+$0x120] =	vst v9  }
0xa7: {  	v9 =	vbroadcast v11, $0x0;
	v10 =	vld.idx.msk [tilespmem:v10+s14+$0x0], $0xffff;
	_ =	sdelay $0x1  }
0xa8: {  	v11 =	vadd.s32 v0, v9;
	_ =	sdelay $0x3  }
0xa9: {  	[tilespmem:s20+$0x130] =	vst v10  }
0xaa: {  	v10 =	vld.idx.msk [tilespmem:v11+s14+$0x0], $0xffff;
	_ =	sdelay $0x1  }
0xab: {  	v11 =	vadd.s32 v2, v9;
	_ =	sdelay $0x2  }
0xac: {  	s20 =	sadd.s32 $0x280, s20  }
0xad: {  	[tilespmem:s20+$0xFFFFFEC0] =	vst v10  }
0xae: {  	v10 =	vld.idx.msk [tilespmem:v11+s14+$0x0], $0xffff;
	_ =	sdelay $0x1  }
0xaf: {  	v11 =	vadd.s32 v3, v9;
	_ =	sdelay $0x3  }
0xb0: {  	[tilespmem:s20+$0xFFFFFED0] =	vst v10  }
0xb1: {  	v10 =	vld.idx.msk [tilespmem:v11+s14+$0x0], $0xffff;
	_ =	sdelay $0x1  }
0xb2: {  	v11 =	vadd.s32 v4, v9;
	_ =	sdelay $0x3  }
0xb3: {  	[tilespmem:s20+$0xFFFFFEE0] =	vst v10  }
0xb4: {  	v10 =	vld.idx.msk [tilespmem:v11+s14+$0x0], $0xffff;
	_ =	sdelay $0x1  }
0xb5: {  	v11 =	vadd.s32 v5, v9;
	_ =	sdelay $0x3  }
0xb6: {  	[tilespmem:s20+$0xFFFFFEF0] =	vst v10  }
0xb7: {  	v10 =	vld.idx.msk [tilespmem:v11+s14+$0x0], $0xffff;
	_ =	sdelay $0x1  }
0xb8: {  	v11 =	vadd.s32 v6, v9;
	_ =	sdelay $0x3  }
0xb9: {  	[tilespmem:s20+$0xFFFFFF00] =	vst v10  }
0xba: {  	v10 =	vld.idx.msk [tilespmem:v11+s14+$0x0], $0xffff;
	_ =	sdelay $0x1  }
0xbb: {  	v11 =	vadd.s32 v7, v9;
	_ =	sdelay $0x3  }
0xbc: {  	[tilespmem:s20+$0xFFFFFF10] =	vst v10  }
0xbd: {  	v10 =	vld.idx.msk [tilespmem:v11+s14+$0x0], $0xffff;
	_ =	sdelay $0x1  }
0xbe: {  	v9 =	vadd.s32 v8, v9  }
0xbf: {  	s23 =	sadd.s32 $0x8, s22  }
0xc0: {  	v11 =	vmov s23  }
0xc1: {  	v11 =	vshrl.u32 v11, $0x3  }
0xc2: {  	[tilespmem:s20+$0xFFFFFF20] =	vst v10;
	v10 =	vshll.u32 v11, v1  }
0xc3: {  	v9 =	vld.idx.msk [tilespmem:v9+s14+$0x0], $0xffff;
	v10 =	vbroadcast v10, $0x0;
	_ =	sdelay $0x1  }
0xc4: {  	v11 =	vadd.s32 v0, v10;
	_ =	sdelay $0x3  }
0xc5: {  	[tilespmem:s20+$0xFFFFFF30] =	vst v9  }
0xc6: {  	v9 =	vld.idx.msk [tilespmem:v11+s14+$0x0], $0xffff;
	_ =	sdelay $0x1  }
0xc7: {  	v11 =	vadd.s32 v2, v10;
	_ =	sdelay $0x3  }
0xc8: {  	[tilespmem:s20+$0xFFFFFF40] =	vst v9  }
0xc9: {  	v9 =	vld.idx.msk [tilespmem:v11+s14+$0x0], $0xffff;
	_ =	sdelay $0x1  }
0xca: {  	v11 =	vadd.s32 v3, v10;
	_ =	sdelay $0x3  }
0xcb: {  	[tilespmem:s20+$0xFFFFFF50] =	vst v9  }
0xcc: {  	v9 =	vld.idx.msk [tilespmem:v11+s14+$0x0], $0xffff;
	_ =	sdelay $0x1  }
0xcd: {  	v11 =	vadd.s32 v4, v10;
	_ =	sdelay $0x3  }
0xce: {  	[tilespmem:s20+$0xFFFFFF60] =	vst v9  }
0xcf: {  	v9 =	vld.idx.msk [tilespmem:v11+s14+$0x0], $0xffff;
	_ =	sdelay $0x1  }
0xd0: {  	v11 =	vadd.s32 v5, v10;
	_ =	sdelay $0x3  }
0xd1: {  	[tilespmem:s20+$0xFFFFFF70] =	vst v9  }
0xd2: {  	v9 =	vld.idx.msk [tilespmem:v11+s14+$0x0], $0xffff;
	_ =	sdelay $0x1  }
0xd3: {  	v11 =	vadd.s32 v6, v10;
	_ =	sdelay $0x3  }
0xd4: {  	[tilespmem:s20+$0xFFFFFF80] =	vst v9  }
0xd5: {  	v9 =	vld.idx.msk [tilespmem:v11+s14+$0x0], $0xffff;
	_ =	sdelay $0x1  }
0xd6: {  	v11 =	vadd.s32 v7, v10;
	_ =	sdelay $0x3  }
0xd7: {  	[tilespmem:s20+$0xFFFFFF90] =	vst v9  }
0xd8: {  	v9 =	vld.idx.msk [tilespmem:v11+s14+$0x0], $0xffff;
	_ =	sdelay $0x1  }
0xd9: {  	v10 =	vadd.s32 v8, v10  }
0xda: {  	s23 =	sadd.s32 $0x10, s22  }
0xdb: {  	v11 =	vmov s23  }
0xdc: {  	v11 =	vshrl.u32 v11, $0x3  }
0xdd: {  	[tilespmem:s20+$0xFFFFFFA0] =	vst v9;
	v9 =	vshll.u32 v11, v1  }
0xde: {  	v10 =	vld.idx.msk [tilespmem:v10+s14+$0x0], $0xffff;
	v9 =	vbroadcast v9, $0x0;
	_ =	sdelay $0x1  }
0xdf: {  	v11 =	vadd.s32 v0, v9;
	_ =	sdelay $0x3  }
0xe0: {  	[tilespmem:s20+$0xFFFFFFB0] =	vst v10  }
0xe1: {  	v10 =	vld.idx.msk [tilespmem:v11+s14+$0x0], $0xffff;
	_ =	sdelay $0x1  }
0xe2: {  	v11 =	vadd.s32 v2, v9;
	_ =	sdelay $0x3  }
0xe3: {  	[tilespmem:s20+$0xFFFFFFC0] =	vst v10  }
0xe4: {  	v10 =	vld.idx.msk [tilespmem:v11+s14+$0x0], $0xffff;
	_ =	sdelay $0x1  }
0xe5: {  	v11 =	vadd.s32 v3, v9;
	_ =	sdelay $0x3  }
0xe6: {  	[tilespmem:s20+$0xFFFFFFD0] =	vst v10  }
0xe7: {  	v10 =	vld.idx.msk [tilespmem:v11+s14+$0x0], $0xffff;
	_ =	sdelay $0x1  }
0xe8: {  	v11 =	vadd.s32 v4, v9;
	_ =	sdelay $0x3  }
0xe9: {  	[tilespmem:s20+$0xFFFFFFE0] =	vst v10  }
0xea: {  	v10 =	vld.idx.msk [tilespmem:v11+s14+$0x0], $0xffff;
	_ =	sdelay $0x1  }
0xeb: {  	v11 =	vadd.s32 v5, v9;
	_ =	sdelay $0x3  }
0xec: {  	[tilespmem:s20+$0xFFFFFFF0] =	vst v10  }
0xed: {  	v10 =	vld.idx.msk [tilespmem:v11+s14+$0x0], $0xffff;
	_ =	sdelay $0x1  }
0xee: {  	v11 =	vadd.s32 v6, v9;
	_ =	sdelay $0x3  }
0xef: {  	[tilespmem:s20+$0x0] =	vst v10  }
0xf0: {  	v10 =	vld.idx.msk [tilespmem:v11+s14+$0x0], $0xffff;
	_ =	sdelay $0x1  }
0xf1: {  	v11 =	vadd.s32 v7, v9;
	_ =	sdelay $0x3  }
0xf2: {  	[tilespmem:s20+$0x10] =	vst v10  }
0xf3: {  	v10 =	vld.idx.msk [tilespmem:v11+s14+$0x0], $0xffff;
	_ =	sdelay $0x1  }
0xf4: {  	v9 =	vadd.s32 v8, v9  }
0xf5: {  	s23 =	sadd.s32 $0x18, s22  }
0xf6: {  	v11 =	vmov s23  }
0xf7: {  	v11 =	vshrl.u32 v11, $0x3  }
0xf8: {  	[tilespmem:s20+$0x20] =	vst v10;
	v10 =	vshll.u32 v11, v1  }
0xf9: {  	v9 =	vld.idx.msk [tilespmem:v9+s14+$0x0], $0xffff;
	v10 =	vbroadcast v10, $0x0;
	_ =	sdelay $0x1  }
0xfa: {  	v11 =	vadd.s32 v0, v10;
	_ =	sdelay $0x3  }
0xfb: {  	[tilespmem:s20+$0x30] =	vst v9  }
0xfc: {  	v9 =	vld.idx.msk [tilespmem:v11+s14+$0x0], $0xffff;
	_ =	sdelay $0x1  }
0xfd: {  	v11 =	vadd.s32 v2, v10;
	_ =	sdelay $0x3  }
0xfe: {  	[tilespmem:s20+$0x40] =	vst v9  }
0xff: {  	v9 =	vld.idx.msk [tilespmem:v11+s14+$0x0], $0xffff;
	_ =	sdelay $0x1  }
0x100: {  	v11 =	vadd.s32 v3, v10;
	_ =	sdelay $0x3  }
0x101: {  	[tilespmem:s20+$0x50] =	vst v9  }
0x102: {  	v9 =	vld.idx.msk [tilespmem:v11+s14+$0x0], $0xffff;
	_ =	sdelay $0x1  }
0x103: {  	v11 =	vadd.s32 v4, v10;
	_ =	sdelay $0x3  }
0x104: {  	[tilespmem:s20+$0x60] =	vst v9  }
0x105: {  	v9 =	vld.idx.msk [tilespmem:v11+s14+$0x0], $0xffff;
	_ =	sdelay $0x1  }
0x106: {  	v11 =	vadd.s32 v5, v10;
	_ =	sdelay $0x3  }
0x107: {  	[tilespmem:s20+$0x70] =	vst v9  }
0x108: {  	v9 =	vld.idx.msk [tilespmem:v11+s14+$0x0], $0xffff;
	_ =	sdelay $0x1  }
0x109: {  	v11 =	vadd.s32 v6, v10;
	_ =	sdelay $0x3  }
0x10a: {  	[tilespmem:s20+$0x80] =	vst v9  }
0x10b: {  	v9 =	vld.idx.msk [tilespmem:v11+s14+$0x0], $0xffff;
	_ =	sdelay $0x1  }
0x10c: {  	v11 =	vadd.s32 v7, v10;
	_ =	sdelay $0x3  }
0x10d: {  	[tilespmem:s20+$0x90] =	vst v9  }
0x10e: {  	v9 =	vld.idx.msk [tilespmem:v11+s14+$0x0], $0xffff;
	_ =	sdelay $0x1  }
0x10f: {  	v10 =	vadd.s32 v8, v10  }
0x110: {  	s23 =	sadd.s32 $0x20, s22  }
0x111: {  	v11 =	vmov s23  }
0x112: {  	v11 =	vshrl.u32 v11, $0x3  }
0x113: {  	[tilespmem:s20+$0xA0] =	vst v9;
	v9 =	vshll.u32 v11, v1  }
0x114: {  	v10 =	vld.idx.msk [tilespmem:v10+s14+$0x0], $0xffff;
	v11 =	vbroadcast v9, $0x0;
	_ =	sdelay $0x1  }
0x115: {  	v9 =	vadd.s32 v0, v11;
	_ =	sdelay $0x3  }
0x116: {  	[tilespmem:s20+$0xB0] =	vst v10  }
0x117: {  	v9 =	vld.idx.msk [tilespmem:v9+s14+$0x0], $0xffff;
	_ =	sdelay $0x1  }
0x118: {  	v10 =	vadd.s32 v2, v11;
	_ =	sdelay $0x3  }
0x119: {  	[tilespmem:s20+$0xC0] =	vst v9  }
0x11a: {  	v9 =	vld.idx.msk [tilespmem:v10+s14+$0x0], $0xffff;
	_ =	sdelay $0x1  }
0x11b: {  	v10 =	vadd.s32 v3, v11;
	_ =	sdelay $0x3  }
0x11c: {  	[tilespmem:s20+$0xD0] =	vst v9  }
0x11d: {  	v9 =	vld.idx.msk [tilespmem:v10+s14+$0x0], $0xffff;
	_ =	sdelay $0x1  }
0x11e: {  	v10 =	vadd.s32 v4, v11;
	_ =	sdelay $0x3  }
0x11f: {  	[tilespmem:s20+$0xE0] =	vst v9  }
0x120: {  	v9 =	vld.idx.msk [tilespmem:v10+s14+$0x0], $0xffff;
	_ =	sdelay $0x1  }
0x121: {  	v10 =	vadd.s32 v5, v11;
	_ =	sdelay $0x3  }
0x122: {  	[tilespmem:s20+$0xF0] =	vst v9  }
0x123: {  	v9 =	vld.idx.msk [tilespmem:v10+s14+$0x0], $0xffff;
	_ =	sdelay $0x1  }
0x124: {  	v10 =	vadd.s32 v6, v11;
	_ =	sdelay $0x3  }
0x125: {  	[tilespmem:s20+$0x100] =	vst v9  }
0x126: {  	v9 =	vld.idx.msk [tilespmem:v10+s14+$0x0], $0xffff;
	_ =	sdelay $0x1  }
0x127: {  	v10 =	vadd.s32 v7, v11;
	_ =	sdelay $0x3  }
.Ltmp0:
0x128: {  	[tilespmem:s20+$0x110] =	vst v9;
	(pc) =	sbr.rel @p0 .LBB2_2-.Ltmp0, $3  }
0x129: {  	v9 =	vld.idx.msk [tilespmem:v10+s14+$0x0], $0xffff;
	_ =	sdelay $0x1  }
0x12a: {  	v10 =	vadd.s32 v8, v11  }
0x12b: {  	s22 =	sadd.s32 $0x28, s22  }
0x12c: {  	_ =	sdelay $0x2  }
0x12d: {  	[tilespmem:s20+$0x120] =	vst v9  }
0x12e: {  	v9 =	vld.idx.msk [tilespmem:v10+s14+$0x0], $0xffff;
	_ =	sdelay $0x4  }
0x12f: {  	s21 =	smov.u32 s9;
	[tilespmem:s20+$0x130] =	vst v9;
	s20 =	simm.s32 $0x0  }
.LBB2_4:
0x130: {  	p0 =	sne.s32 s20, $0xF800  }
.Ltmp1:
0x131: {  	_ = 	snop;
	(pc) =	sbr.rel @p0 .LBB2_4-.Ltmp1, $4  }
0x132: {  	s22 =	sshra.s32 s20, $0x2  }
0x133: {  	s22 =	sadd.s32 $0x7D20, s22  }
0x134: {  	[hbm4b:s21+s13] =	stream.strided.scatter [tilespmem:s22], [sflag:$0x2], $0x80, s17, s13, $0x38;
	[tilespmem:$0xFA20] =	vst v63  }
0x135: {  	s20 =	sadd.s32 $0x200, s20;
	s21 =	sadd.s32 $0x400, s21  }
0x136: {  	s20 =	simm.s32 $0x2;
	p0 =	por $0x1, $0x1  }
.LBB2_6:
0x137: {  	p1 =	seq.s32 s20, $0x64  }
0x138: {  	s21 =	sadd.s32 @!p1 s4, s20  }
0x139: {  	s21 =	sshll.u32 @!p1 s21, $0x1  }
0x13a: {  	s22 =	sand.u32 $0x1, s20;
	s21 =	sand.u32 @!p1 $0xFFFFFFE, s21  }
0x13b: {  	s23 =	sshll.u32 @!p1 s22, $0x4;
	s24 =	simm.s32 @!p1 $0x0;
	s21 =	sadd.s32 @!p1 s6, s21  }
0x13c: {  	[tilespmem:s23], [sflag:$0x3] =	stream.linear.gather @!p1 [hbm4b:s21+s24], $0x10, $0x38;
	[tilespmem:$0xFA20] =	vst v63  }
0x13d: {  	s25 =	simm.s32 $0x0;
	s21 =	simm.s32 @!p1 $0x3;
	s24 =	smul.u32 @!p1 $0xFA00, s22  }
0x13e: {  	v9 =	vmov s25;
	_ =	swait.ge @!p1 [sflag:s21], $0x10  }
0x13f: {  	v9 =	vshrl.u32 v9, $0x3;
	[sflag:s21] =	ssyncset.done @!p1 $0x0;
	s24 =	sshrl.u32 @!p1 s24, $0x2  }
0x140: {  	v9 =	vshll.u32 v9, v1;
	[sflag:s21] =	ssyncadd.s32 @!p1 $0xFFFFFFF0;
	s21 =	sor.u32 @!p1 $0x20, s24;
	s24 =	simm.s32 @!p1 $0x10  }
0x141: {  	v9 =	vbroadcast v9, $0x0;
	[tilespmem:s21], [sflag:$0x1] =	stream.indirect.gather @!p1 [hbm4b:s5+s24], $0x3E8, s23, s24, $0xb8;
	[tilespmem:$0xFA20] =	vst v63  }
0x142: {  	_ =	swait.ge [sflag:s16], $0x3E80  }
0x143: {  	v10 =	vadd.s32 v0, v9;
	p1 =	slt.u32 s20, $0x3;
	[sflag:s16] =	ssyncset.done $0x0  }
0x144: {  	s24 =	sxor.u32 $0x1, s22;
	s23 =	simm.s32 @!p1 $0x2;
	[sflag:s16] =	ssyncadd.s32 $0xFFFFC180  }
0x145: {  	s21 =	smul.u32 $0x3E80, s24;
	_ =	swait.ge @!p1 [sflag:s23], $0x3E80  }
0x146: {  	[sflag:s23] =	ssyncset.done @!p1 $0x0  }
0x147: {  	s24 =	simm.s32 $0x1;
	s22 =	sor.u32 $0x20, s21;
	[sflag:s23] =	ssyncadd.s32 @!p1 $0xFFFFC180  }
0x148: {  	s24 =	simm.s32 @!p0 $0x0;
	v10 =	vld.idx.msk [tilespmem:v10+s22+$0x0], $0xffff  }
0x149: {  	v11 =	vadd.s32 v2, v9;
	s25 =	smul.u32 $0xFA00, s24;
	_ =	sdelay $0x1  }
0x14a: {  	s26 =	sshrl.u32 s25, $0x2  }
0x14b: {  	s21 =	sadd.s32 $0x7E60, s26  }
0x14c: {  	[tilespmem:s21+$0xFFFFFEC0] =	vst v10  }
0x14d: {  	v10 =	vld.idx.msk [tilespmem:v11+s22+$0x0], $0xffff  }
0x14e: {  	v11 =	vadd.s32 v3, v9;
	_ =	sdelay $0x3  }
0x14f: {  	[tilespmem:s21+$0xFFFFFED0] =	vst v10  }
0x150: {  	v10 =	vld.idx.msk [tilespmem:v11+s22+$0x0], $0xffff  }
0x151: {  	v11 =	vadd.s32 v4, v9;
	_ =	sdelay $0x3  }
0x152: {  	[tilespmem:s21+$0xFFFFFEE0] =	vst v10  }
0x153: {  	v10 =	vld.idx.msk [tilespmem:v11+s22+$0x0], $0xffff  }
0x154: {  	v11 =	vadd.s32 v5, v9;
	_ =	sdelay $0x3  }
0x155: {  	[tilespmem:s21+$0xFFFFFEF0] =	vst v10  }
0x156: {  	v10 =	vld.idx.msk [tilespmem:v11+s22+$0x0], $0xffff  }
0x157: {  	v11 =	vadd.s32 v6, v9;
	_ =	sdelay $0x3  }
0x158: {  	[tilespmem:s21+$0xFFFFFF00] =	vst v10  }
0x159: {  	v10 =	vld.idx.msk [tilespmem:v11+s22+$0x0], $0xffff  }
0x15a: {  	v11 =	vadd.s32 v7, v9;
	_ =	sdelay $0x3  }
0x15b: {  	[tilespmem:s21+$0xFFFFFF10] =	vst v10  }
0x15c: {  	v10 =	vld.idx.msk [tilespmem:v11+s22+$0x0], $0xffff  }
0x15d: {  	s28 =	simm.s32 $0x8;
	v9 =	vadd.s32 v8, v9  }
0x15e: {  	v11 =	vmov s28  }
0x15f: {  	v11 =	vshrl.u32 v11, $0x3  }
0x160: {  	v11 =	vshll.u32 v11, v1  }
0x161: {  	[tilespmem:s21+$0xFFFFFF20] =	vst v10;
	v10 =	vbroadcast v11, $0x0  }
0x162: {  	v9 =	vld.idx.msk [tilespmem:v9+s22+$0x0], $0xffff  }
0x163: {  	v11 =	vadd.s32 v0, v10;
	_ =	sdelay $0x3  }
0x164: {  	[tilespmem:s21+$0xFFFFFF30] =	vst v9  }
0x165: {  	v9 =	vld.idx.msk [tilespmem:v11+s22+$0x0], $0xffff  }
0x166: {  	v11 =	vadd.s32 v2, v10;
	_ =	sdelay $0x3  }
0x167: {  	[tilespmem:s21+$0xFFFFFF40] =	vst v9  }
0x168: {  	v9 =	vld.idx.msk [tilespmem:v11+s22+$0x0], $0xffff  }
0x169: {  	v11 =	vadd.s32 v3, v10;
	_ =	sdelay $0x3  }
0x16a: {  	[tilespmem:s21+$0xFFFFFF50] =	vst v9  }
0x16b: {  	v9 =	vld.idx.msk [tilespmem:v11+s22+$0x0], $0xffff  }
0x16c: {  	v11 =	vadd.s32 v4, v10;
	_ =	sdelay $0x3  }
0x16d: {  	[tilespmem:s21+$0xFFFFFF60] =	vst v9  }
0x16e: {  	v9 =	vld.idx.msk [tilespmem:v11+s22+$0x0], $0xffff  }
0x16f: {  	v11 =	vadd.s32 v5, v10;
	_ =	sdelay $0x3  }
0x170: {  	[tilespmem:s21+$0xFFFFFF70] =	vst v9  }
0x171: {  	v9 =	vld.idx.msk [tilespmem:v11+s22+$0x0], $0xffff  }
0x172: {  	v11 =	vadd.s32 v6, v10;
	_ =	sdelay $0x3  }
0x173: {  	[tilespmem:s21+$0xFFFFFF80] =	vst v9  }
0x174: {  	v9 =	vld.idx.msk [tilespmem:v11+s22+$0x0], $0xffff  }
0x175: {  	v11 =	vadd.s32 v7, v10;
	_ =	sdelay $0x3  }
0x176: {  	[tilespmem:s21+$0xFFFFFF90] =	vst v9  }
0x177: {  	v9 =	vld.idx.msk [tilespmem:v11+s22+$0x0], $0xffff  }
0x178: {  	s29 =	simm.s32 $0x10;
	v10 =	vadd.s32 v8, v10  }
0x179: {  	v11 =	vmov s29  }
0x17a: {  	v11 =	vshrl.u32 v11, $0x3  }
0x17b: {  	v11 =	vshll.u32 v11, v1  }
0x17c: {  	[tilespmem:s21+$0xFFFFFFA0] =	vst v9;
	v9 =	vbroadcast v11, $0x0  }
0x17d: {  	v10 =	vld.idx.msk [tilespmem:v10+s22+$0x0], $0xffff  }
0x17e: {  	v11 =	vadd.s32 v0, v9;
	_ =	sdelay $0x3  }
0x17f: {  	[tilespmem:s21+$0xFFFFFFB0] =	vst v10  }
0x180: {  	v10 =	vld.idx.msk [tilespmem:v11+s22+$0x0], $0xffff  }
0x181: {  	v11 =	vadd.s32 v2, v9;
	_ =	sdelay $0x3  }
0x182: {  	[tilespmem:s21+$0xFFFFFFC0] =	vst v10  }
0x183: {  	v10 =	vld.idx.msk [tilespmem:v11+s22+$0x0], $0xffff  }
0x184: {  	v11 =	vadd.s32 v3, v9;
	_ =	sdelay $0x3  }
0x185: {  	[tilespmem:s21+$0xFFFFFFD0] =	vst v10  }
0x186: {  	v10 =	vld.idx.msk [tilespmem:v11+s22+$0x0], $0xffff  }
0x187: {  	v11 =	vadd.s32 v4, v9;
	_ =	sdelay $0x3  }
0x188: {  	[tilespmem:s21+$0xFFFFFFE0] =	vst v10  }
0x189: {  	v10 =	vld.idx.msk [tilespmem:v11+s22+$0x0], $0xffff  }
0x18a: {  	v11 =	vadd.s32 v5, v9;
	_ =	sdelay $0x3  }
0x18b: {  	[tilespmem:s21+$0xFFFFFFF0] =	vst v10  }
0x18c: {  	v10 =	vld.idx.msk [tilespmem:v11+s22+$0x0], $0xffff  }
0x18d: {  	v11 =	vadd.s32 v6, v9;
	_ =	sdelay $0x3  }
0x18e: {  	[tilespmem:s21+$0x0] =	vst v10  }
0x18f: {  	v10 =	vld.idx.msk [tilespmem:v11+s22+$0x0], $0xffff  }
0x190: {  	v11 =	vadd.s32 v7, v9;
	_ =	sdelay $0x3  }
0x191: {  	[tilespmem:s21+$0x10] =	vst v10  }
0x192: {  	v10 =	vld.idx.msk [tilespmem:v11+s22+$0x0], $0xffff  }
0x193: {  	s30 =	simm.s32 $0x18;
	v9 =	vadd.s32 v8, v9  }
0x194: {  	v11 =	vmov s30  }
0x195: {  	v11 =	vshrl.u32 v11, $0x3  }
0x196: {  	v11 =	vshll.u32 v11, v1  }
0x197: {  	[tilespmem:s21+$0x20] =	vst v10;
	v10 =	vbroadcast v11, $0x0  }
0x198: {  	v9 =	vld.idx.msk [tilespmem:v9+s22+$0x0], $0xffff  }
0x199: {  	v11 =	vadd.s32 v0, v10;
	_ =	sdelay $0x3  }
0x19a: {  	[tilespmem:s21+$0x30] =	vst v9  }
0x19b: {  	v9 =	vld.idx.msk [tilespmem:v11+s22+$0x0], $0xffff  }
0x19c: {  	v11 =	vadd.s32 v2, v10;
	_ =	sdelay $0x3  }
0x19d: {  	[tilespmem:s21+$0x40] =	vst v9  }
0x19e: {  	v9 =	vld.idx.msk [tilespmem:v11+s22+$0x0], $0xffff  }
0x19f: {  	v11 =	vadd.s32 v3, v10;
	_ =	sdelay $0x3  }
0x1a0: {  	[tilespmem:s21+$0x50] =	vst v9  }
0x1a1: {  	v9 =	vld.idx.msk [tilespmem:v11+s22+$0x0], $0xffff  }
0x1a2: {  	v11 =	vadd.s32 v4, v10;
	_ =	sdelay $0x3  }
0x1a3: {  	[tilespmem:s21+$0x60] =	vst v9  }
0x1a4: {  	v9 =	vld.idx.msk [tilespmem:v11+s22+$0x0], $0xffff  }
0x1a5: {  	v11 =	vadd.s32 v5, v10;
	_ =	sdelay $0x3  }
0x1a6: {  	[tilespmem:s21+$0x70] =	vst v9  }
0x1a7: {  	v9 =	vld.idx.msk [tilespmem:v11+s22+$0x0], $0xffff  }
0x1a8: {  	v11 =	vadd.s32 v6, v10;
	_ =	sdelay $0x3  }
0x1a9: {  	[tilespmem:s21+$0x80] =	vst v9  }
0x1aa: {  	v9 =	vld.idx.msk [tilespmem:v11+s22+$0x0], $0xffff  }
0x1ab: {  	v11 =	vadd.s32 v7, v10;
	_ =	sdelay $0x3  }
0x1ac: {  	[tilespmem:s21+$0x90] =	vst v9  }
0x1ad: {  	v9 =	vld.idx.msk [tilespmem:v11+s22+$0x0], $0xffff  }
0x1ae: {  	s31 =	simm.s32 $0x20;
	v10 =	vadd.s32 v8, v10  }
0x1af: {  	v11 =	vmov s31  }
0x1b0: {  	v11 =	vshrl.u32 v11, $0x3  }
0x1b1: {  	v11 =	vshll.u32 v11, v1  }
0x1b2: {  	[tilespmem:s21+$0xA0] =	vst v9;
	v9 =	vbroadcast v11, $0x0  }
0x1b3: {  	v10 =	vld.idx.msk [tilespmem:v10+s22+$0x0], $0xffff  }
0x1b4: {  	v11 =	vadd.s32 v0, v9;
	_ =	sdelay $0x3  }
0x1b5: {  	[tilespmem:s21+$0xB0] =	vst v10  }
0x1b6: {  	v10 =	vld.idx.msk [tilespmem:v11+s22+$0x0], $0xffff  }
0x1b7: {  	v11 =	vadd.s32 v2, v9;
	_ =	sdelay $0x3  }
0x1b8: {  	[tilespmem:s21+$0xC0] =	vst v10  }
0x1b9: {  	v10 =	vld.idx.msk [tilespmem:v11+s22+$0x0], $0xffff  }
0x1ba: {  	v11 =	vadd.s32 v3, v9;
	_ =	sdelay $0x3  }
0x1bb: {  	[tilespmem:s21+$0xD0] =	vst v10  }
0x1bc: {  	v10 =	vld.idx.msk [tilespmem:v11+s22+$0x0], $0xffff  }
0x1bd: {  	v11 =	vadd.s32 v4, v9;
	_ =	sdelay $0x3  }
0x1be: {  	[tilespmem:s21+$0xE0] =	vst v10  }
0x1bf: {  	v10 =	vld.idx.msk [tilespmem:v11+s22+$0x0], $0xffff  }
0x1c0: {  	v11 =	vadd.s32 v5, v9;
	_ =	sdelay $0x3  }
0x1c1: {  	[tilespmem:s21+$0xF0] =	vst v10  }
0x1c2: {  	v10 =	vld.idx.msk [tilespmem:v11+s22+$0x0], $0xffff  }
0x1c3: {  	v11 =	vadd.s32 v6, v9;
	_ =	sdelay $0x3  }
0x1c4: {  	[tilespmem:s21+$0x100] =	vst v10  }
0x1c5: {  	v10 =	vld.idx.msk [tilespmem:v11+s22+$0x0], $0xffff  }
0x1c6: {  	v11 =	vadd.s32 v7, v9;
	_ =	sdelay $0x3  }
0x1c7: {  	[tilespmem:s21+$0x110] =	vst v10  }
0x1c8: {  	v10 =	vld.idx.msk [tilespmem:v11+s22+$0x0], $0xffff  }
0x1c9: {  	v9 =	vadd.s32 v8, v9  }
0x1ca: {  	s24 =	simm.s32 $0x0;
	s25 =	simm.s32 $0x28;
	s23 =	sadd.s32 $0x7D20, s26  }
.LBB2_7:
0x1cb: {  	v11 =	vmov s25;
	s24 =	sadd.s32 $0x5, s24  }
0x1cc: {  	v11 =	vshrl.u32 v11, $0x3;
	p1 =	slt.u32 s24, $0x78  }
0x1cd: {  	v11 =	vshll.u32 v11, v1;
	[tilespmem:s21+$0x120] =	vst v10  }
0x1ce: {  	v10 =	vbroadcast v11, $0x0;
	v9 =	vld.idx.msk [tilespmem:v9+s22+$0x0], $0xffff;
	_ =	sdelay $0x1  }
0x1cf: {  	v11 =	vadd.s32 v0, v10;
	_ =	sdelay $0x3  }
0x1d0: {  	[tilespmem:s21+$0x130] =	vst v9  }
0x1d1: {  	v9 =	vld.idx.msk [tilespmem:v11+s22+$0x0], $0xffff;
	_ =	sdelay $0x1  }
0x1d2: {  	v11 =	vadd.s32 v2, v10;
	_ =	sdelay $0x2  }
0x1d3: {  	s21 =	sadd.s32 $0x280, s21  }
0x1d4: {  	[tilespmem:s21+$0xFFFFFEC0] =	vst v9  }
0x1d5: {  	v9 =	vld.idx.msk [tilespmem:v11+s22+$0x0], $0xffff;
	_ =	sdelay $0x1  }
0x1d6: {  	v11 =	vadd.s32 v3, v10;
	_ =	sdelay $0x3  }
0x1d7: {  	[tilespmem:s21+$0xFFFFFED0] =	vst v9  }
0x1d8: {  	v9 =	vld.idx.msk [tilespmem:v11+s22+$0x0], $0xffff;
	_ =	sdelay $0x1  }
0x1d9: {  	v11 =	vadd.s32 v4, v10;
	_ =	sdelay $0x3  }
0x1da: {  	[tilespmem:s21+$0xFFFFFEE0] =	vst v9  }
0x1db: {  	v9 =	vld.idx.msk [tilespmem:v11+s22+$0x0], $0xffff;
	_ =	sdelay $0x1  }
0x1dc: {  	v11 =	vadd.s32 v5, v10;
	_ =	sdelay $0x3  }
0x1dd: {  	[tilespmem:s21+$0xFFFFFEF0] =	vst v9  }
0x1de: {  	v9 =	vld.idx.msk [tilespmem:v11+s22+$0x0], $0xffff;
	_ =	sdelay $0x1  }
0x1df: {  	v11 =	vadd.s32 v6, v10;
	_ =	sdelay $0x3  }
0x1e0: {  	[tilespmem:s21+$0xFFFFFF00] =	vst v9  }
0x1e1: {  	v9 =	vld.idx.msk [tilespmem:v11+s22+$0x0], $0xffff;
	_ =	sdelay $0x1  }
0x1e2: {  	v11 =	vadd.s32 v7, v10;
	_ =	sdelay $0x3  }
0x1e3: {  	[tilespmem:s21+$0xFFFFFF10] =	vst v9  }
0x1e4: {  	v9 =	vld.idx.msk [tilespmem:v11+s22+$0x0], $0xffff;
	_ =	sdelay $0x1  }
0x1e5: {  	v10 =	vadd.s32 v8, v10  }
0x1e6: {  	s26 =	sadd.s32 $0x8, s25  }
0x1e7: {  	v11 =	vmov s26  }
0x1e8: {  	v11 =	vshrl.u32 v11, $0x3  }
0x1e9: {  	[tilespmem:s21+$0xFFFFFF20] =	vst v9;
	v9 =	vshll.u32 v11, v1  }
0x1ea: {  	v10 =	vld.idx.msk [tilespmem:v10+s22+$0x0], $0xffff;
	v9 =	vbroadcast v9, $0x0;
	_ =	sdelay $0x1  }
0x1eb: {  	v11 =	vadd.s32 v0, v9;
	_ =	sdelay $0x3  }
0x1ec: {  	[tilespmem:s21+$0xFFFFFF30] =	vst v10  }
0x1ed: {  	v10 =	vld.idx.msk [tilespmem:v11+s22+$0x0], $0xffff;
	_ =	sdelay $0x1  }
0x1ee: {  	v11 =	vadd.s32 v2, v9;
	_ =	sdelay $0x3  }
0x1ef: {  	[tilespmem:s21+$0xFFFFFF40] =	vst v10  }
0x1f0: {  	v10 =	vld.idx.msk [tilespmem:v11+s22+$0x0], $0xffff;
	_ =	sdelay $0x1  }
0x1f1: {  	v11 =	vadd.s32 v3, v9;
	_ =	sdelay $0x3  }
0x1f2: {  	[tilespmem:s21+$0xFFFFFF50] =	vst v10  }
0x1f3: {  	v10 =	vld.idx.msk [tilespmem:v11+s22+$0x0], $0xffff;
	_ =	sdelay $0x1  }
0x1f4: {  	v11 =	vadd.s32 v4, v9;
	_ =	sdelay $0x3  }
0x1f5: {  	[tilespmem:s21+$0xFFFFFF60] =	vst v10  }
0x1f6: {  	v10 =	vld.idx.msk [tilespmem:v11+s22+$0x0], $0xffff;
	_ =	sdelay $0x1  }
0x1f7: {  	v11 =	vadd.s32 v5, v9;
	_ =	sdelay $0x3  }
0x1f8: {  	[tilespmem:s21+$0xFFFFFF70] =	vst v10  }
0x1f9: {  	v10 =	vld.idx.msk [tilespmem:v11+s22+$0x0], $0xffff;
	_ =	sdelay $0x1  }
0x1fa: {  	v11 =	vadd.s32 v6, v9;
	_ =	sdelay $0x3  }
0x1fb: {  	[tilespmem:s21+$0xFFFFFF80] =	vst v10  }
0x1fc: {  	v10 =	vld.idx.msk [tilespmem:v11+s22+$0x0], $0xffff;
	_ =	sdelay $0x1  }
0x1fd: {  	v11 =	vadd.s32 v7, v9;
	_ =	sdelay $0x3  }
0x1fe: {  	[tilespmem:s21+$0xFFFFFF90] =	vst v10  }
0x1ff: {  	v10 =	vld.idx.msk [tilespmem:v11+s22+$0x0], $0xffff;
	_ =	sdelay $0x1  }
0x200: {  	v9 =	vadd.s32 v8, v9  }
0x201: {  	s26 =	sadd.s32 $0x10, s25  }
0x202: {  	v11 =	vmov s26  }
0x203: {  	v11 =	vshrl.u32 v11, $0x3  }
0x204: {  	[tilespmem:s21+$0xFFFFFFA0] =	vst v10;
	v10 =	vshll.u32 v11, v1  }
0x205: {  	v9 =	vld.idx.msk [tilespmem:v9+s22+$0x0], $0xffff;
	v10 =	vbroadcast v10, $0x0;
	_ =	sdelay $0x1  }
0x206: {  	v11 =	vadd.s32 v0, v10;
	_ =	sdelay $0x3  }
0x207: {  	[tilespmem:s21+$0xFFFFFFB0] =	vst v9  }
0x208: {  	v9 =	vld.idx.msk [tilespmem:v11+s22+$0x0], $0xffff;
	_ =	sdelay $0x1  }
0x209: {  	v11 =	vadd.s32 v2, v10;
	_ =	sdelay $0x3  }
0x20a: {  	[tilespmem:s21+$0xFFFFFFC0] =	vst v9  }
0x20b: {  	v9 =	vld.idx.msk [tilespmem:v11+s22+$0x0], $0xffff;
	_ =	sdelay $0x1  }
0x20c: {  	v11 =	vadd.s32 v3, v10;
	_ =	sdelay $0x3  }
0x20d: {  	[tilespmem:s21+$0xFFFFFFD0] =	vst v9  }
0x20e: {  	v9 =	vld.idx.msk [tilespmem:v11+s22+$0x0], $0xffff;
	_ =	sdelay $0x1  }
0x20f: {  	v11 =	vadd.s32 v4, v10;
	_ =	sdelay $0x3  }
0x210: {  	[tilespmem:s21+$0xFFFFFFE0] =	vst v9  }
0x211: {  	v9 =	vld.idx.msk [tilespmem:v11+s22+$0x0], $0xffff;
	_ =	sdelay $0x1  }
0x212: {  	v11 =	vadd.s32 v5, v10;
	_ =	sdelay $0x3  }
0x213: {  	[tilespmem:s21+$0xFFFFFFF0] =	vst v9  }
0x214: {  	v9 =	vld.idx.msk [tilespmem:v11+s22+$0x0], $0xffff;
	_ =	sdelay $0x1  }
0x215: {  	v11 =	vadd.s32 v6, v10;
	_ =	sdelay $0x3  }
0x216: {  	[tilespmem:s21+$0x0] =	vst v9  }
0x217: {  	v9 =	vld.idx.msk [tilespmem:v11+s22+$0x0], $0xffff;
	_ =	sdelay $0x1  }
0x218: {  	v11 =	vadd.s32 v7, v10;
	_ =	sdelay $0x3  }
0x219: {  	[tilespmem:s21+$0x10] =	vst v9  }
0x21a: {  	v9 =	vld.idx.msk [tilespmem:v11+s22+$0x0], $0xffff;
	_ =	sdelay $0x1  }
0x21b: {  	v10 =	vadd.s32 v8, v10  }
0x21c: {  	s26 =	sadd.s32 $0x18, s25  }
0x21d: {  	v11 =	vmov s26  }
0x21e: {  	v11 =	vshrl.u32 v11, $0x3  }
0x21f: {  	[tilespmem:s21+$0x20] =	vst v9;
	v9 =	vshll.u32 v11, v1  }
0x220: {  	v10 =	vld.idx.msk [tilespmem:v10+s22+$0x0], $0xffff;
	v9 =	vbroadcast v9, $0x0;
	_ =	sdelay $0x1  }
0x221: {  	v11 =	vadd.s32 v0, v9;
	_ =	sdelay $0x3  }
0x222: {  	[tilespmem:s21+$0x30] =	vst v10  }
0x223: {  	v10 =	vld.idx.msk [tilespmem:v11+s22+$0x0], $0xffff;
	_ =	sdelay $0x1  }
0x224: {  	v11 =	vadd.s32 v2, v9;
	_ =	sdelay $0x3  }
0x225: {  	[tilespmem:s21+$0x40] =	vst v10  }
0x226: {  	v10 =	vld.idx.msk [tilespmem:v11+s22+$0x0], $0xffff;
	_ =	sdelay $0x1  }
0x227: {  	v11 =	vadd.s32 v3, v9;
	_ =	sdelay $0x3  }
0x228: {  	[tilespmem:s21+$0x50] =	vst v10  }
0x229: {  	v10 =	vld.idx.msk [tilespmem:v11+s22+$0x0], $0xffff;
	_ =	sdelay $0x1  }
0x22a: {  	v11 =	vadd.s32 v4, v9;
	_ =	sdelay $0x3  }
0x22b: {  	[tilespmem:s21+$0x60] =	vst v10  }
0x22c: {  	v10 =	vld.idx.msk [tilespmem:v11+s22+$0x0], $0xffff;
	_ =	sdelay $0x1  }
0x22d: {  	v11 =	vadd.s32 v5, v9;
	_ =	sdelay $0x3  }
0x22e: {  	[tilespmem:s21+$0x70] =	vst v10  }
0x22f: {  	v10 =	vld.idx.msk [tilespmem:v11+s22+$0x0], $0xffff;
	_ =	sdelay $0x1  }
0x230: {  	v11 =	vadd.s32 v6, v9;
	_ =	sdelay $0x3  }
0x231: {  	[tilespmem:s21+$0x80] =	vst v10  }
0x232: {  	v10 =	vld.idx.msk [tilespmem:v11+s22+$0x0], $0xffff;
	_ =	sdelay $0x1  }
0x233: {  	v11 =	vadd.s32 v7, v9;
	_ =	sdelay $0x3  }
0x234: {  	[tilespmem:s21+$0x90] =	vst v10  }
0x235: {  	v10 =	vld.idx.msk [tilespmem:v11+s22+$0x0], $0xffff;
	_ =	sdelay $0x1  }
0x236: {  	v9 =	vadd.s32 v8, v9  }
0x237: {  	s26 =	sadd.s32 $0x20, s25  }
0x238: {  	v11 =	vmov s26  }
0x239: {  	v11 =	vshrl.u32 v11, $0x3  }
0x23a: {  	[tilespmem:s21+$0xA0] =	vst v10;
	v10 =	vshll.u32 v11, v1  }
0x23b: {  	v9 =	vld.idx.msk [tilespmem:v9+s22+$0x0], $0xffff;
	v11 =	vbroadcast v10, $0x0;
	_ =	sdelay $0x1  }
0x23c: {  	v10 =	vadd.s32 v0, v11;
	_ =	sdelay $0x3  }
0x23d: {  	[tilespmem:s21+$0xB0] =	vst v9  }
0x23e: {  	v9 =	vld.idx.msk [tilespmem:v10+s22+$0x0], $0xffff;
	_ =	sdelay $0x1  }
0x23f: {  	v10 =	vadd.s32 v2, v11;
	_ =	sdelay $0x3  }
0x240: {  	[tilespmem:s21+$0xC0] =	vst v9  }
0x241: {  	v9 =	vld.idx.msk [tilespmem:v10+s22+$0x0], $0xffff;
	_ =	sdelay $0x1  }
0x242: {  	v10 =	vadd.s32 v3, v11;
	_ =	sdelay $0x3  }
0x243: {  	[tilespmem:s21+$0xD0] =	vst v9  }
0x244: {  	v9 =	vld.idx.msk [tilespmem:v10+s22+$0x0], $0xffff;
	_ =	sdelay $0x1  }
0x245: {  	v10 =	vadd.s32 v4, v11;
	_ =	sdelay $0x3  }
0x246: {  	[tilespmem:s21+$0xE0] =	vst v9  }
0x247: {  	v9 =	vld.idx.msk [tilespmem:v10+s22+$0x0], $0xffff;
	_ =	sdelay $0x1  }
0x248: {  	v10 =	vadd.s32 v5, v11;
	_ =	sdelay $0x3  }
0x249: {  	[tilespmem:s21+$0xF0] =	vst v9  }
0x24a: {  	v9 =	vld.idx.msk [tilespmem:v10+s22+$0x0], $0xffff;
	_ =	sdelay $0x1  }
0x24b: {  	v10 =	vadd.s32 v6, v11;
	_ =	sdelay $0x3  }
0x24c: {  	[tilespmem:s21+$0x100] =	vst v9  }
0x24d: {  	v9 =	vld.idx.msk [tilespmem:v10+s22+$0x0], $0xffff;
	_ =	sdelay $0x1  }
0x24e: {  	v10 =	vadd.s32 v7, v11;
	_ =	sdelay $0x3  }
.Ltmp2:
0x24f: {  	[tilespmem:s21+$0x110] =	vst v9;
	(pc) =	sbr.rel @p1 .LBB2_7-.Ltmp2, $3  }
0x250: {  	v10 =	vld.idx.msk [tilespmem:v10+s22+$0x0], $0xffff;
	_ =	sdelay $0x1  }
0x251: {  	v9 =	vadd.s32 v8, v11  }
0x252: {  	s25 =	sadd.s32 $0x28, s25  }
0x253: {  	_ =	sdelay $0x1  }
0x254: {  	s24 =	sadd.s32 s20, s10  }
0x255: {  	[tilespmem:s21+$0x120] =	vst v10;
	s25 =	sshrl.u32 s24, $0x6  }
0x256: {  	s30 =	sshll.u32 s24, $0x7;
	v9 =	vld.idx.msk [tilespmem:v9+s22+$0x0], $0xffff;
	s29 =	smul.u32 $0xFA000, s25  }
0x257: {  	s24 =	sshll.u32 s24, $0x4;
	s25 =	sand.u32 $0x1C00, s30  }
0x258: {  	s24 =	sand.u32 $0x70, s24;
	s22 =	sor.u32 s29, s25  }
0x259: {  	s22 =	sor.u32 s24, s22  }
0x25a: {  	s22 =	sshrl.u32 s22, $0x3  }
0x25b: {  	s31 =	sadd.s32 $0x0, s23;
	[tilespmem:s21+$0x130] =	vst v9;
	s21 =	sadd.s32 s2, s22;
	s22 =	simm.s32 $0x200  }
0x25c: {  	[hbm4b:s21+s13] =	stream.strided.scatter [tilespmem:s31], [sflag:$0x2], $0x80, s17, s13, $0x38;
	[tilespmem:$0xFA20] =	vst v63  }
.LBB2_9:
0x25d: {  	p1 =	sne.s32 s22, $0xF800  }
.Ltmp3:
0x25e: {  	_ = 	snop;
	(pc) =	sbr.rel @p1 .LBB2_9-.Ltmp3, $4  }
0x25f: {  	_ = 	snop  }
0x260: {  	s24 =	sshra.s32 s22, $0x2;
	s22 =	sadd.s32 $0x200, s22  }
0x261: {  	s21 =	sadd.s32 $0x400, s21;
	s24 =	sadd.s32 s24, s23  }
0x262: {  	[hbm4b:s21+s13] =	stream.strided.scatter [tilespmem:s24], [sflag:$0x2], $0x80, s17, s13, $0x38;
	[tilespmem:$0xFA20] =	vst v63  }
0x263: {  	s20 =	sadd.s32 $0x1, s20  }
0x264: {  	p1 =	sne.s32 s20, $0x65  }
.Ltmp4:
0x265: {  	_ = 	snop;
	(pc) =	sbr.rel @p1 .LBB2_6-.Ltmp4, $2  }
0x266: {  	_ =	sdelay $0x2  }
0x267: {  	p0 =	por !p0, !p0  }
0x268: {  	s19 =	sadd.s32 $0x1, s19  }
0x269: {  	_ =	swait.ge [sflag:s18], $0x3E80;
	p0 =	sne.s32 s19, s11  }
.Ltmp5:
0x26a: {  	[sflag:s18] =	ssyncset.done $0x0;
	(pc) =	sbr.rel @p0 .LBB2_1-.Ltmp5, $4  }
0x26b: {  	[sflag:s18] =	ssyncadd.s32 $0xFFFFC180  }
0x26c: {  	_ =	swait.ge [sflag:s18], $0x3E80  }
0x26d: {  	[sflag:s18] =	ssyncset.done $0x0  }
0x26e: {  	[sflag:s18] =	ssyncadd.s32 $0xFFFFC180  }
0x26f: {  	_ =	sfence.sel $0x180000  }
0x270: {  	[bflag:$0x0] =	sbarrier.arrive $0xFFFF  }
0x271: {  	p0 =	sne.s32 s0, $0x0;
	_ =	strace $0x90000047  }
0x272: {  	s0 =	sadd.s32 @!p0 $0x100000, s1;
	[bflag:$0x2] =	sbarrier.arrive $0xFFFF  }
0x273: {  	[sflag:s0] =	ssyncadd.tile.s32 @!p0 $0x1;
	_ =	shalt  }
.Lfunc_end2:
_tile_overlayer_lowered:
.L_overlay_start_2:
0x274: {  	(tag) =	ssettag $0x2  }
0x275: {  	s0 =	rddreg [dreg:$0x0];
	s2 =	stileid.u32  }
0x276: {  	s1 =	rddreg [dreg:$0x1];
	p0 =	sne.s32 s2, $0x0  }
0x277: {  	s3 =	rddreg [dreg:$0x2];
	[bflag:$0x3] =	sbarrier.arrive $0xFFFF;
	s2 =	simm.s32 @!p0 $0x1C03  }
0x278: {  	[timem:s3], [sflag:s2] =	dma.local @!p0 [hbm:s0], s1  }
0x279: {  	s0 =	simm.s32 @!p0 $0x3  }
0x27a: {  	_ =	swait.ge @!p0 [sflag:s0], s1  }
0x27b: {  	s1 =	ssub.s32 @!p0 $0x0, s1;
	[sflag:s0] =	ssyncset.done @!p0 $0x0  }
0x27c: {  	[sflag:s0] =	ssyncadd.s32 @!p0 s1  }
0x27d: {  	[bflag:$0x3] =	sbarrier.arrive $0xFFFF  }
0x27e: {  	_ =	shalt  }

</sc_bundles>
